<compile_context>
chip_gen: v7x
topology: tpu7x:2x2x1
jax: 0.10.2.dev20260603
libtpu: 0.0.44.dev20260713+nightly
codegen_flags: <defaults>
</compile_context>

<pallas_src>
import functools

import jax
import jax.numpy as jnp
from jax import lax
from jax.experimental import pallas as pl
from jax.experimental.pallas import tpu as pltpu
from jax.experimental.pallas import tpu_sc as plsc

B = 16384
VOCAB = 100000
EMB = 32
NCOLS = 11
OTHERS = 128
NW = 32
BPW = B // NW
CHUNK = 128
NCHUNK = BPW // CHUNK
VROWS = NCOLS * B * EMB // 128
RPP = B * EMB // 128


def _sc_gather(idx, table, cols):
    nc = len(cols)
    mesh = plsc.VectorSubcoreMesh(core_axis_name="c", subcore_axis_name="s")

    @functools.partial(
        pl.kernel,
        out_type=jax.ShapeDtypeStruct((nc * B, EMB), jnp.float32),
        mesh=mesh,
        scratch_types=[
            pltpu.VMEM((nc * BPW,), jnp.int32),
            pltpu.VMEM((BPW, EMB), jnp.float32),
            pltpu.VMEM((BPW, EMB), jnp.float32),
            pltpu.SemaphoreType.DMA,
            pltpu.SemaphoreType.DMA,
            pltpu.SemaphoreType.DMA,
        ],
        compiler_params=pltpu.CompilerParams(use_tc_tiling_on_sc=False),
    )
    def k(tab_hbm, idx_hbm, out_hbm, idx_v, buf0, buf1, gsem, wsem0, wsem1):
        wid = lax.axis_index("s") * 2 + lax.axis_index("c")
        base = wid * BPW
        idx_cps = [pltpu.async_copy(
            idx_hbm.at[pl.ds(c * B + base, BPW)],
            idx_v.at[pl.ds(p * BPW, BPW)], gsem)
            for p, c in enumerate(cols)]
        for cp in idx_cps:
            cp.wait()
        bufs = [buf0, buf1]
        wsems = [wsem0, wsem1]
        pending = [None, None]
        for p in range(nc):
            par = p % 2
            buf = bufs[par]
            if pending[par] is not None:
                pending[par].wait()
            gathers = []
            for j in range(NCHUNK):
                gathers.append(pltpu.async_copy(
                    tab_hbm.at[idx_v.at[pl.ds(p * BPW + j * CHUNK, CHUNK)]],
                    buf.at[pl.ds(j * CHUNK, CHUNK)],
                    gsem))
            for cp in gathers:
                cp.wait()
            pending[par] = pltpu.async_copy(
                buf, out_hbm.at[pl.ds(p * B + base, BPW)], wsems[par])
        for par in range(2):
            if pending[par] is not None:
                pending[par].wait()

    return k(table, idx)


def _tc_untile(tab_t):
    bc = 4096

    def body(x_ref, o_ref):
        t = jnp.transpose(x_ref[...])
        t3 = t.reshape(bc // 4, 4, EMB)
        for g in range(4):
            o_ref[:, g * EMB:(g + 1) * EMB] = t3[:, g, :]

    return pl.pallas_call(
        body,
        grid=(pl.cdiv(VOCAB, bc),),
        in_specs=[pl.BlockSpec((EMB, bc), lambda i: (0, i))],
        out_specs=pl.BlockSpec((bc // 4, 128), lambda i: (i, 0)),
        out_shape=jax.ShapeDtypeStruct((VOCAB // 4, 128), jnp.float32),
    )(tab_t)


def _tc_head(emb_view, others, bd, wo, b4):
    bm = 2048
    bv = bm // 4

    def body(*refs):
        emb_refs = refs[:NCOLS]
        oth_ref, bd_ref, wo_ref, b4_ref, out_ref = refs[NCOLS:]
        acc = jnp.dot(emb_refs[0][...], bd_ref[0],
                      preferred_element_type=jnp.float32)
        for c in range(1, NCOLS):
            acc = acc + jnp.dot(emb_refs[c][...], bd_ref[c],
                                preferred_element_type=jnp.float32)
        acc = acc + jnp.dot(oth_ref[...], wo_ref[...],
                            preferred_element_type=jnp.float32)
        out_ref[...] = jnp.maximum(acc + b4_ref[0], 0.0)

    views, locals_ = zip(*emb_view)
    emb_specs = [
        pl.BlockSpec((bv, 128), functools.partial(
            lambda i, p: (p * (RPP // bv) + i, 0), p=p))
        for p in locals_
    ]
    return pl.pallas_call(
        body,
        grid=(B // bm,),
        in_specs=emb_specs + [
            pl.BlockSpec((bv, 4 * OTHERS), lambda i: (i, 0)),
            pl.BlockSpec((NCOLS, 128, 128), lambda i: (0, 0, 0)),
            pl.BlockSpec((4 * OTHERS, 128), lambda i: (0, 0)),
            pl.BlockSpec((1, 128), lambda i: (0, 0)),
        ],
        out_specs=pl.BlockSpec((bv, 128), lambda i: (i, 0)),
        out_shape=jax.ShapeDtypeStruct((B * EMB // 128, 128), jnp.float32),
    )(*views, others, bd, wo, b4)


def kernel(state, species_table, item_table, ability_table, move_table, W, b):
    idx = state[:, :NCOLS].astype(jnp.int32).T.reshape(-1)
    others = state[:, NCOLS:].reshape(B // 4, 4 * OTHERS)
    Wt = W.T
    eye4 = jnp.eye(4, dtype=jnp.float32)
    scales = [1.0, 1.0, 1.0] + [0.25] * 8
    bd = jnp.stack([
        jnp.kron(eye4, Wt[c * EMB:(c + 1) * EMB] * scales[c])
        for c in range(3)] + [
        jnp.kron(eye4, Wt[3 * EMB:4 * EMB] * 0.25) for _ in range(4)] + [
        jnp.kron(eye4, Wt[4 * EMB:5 * EMB] * 0.25) for _ in range(4)])
    wo = jnp.kron(eye4, Wt[5 * EMB:])
    b4 = jnp.tile(b, 4).reshape(1, 128)
    tab_ab = _tc_untile(ability_table.T).reshape(VOCAB, EMB)
    tab_mv = _tc_untile(move_table.T).reshape(VOCAB, EMB)
    tab_sp = _tc_untile(species_table.T).reshape(VOCAB, EMB)
    tab_it = _tc_untile(item_table.T).reshape(VOCAB, EMB)
    emb_ab = _sc_gather(idx, tab_ab, [2, 3, 4, 5, 6]).reshape(-1, 128)
    emb_mv = _sc_gather(idx, tab_mv, [7, 8, 9, 10]).reshape(-1, 128)
    emb_sp = _sc_gather(idx, tab_sp, [0]).reshape(-1, 128)
    emb_it = _sc_gather(idx, tab_it, [1]).reshape(-1, 128)
    plane_views = ([(emb_sp, 0), (emb_it, 0)]
                   + [(emb_ab, p) for p in range(5)]
                   + [(emb_mv, p) for p in range(4)])
    out_view = _tc_head(plane_views, others, bd, wo, b4)
    return out_view.reshape(B, EMB)

# --- scband reference (transcript-rebuilt; emitter-appended) ---
"""Pipeline reference for scband-pokemon-model-498216206577 (READ-ONLY COPY).

The authoritative reference and input builder live on the scoring server;
editing this copy changes nothing except your own understanding.
"""

import jax, jax.numpy as jnp
import numpy as np

B = 16384
VOCAB = 100000
EMB = 32
OTHERS = 128
IN_FEATURES = EMB * 5 + OTHERS


def setup_inputs(seed: int = 0) -> dict:
    key = jax.random.key(seed)
    k_idx, k_oth, k_sp, k_it, k_ab, k_mv, k_w, k_b = jax.random.split(key, 8)
    # first 11 columns are integer ids stored as floats; rest are dense features
    idx = jax.random.randint(k_idx, (B, 11), 0, VOCAB).astype(jnp.float32)
    others = jax.random.normal(k_oth, (B, OTHERS), dtype=jnp.float32)
    state = jnp.concatenate([idx, others], axis=1)
    species_table = jax.random.normal(k_sp, (VOCAB, EMB), dtype=jnp.float32) * 0.02
    item_table = jax.random.normal(k_it, (VOCAB, EMB), dtype=jnp.float32) * 0.02
    ability_table = jax.random.normal(k_ab, (VOCAB, EMB), dtype=jnp.float32) * 0.02
    move_table = jax.random.normal(k_mv, (VOCAB, EMB), dtype=jnp.float32) * 0.02
    W = jax.random.normal(k_w, (EMB, IN_FEATURES), dtype=jnp.float32) * 0.02
    b = jnp.zeros((EMB,), dtype=jnp.float32)
    return {"state": state, "species_table": species_table, "item_table": item_table,
            "ability_table": ability_table, "move_table": move_table, "W": W, "b": b}


def reference(state, species_table, item_table, ability_table, move_table, W, b):
    idx = state[:, :11].astype(jnp.int32)
    others = state[:, 11:]
    species_embedded = jnp.take(species_table, idx[:, 0], axis=0)
    item_embedded = jnp.take(item_table, idx[:, 1], axis=0)
    ability_embedded = jnp.take(ability_table, idx[:, 2], axis=0)
    pa1 = jnp.take(ability_table, idx[:, 3], axis=0)
    pa2 = jnp.take(ability_table, idx[:, 4], axis=0)
    pa3 = jnp.take(ability_table, idx[:, 5], axis=0)
    pa4 = jnp.take(ability_table, idx[:, 6], axis=0)
    average_abilities = jnp.stack([pa1, pa2, pa3, pa4]).mean(axis=0)
    m1 = jnp.take(move_table, idx[:, 7], axis=0)
    m2 = jnp.take(move_table, idx[:, 8], axis=0)
    m3 = jnp.take(move_table, idx[:, 9], axis=0)
    m4 = jnp.take(move_table, idx[:, 10], axis=0)
    average_moves = jnp.stack([m1, m2, m3, m4]).mean(axis=0)
    pokemon_embedded = jnp.concatenate([species_embedded, item_embedded, ability_embedded,
                                        average_abilities, average_moves, others], axis=1)
    out = jax.nn.relu(pokemon_embedded @ W.T + b)
    return out

if __name__ == "__main__":
    import jax
    _d = setup_inputs()
    print(jax.jit(kernel)(*tuple(_d.values())))

</pallas_src>

<mosaic_0001>
#map = affine_map<(d0, d1) -> (0, 0)>
#map1 = affine_map<(d0, d1) -> (0)>
module attributes {stable_mosaic.version = 14 : i64} {
  func.func @k(%arg0: i32, %arg1: i32, %arg2: memref<100000x32xf32, #tpu.memory_space<hbm>>, %arg3: memref<180224xi32, #tpu.memory_space<hbm>>, %arg4: memref<16384x32xf32, #tpu.memory_space<hbm>>, %arg5: memref<512xi32, #tpu.memory_space<vmem>>, %arg6: memref<512x32xf32, #tpu.memory_space<vmem>>, %arg7: memref<512x32xf32, #tpu.memory_space<vmem>>, %arg8: memref<!tpu.dma_semaphore, #tpu.memory_space<semaphore_mem>>, %arg9: memref<!tpu.dma_semaphore, #tpu.memory_space<semaphore_mem>>, %arg10: memref<!tpu.dma_semaphore, #tpu.memory_space<semaphore_mem>>) attributes {dimension_semantics = [#tpu.dimension_semantics<core_parallel>, #tpu.dimension_semantics<subcore_parallel>], iteration_bounds = array<i64: 2, 16>, scalar_prefetch = 0 : i64, scratch_operands = 6 : i64, tpu.core_type = #tpu.core_type<sc_vector_subcore>, window_params = [{transform_indices = #map}, {transform_indices = #map1}, {transform_indices = #map}]} {
    %mul3A = arith.constant 2 : i32
    %mul3A_0 = arith.muli %arg1, %mul3A : i32
    %add3A = arith.addi %mul3A_0, %arg0 : i32
    %mul3A_1 = arith.constant 512 : i32
    %mul3A_2 = arith.muli %add3A, %mul3A_1 : i32
    %add3A_3 = arith.constant 0 : i32
    %add3A_4 = arith.addi %add3A_3, %mul3A_2 : i32
    %dma_start3A = arith.constant 0 : i32
    %dma_start3A_5 = tpu.memref_slice %arg5[%dma_start3A] : memref<512xi32, #tpu.memory_space<vmem>> -> memref<512xi32, #tpu.memory_space<vmem>>
    %dma_start3A_6 = tpu.memref_slice %arg3[%add3A_4] : memref<180224xi32, #tpu.memory_space<hbm>> -> memref<512xi32, #tpu.memory_space<hbm>>
    %dma_start3A_7 = arith.constant 0 : i32
    %dma_start3A_8 = tpu.memref_slice %arg5[%dma_start3A_7] : memref<512xi32, #tpu.memory_space<vmem>> -> memref<512xi32, #tpu.memory_space<vmem>>
    %dma_start3A_9 = tpu.memref_slice %arg3[%add3A_4] : memref<180224xi32, #tpu.memory_space<hbm>> -> memref<512xi32, #tpu.memory_space<hbm>>
    tpu.enqueue_dma source(%dma_start3A_9 : memref<512xi32, #tpu.memory_space<hbm>>) target(%dma_start3A_8 : memref<512xi32, #tpu.memory_space<vmem>>) target_semaphore(%arg8 : memref<!tpu.dma_semaphore, #tpu.memory_space<semaphore_mem>>)
    %dma_wait3A = arith.constant 0 : i32
    %dma_wait3A_10 = tpu.memref_slice %arg5[%dma_wait3A] : memref<512xi32, #tpu.memory_space<vmem>> -> memref<512xi32, #tpu.memory_space<vmem>>
    %dma_wait3A_11 = tpu.memref_slice %arg3[%add3A_4] : memref<180224xi32, #tpu.memory_space<hbm>> -> memref<512xi32, #tpu.memory_space<hbm>>
    %dma_wait3A_12 = arith.constant 0 : i32
    %dma_wait3A_13 = tpu.memref_slice %arg5[%dma_wait3A_12] : memref<512xi32, #tpu.memory_space<vmem>> -> memref<512xi32, #tpu.memory_space<vmem>>
    %dma_wait3A_14 = tpu.memref_slice %arg3[%add3A_4] : memref<180224xi32, #tpu.memory_space<hbm>> -> memref<512xi32, #tpu.memory_space<hbm>>
    tpu.wait_dma2 semaphore(%arg8 : memref<!tpu.dma_semaphore, #tpu.memory_space<semaphore_mem>>) src(%dma_wait3A_14 : memref<512xi32, #tpu.memory_space<hbm>>) dst(%dma_wait3A_13 : memref<512xi32, #tpu.memory_space<vmem>>)
    %dma_start3A_15 = arith.constant 0 : i32
    %dma_start3A_16 = arith.constant 0 : i32
    %dma_start3A_17 = tpu.memref_slice %arg6[%dma_start3A_15, %dma_start3A_16] : memref<512x32xf32, #tpu.memory_space<vmem>> -> memref<128x32xf32, #tpu.memory_space<vmem>>
    %dma_start3A_18 = arith.constant 0 : i32
    %dma_start3A_19 = tpu.memref_slice %arg5[%dma_start3A_18] : memref<512xi32, #tpu.memory_space<vmem>> -> memref<128xi32, #tpu.memory_space<vmem>>
    %dma_start3A_20 = arith.constant 0 : i32
    %dma_start3A_21 = arith.constant 0 : i32
    %dma_start3A_22 = tpu.memref_slice %arg2[%dma_start3A_20, %dma_start3A_21] : memref<100000x32xf32, #tpu.memory_space<hbm>> -> memref<100000x32xf32, #tpu.memory_space<hbm>>
    tpu.enqueue_indirect_dma source(%dma_start3A_22 : memref<100000x32xf32, #tpu.memory_space<hbm>>) target(%dma_start3A_17 : memref<128x32xf32, #tpu.memory_space<vmem>>) offsets(%dma_start3A_19 : memref<128xi32, #tpu.memory_space<vmem>>) semaphore(%arg8 : memref<!tpu.dma_semaphore, #tpu.memory_space<semaphore_mem>>)
    %dma_start3A_23 = arith.constant 128 : i32
    %dma_start3A_24 = arith.constant 0 : i32
    %dma_start3A_25 = tpu.memref_slice %arg6[%dma_start3A_23, %dma_start3A_24] : memref<512x32xf32, #tpu.memory_space<vmem>> -> memref<128x32xf32, #tpu.memory_space<vmem>>
    %dma_start3A_26 = arith.constant 128 : i32
    %dma_start3A_27 = tpu.memref_slice %arg5[%dma_start3A_26] : memref<512xi32, #tpu.memory_space<vmem>> -> memref<128xi32, #tpu.memory_space<vmem>>
    %dma_start3A_28 = arith.constant 0 : i32
    %dma_start3A_29 = arith.constant 0 : i32
    %dma_start3A_30 = tpu.memref_slice %arg2[%dma_start3A_28, %dma_start3A_29] : memref<100000x32xf32, #tpu.memory_space<hbm>> -> memref<100000x32xf32, #tpu.memory_space<hbm>>
    tpu.enqueue_indirect_dma source(%dma_start3A_30 : memref<100000x32xf32, #tpu.memory_space<hbm>>) target(%dma_start3A_25 : memref<128x32xf32, #tpu.memory_space<vmem>>) offsets(%dma_start3A_27 : memref<128xi32, #tpu.memory_space<vmem>>) semaphore(%arg8 : memref<!tpu.dma_semaphore, #tpu.memory_space<semaphore_mem>>)
    %dma_start3A_31 = arith.constant 256 : i32
    %dma_start3A_32 = arith.constant 0 : i32
    %dma_start3A_33 = tpu.memref_slice %arg6[%dma_start3A_31, %dma_start3A_32] : memref<512x32xf32, #tpu.memory_space<vmem>> -> memref<128x32xf32, #tpu.memory_space<vmem>>
    %dma_start3A_34 = arith.constant 256 : i32
    %dma_start3A_35 = tpu.memref_slice %arg5[%dma_start3A_34] : memref<512xi32, #tpu.memory_space<vmem>> -> memref<128xi32, #tpu.memory_space<vmem>>
    %dma_start3A_36 = arith.constant 0 : i32
    %dma_start3A_37 = arith.constant 0 : i32
    %dma_start3A_38 = tpu.memref_slice %arg2[%dma_start3A_36, %dma_start3A_37] : memref<100000x32xf32, #tpu.memory_space<hbm>> -> memref<100000x32xf32, #tpu.memory_space<hbm>>
    tpu.enqueue_indirect_dma source(%dma_start3A_38 : memref<100000x32xf32, #tpu.memory_space<hbm>>) target(%dma_start3A_33 : memref<128x32xf32, #tpu.memory_space<vmem>>) offsets(%dma_start3A_35 : memref<128xi32, #tpu.memory_space<vmem>>) semaphore(%arg8 : memref<!tpu.dma_semaphore, #tpu.memory_space<semaphore_mem>>)
    %dma_start3A_39 = arith.constant 384 : i32
    %dma_start3A_40 = arith.constant 0 : i32
    %dma_start3A_41 = tpu.memref_slice %arg6[%dma_start3A_39, %dma_start3A_40] : memref<512x32xf32, #tpu.memory_space<vmem>> -> memref<128x32xf32, #tpu.memory_space<vmem>>
    %dma_start3A_42 = arith.constant 384 : i32
    %dma_start3A_43 = tpu.memref_slice %arg5[%dma_start3A_42] : memref<512xi32, #tpu.memory_space<vmem>> -> memref<128xi32, #tpu.memory_space<vmem>>
    %dma_start3A_44 = arith.constant 0 : i32
    %dma_start3A_45 = arith.constant 0 : i32
    %dma_start3A_46 = tpu.memref_slice %arg2[%dma_start3A_44, %dma_start3A_45] : memref<100000x32xf32, #tpu.memory_space<hbm>> -> memref<100000x32xf32, #tpu.memory_space<hbm>>
    tpu.enqueue_indirect_dma source(%dma_start3A_46 : memref<100000x32xf32, #tpu.memory_space<hbm>>) target(%dma_start3A_41 : memref<128x32xf32, #tpu.memory_space<vmem>>) offsets(%dma_start3A_43 : memref<128xi32, #tpu.memory_space<vmem>>) semaphore(%arg8 : memref<!tpu.dma_semaphore, #tpu.memory_space<semaphore_mem>>)
    %dma_wait3A_47 = arith.constant 0 : i32
    %dma_wait3A_48 = arith.constant 0 : i32
    %dma_wait3A_49 = tpu.memref_slice %arg6[%dma_wait3A_47, %dma_wait3A_48] : memref<512x32xf32, #tpu.memory_space<vmem>> -> memref<128x32xf32, #tpu.memory_space<vmem>>
    %dma_wait3A_50 = arith.constant 0 : i32
    %dma_wait3A_51 = tpu.memref_slice %arg5[%dma_wait3A_50] : memref<512xi32, #tpu.memory_space<vmem>> -> memref<128xi32, #tpu.memory_space<vmem>>
    %dma_wait3A_52 = arith.constant 0 : i32
    %dma_wait3A_53 = arith.constant 0 : i32
    %dma_wait3A_54 = tpu.memref_slice %arg2[%dma_wait3A_52, %dma_wait3A_53] : memref<100000x32xf32, #tpu.memory_space<hbm>> -> memref<100000x32xf32, #tpu.memory_space<hbm>>
    tpu.wait_indirect_dma semaphore(%arg8 : memref<!tpu.dma_semaphore, #tpu.memory_space<semaphore_mem>>) src(%dma_wait3A_54 : memref<100000x32xf32, #tpu.memory_space<hbm>>) dst(%dma_wait3A_49 : memref<128x32xf32, #tpu.memory_space<vmem>>)
    %dma_wait3A_55 = arith.constant 128 : i32
    %dma_wait3A_56 = arith.constant 0 : i32
    %dma_wait3A_57 = tpu.memref_slice %arg6[%dma_wait3A_55, %dma_wait3A_56] : memref<512x32xf32, #tpu.memory_space<vmem>> -> memref<128x32xf32, #tpu.memory_space<vmem>>
    %dma_wait3A_58 = arith.constant 128 : i32
    %dma_wait3A_59 = tpu.memref_slice %arg5[%dma_wait3A_58] : memref<512xi32, #tpu.memory_space<vmem>> -> memref<128xi32, #tpu.memory_space<vmem>>
    %dma_wait3A_60 = arith.constant 0 : i32
    %dma_wait3A_61 = arith.constant 0 : i32
    %dma_wait3A_62 = tpu.memref_slice %arg2[%dma_wait3A_60, %dma_wait3A_61] : memref<100000x32xf32, #tpu.memory_space<hbm>> -> memref<100000x32xf32, #tpu.memory_space<hbm>>
    tpu.wait_indirect_dma semaphore(%arg8 : memref<!tpu.dma_semaphore, #tpu.memory_space<semaphore_mem>>) src(%dma_wait3A_62 : memref<100000x32xf32, #tpu.memory_space<hbm>>) dst(%dma_wait3A_57 : memref<128x32xf32, #tpu.memory_space<vmem>>)
    %dma_wait3A_63 = arith.constant 256 : i32
    %dma_wait3A_64 = arith.constant 0 : i32
    %dma_wait3A_65 = tpu.memref_slice %arg6[%dma_wait3A_63, %dma_wait3A_64] : memref<512x32xf32, #tpu.memory_space<vmem>> -> memref<128x32xf32, #tpu.memory_space<vmem>>
    %dma_wait3A_66 = arith.constant 256 : i32
    %dma_wait3A_67 = tpu.memref_slice %arg5[%dma_wait3A_66] : memref<512xi32, #tpu.memory_space<vmem>> -> memref<128xi32, #tpu.memory_space<vmem>>
    %dma_wait3A_68 = arith.constant 0 : i32
    %dma_wait3A_69 = arith.constant 0 : i32
    %dma_wait3A_70 = tpu.memref_slice %arg2[%dma_wait3A_68, %dma_wait3A_69] : memref<100000x32xf32, #tpu.memory_space<hbm>> -> memref<100000x32xf32, #tpu.memory_space<hbm>>
    tpu.wait_indirect_dma semaphore(%arg8 : memref<!tpu.dma_semaphore, #tpu.memory_space<semaphore_mem>>) src(%dma_wait3A_70 : memref<100000x32xf32, #tpu.memory_space<hbm>>) dst(%dma_wait3A_65 : memref<128x32xf32, #tpu.memory_space<vmem>>)
    %dma_wait3A_71 = arith.constant 384 : i32
    %dma_wait3A_72 = arith.constant 0 : i32
    %dma_wait3A_73 = tpu.memref_slice %arg6[%dma_wait3A_71, %dma_wait3A_72] : memref<512x32xf32, #tpu.memory_space<vmem>> -> memref<128x32xf32, #tpu.memory_space<vmem>>
    %dma_wait3A_74 = arith.constant 384 : i32
    %dma_wait3A_75 = tpu.memref_slice %arg5[%dma_wait3A_74] : memref<512xi32, #tpu.memory_space<vmem>> -> memref<128xi32, #tpu.memory_space<vmem>>
    %dma_wait3A_76 = arith.constant 0 : i32
    %dma_wait3A_77 = arith.constant 0 : i32
    %dma_wait3A_78 = tpu.memref_slice %arg2[%dma_wait3A_76, %dma_wait3A_77] : memref<100000x32xf32, #tpu.memory_space<hbm>> -> memref<100000x32xf32, #tpu.memory_space<hbm>>
    tpu.wait_indirect_dma semaphore(%arg8 : memref<!tpu.dma_semaphore, #tpu.memory_space<semaphore_mem>>) src(%dma_wait3A_78 : memref<100000x32xf32, #tpu.memory_space<hbm>>) dst(%dma_wait3A_73 : memref<128x32xf32, #tpu.memory_space<vmem>>)
    %add3A_79 = arith.constant 0 : i32
    %add3A_80 = arith.addi %add3A_79, %mul3A_2 : i32
    %dma_start3A_81 = arith.constant 0 : i32
    %dma_start3A_82 = tpu.memref_slice %arg4[%add3A_80, %dma_start3A_81] : memref<16384x32xf32, #tpu.memory_space<hbm>> -> memref<512x32xf32, #tpu.memory_space<hbm>>
    %dma_start3A_83 = arith.constant 0 : i32
    %dma_start3A_84 = tpu.memref_slice %arg4[%add3A_80, %dma_start3A_83] : memref<16384x32xf32, #tpu.memory_space<hbm>> -> memref<512x32xf32, #tpu.memory_space<hbm>>
    tpu.enqueue_dma source(%arg6 : memref<512x32xf32, #tpu.memory_space<vmem>>) target(%dma_start3A_84 : memref<512x32xf32, #tpu.memory_space<hbm>>) target_semaphore(%arg9 : memref<!tpu.dma_semaphore, #tpu.memory_space<semaphore_mem>>)
    %dma_wait3A_85 = arith.constant 0 : i32
    %dma_wait3A_86 = tpu.memref_slice %arg4[%add3A_80, %dma_wait3A_85] : memref<16384x32xf32, #tpu.memory_space<hbm>> -> memref<512x32xf32, #tpu.memory_space<hbm>>
    %dma_wait3A_87 = arith.constant 0 : i32
    %dma_wait3A_88 = tpu.memref_slice %arg4[%add3A_80, %dma_wait3A_87] : memref<16384x32xf32, #tpu.memory_space<hbm>> -> memref<512x32xf32, #tpu.memory_space<hbm>>
    tpu.wait_dma2 semaphore(%arg9 : memref<!tpu.dma_semaphore, #tpu.memory_space<semaphore_mem>>) src(%arg6 : memref<512x32xf32, #tpu.memory_space<vmem>>) dst(%dma_wait3A_88 : memref<512x32xf32, #tpu.memory_space<hbm>>)
    return
  }
}

#map = affine_map<(d0, d1) -> (0, 0)>
#map1 = affine_map<(d0, d1) -> (0)>
module attributes {stable_mosaic.version = 14 : i64} {
  func.func @k(%arg0: i32, %arg1: i32, %arg2: memref<100000x32xf32, #tpu.memory_space<hbm>>, %arg3: memref<180224xi32, #tpu.memory_space<hbm>>, %arg4: memref<65536x32xf32, #tpu.memory_space<hbm>>, %arg5: memref<2048xi32, #tpu.memory_space<vmem>>, %arg6: memref<512x32xf32, #tpu.memory_space<vmem>>, %arg7: memref<512x32xf32, #tpu.memory_space<vmem>>, %arg8: memref<!tpu.dma_semaphore, #tpu.memory_space<semaphore_mem>>, %arg9: memref<!tpu.dma_semaphore, #tpu.memory_space<semaphore_mem>>, %arg10: memref<!tpu.dma_semaphore, #tpu.memory_space<semaphore_mem>>) attributes {dimension_semantics = [#tpu.dimension_semantics<core_parallel>, #tpu.dimension_semantics<subcore_parallel>], iteration_bounds = array<i64: 2, 16>, scalar_prefetch = 0 : i64, scratch_operands = 6 : i64, tpu.core_type = #tpu.core_type<sc_vector_subcore>, window_params = [{transform_indices = #map}, {transform_indices = #map1}, {transform_indices = #map}]} {
    %mul3A = arith.constant 2 : i32
    %mul3A_0 = arith.muli %arg1, %mul3A : i32
    %add3A = arith.addi %mul3A_0, %arg0 : i32
    %mul3A_1 = arith.constant 512 : i32
    %mul3A_2 = arith.muli %add3A, %mul3A_1 : i32
    %add3A_3 = arith.constant 114688 : i32
    %add3A_4 = arith.addi %add3A_3, %mul3A_2 : i32
    %dma_start3A = arith.constant 0 : i32
    %dma_start3A_5 = tpu.memref_slice %arg5[%dma_start3A] : memref<2048xi32, #tpu.memory_space<vmem>> -> memref<512xi32, #tpu.memory_space<vmem>>
    %dma_start3A_6 = tpu.memref_slice %arg3[%add3A_4] : memref<180224xi32, #tpu.memory_space<hbm>> -> memref<512xi32, #tpu.memory_space<hbm>>
    %dma_start3A_7 = arith.constant 0 : i32
    %dma_start3A_8 = tpu.memref_slice %arg5[%dma_start3A_7] : memref<2048xi32, #tpu.memory_space<vmem>> -> memref<512xi32, #tpu.memory_space<vmem>>
    %dma_start3A_9 = tpu.memref_slice %arg3[%add3A_4] : memref<180224xi32, #tpu.memory_space<hbm>> -> memref<512xi32, #tpu.memory_space<hbm>>
    tpu.enqueue_dma source(%dma_start3A_9 : memref<512xi32, #tpu.memory_space<hbm>>) target(%dma_start3A_8 : memref<512xi32, #tpu.memory_space<vmem>>) target_semaphore(%arg8 : memref<!tpu.dma_semaphore, #tpu.memory_space<semaphore_mem>>)
    %add3A_10 = arith.constant 131072 : i32
    %add3A_11 = arith.addi %add3A_10, %mul3A_2 : i32
    %dma_start3A_12 = arith.constant 512 : i32
    %dma_start3A_13 = tpu.memref_slice %arg5[%dma_start3A_12] : memref<2048xi32, #tpu.memory_space<vmem>> -> memref<512xi32, #tpu.memory_space<vmem>>
    %dma_start3A_14 = tpu.memref_slice %arg3[%add3A_11] : memref<180224xi32, #tpu.memory_space<hbm>> -> memref<512xi32, #tpu.memory_space<hbm>>
    %dma_start3A_15 = arith.constant 512 : i32
    %dma_start3A_16 = tpu.memref_slice %arg5[%dma_start3A_15] : memref<2048xi32, #tpu.memory_space<vmem>> -> memref<512xi32, #tpu.memory_space<vmem>>
    %dma_start3A_17 = tpu.memref_slice %arg3[%add3A_11] : memref<180224xi32, #tpu.memory_space<hbm>> -> memref<512xi32, #tpu.memory_space<hbm>>
    tpu.enqueue_dma source(%dma_start3A_17 : memref<512xi32, #tpu.memory_space<hbm>>) target(%dma_start3A_16 : memref<512xi32, #tpu.memory_space<vmem>>) target_semaphore(%arg8 : memref<!tpu.dma_semaphore, #tpu.memory_space<semaphore_mem>>)
    %add3A_18 = arith.constant 147456 : i32
    %add3A_19 = arith.addi %add3A_18, %mul3A_2 : i32
    %dma_start3A_20 = arith.constant 1024 : i32
    %dma_start3A_21 = tpu.memref_slice %arg5[%dma_start3A_20] : memref<2048xi32, #tpu.memory_space<vmem>> -> memref<512xi32, #tpu.memory_space<vmem>>
    %dma_start3A_22 = tpu.memref_slice %arg3[%add3A_19] : memref<180224xi32, #tpu.memory_space<hbm>> -> memref<512xi32, #tpu.memory_space<hbm>>
    %dma_start3A_23 = arith.constant 1024 : i32
    %dma_start3A_24 = tpu.memref_slice %arg5[%dma_start3A_23] : memref<2048xi32, #tpu.memory_space<vmem>> -> memref<512xi32, #tpu.memory_space<vmem>>
    %dma_start3A_25 = tpu.memref_slice %arg3[%add3A_19] : memref<180224xi32, #tpu.memory_space<hbm>> -> memref<512xi32, #tpu.memory_space<hbm>>
    tpu.enqueue_dma source(%dma_start3A_25 : memref<512xi32, #tpu.memory_space<hbm>>) target(%dma_start3A_24 : memref<512xi32, #tpu.memory_space<vmem>>) target_semaphore(%arg8 : memref<!tpu.dma_semaphore, #tpu.memory_space<semaphore_mem>>)
    %add3A_26 = arith.constant 163840 : i32
    %add3A_27 = arith.addi %add3A_26, %mul3A_2 : i32
    %dma_start3A_28 = arith.constant 1536 : i32
    %dma_start3A_29 = tpu.memref_slice %arg5[%dma_start3A_28] : memref<2048xi32, #tpu.memory_space<vmem>> -> memref<512xi32, #tpu.memory_space<vmem>>
    %dma_start3A_30 = tpu.memref_slice %arg3[%add3A_27] : memref<180224xi32, #tpu.memory_space<hbm>> -> memref<512xi32, #tpu.memory_space<hbm>>
    %dma_start3A_31 = arith.constant 1536 : i32
    %dma_start3A_32 = tpu.memref_slice %arg5[%dma_start3A_31] : memref<2048xi32, #tpu.memory_space<vmem>> -> memref<512xi32, #tpu.memory_space<vmem>>
    %dma_start3A_33 = tpu.memref_slice %arg3[%add3A_27] : memref<180224xi32, #tpu.memory_space<hbm>> -> memref<512xi32, #tpu.memory_space<hbm>>
    tpu.enqueue_dma source(%dma_start3A_33 : memref<512xi32, #tpu.memory_space<hbm>>) target(%dma_start3A_32 : memref<512xi32, #tpu.memory_space<vmem>>) target_semaphore(%arg8 : memref<!tpu.dma_semaphore, #tpu.memory_space<semaphore_mem>>)
    %dma_wait3A = arith.constant 0 : i32
    %dma_wait3A_34 = tpu.memref_slice %arg5[%dma_wait3A] : memref<2048xi32, #tpu.memory_space<vmem>> -> memref<512xi32, #tpu.memory_space<vmem>>
    %dma_wait3A_35 = tpu.memref_slice %arg3[%add3A_4] : memref<180224xi32, #tpu.memory_space<hbm>> -> memref<512xi32, #tpu.memory_space<hbm>>
    %dma_wait3A_36 = arith.constant 0 : i32
    %dma_wait3A_37 = tpu.memref_slice %arg5[%dma_wait3A_36] : memref<2048xi32, #tpu.memory_space<vmem>> -> memref<512xi32, #tpu.memory_space<vmem>>
    %dma_wait3A_38 = tpu.memref_slice %arg3[%add3A_4] : memref<180224xi32, #tpu.memory_space<hbm>> -> memref<512xi32, #tpu.memory_space<hbm>>
    tpu.wait_dma2 semaphore(%arg8 : memref<!tpu.dma_semaphore, #tpu.memory_space<semaphore_mem>>) src(%dma_wait3A_38 : memref<512xi32, #tpu.memory_space<hbm>>) dst(%dma_wait3A_37 : memref<512xi32, #tpu.memory_space<vmem>>)
    %dma_wait3A_39 = arith.constant 512 : i32
    %dma_wait3A_40 = tpu.memref_slice %arg5[%dma_wait3A_39] : memref<2048xi32, #tpu.memory_space<vmem>> -> memref<512xi32, #tpu.memory_space<vmem>>
    %dma_wait3A_41 = tpu.memref_slice %arg3[%add3A_11] : memref<180224xi32, #tpu.memory_space<hbm>> -> memref<512xi32, #tpu.memory_space<hbm>>
    %dma_wait3A_42 = arith.constant 512 : i32
    %dma_wait3A_43 = tpu.memref_slice %arg5[%dma_wait3A_42] : memref<2048xi32, #tpu.memory_space<vmem>> -> memref<512xi32, #tpu.memory_space<vmem>>
    %dma_wait3A_44 = tpu.memref_slice %arg3[%add3A_11] : memref<180224xi32, #tpu.memory_space<hbm>> -> memref<512xi32, #tpu.memory_space<hbm>>
    tpu.wait_dma2 semaphore(%arg8 : memref<!tpu.dma_semaphore, #tpu.memory_space<semaphore_mem>>) src(%dma_wait3A_44 : memref<512xi32, #tpu.memory_space<hbm>>) dst(%dma_wait3A_43 : memref<512xi32, #tpu.memory_space<vmem>>)
    %dma_wait3A_45 = arith.constant 1024 : i32
    %dma_wait3A_46 = tpu.memref_slice %arg5[%dma_wait3A_45] : memref<2048xi32, #tpu.memory_space<vmem>> -> memref<512xi32, #tpu.memory_space<vmem>>
    %dma_wait3A_47 = tpu.memref_slice %arg3[%add3A_19] : memref<180224xi32, #tpu.memory_space<hbm>> -> memref<512xi32, #tpu.memory_space<hbm>>
    %dma_wait3A_48 = arith.constant 1024 : i32
    %dma_wait3A_49 = tpu.memref_slice %arg5[%dma_wait3A_48] : memref<2048xi32, #tpu.memory_space<vmem>> -> memref<512xi32, #tpu.memory_space<vmem>>
    %dma_wait3A_50 = tpu.memref_slice %arg3[%add3A_19] : memref<180224xi32, #tpu.memory_space<hbm>> -> memref<512xi32, #tpu.memory_space<hbm>>
    tpu.wait_dma2 semaphore(%arg8 : memref<!tpu.dma_semaphore, #tpu.memory_space<semaphore_mem>>) src(%dma_wait3A_50 : memref<512xi32, #tpu.memory_space<hbm>>) dst(%dma_wait3A_49 : memref<512xi32, #tpu.memory_space<vmem>>)
    %dma_wait3A_51 = arith.constant 1536 : i32
    %dma_wait3A_52 = tpu.memref_slice %arg5[%dma_wait3A_51] : memref<2048xi32, #tpu.memory_space<vmem>> -> memref<512xi32, #tpu.memory_space<vmem>>
    %dma_wait3A_53 = tpu.memref_slice %arg3[%add3A_27] : memref<180224xi32, #tpu.memory_space<hbm>> -> memref<512xi32, #tpu.memory_space<hbm>>
    %dma_wait3A_54 = arith.constant 1536 : i32
    %dma_wait3A_55 = tpu.memref_slice %arg5[%dma_wait3A_54] : memref<2048xi32, #tpu.memory_space<vmem>> -> memref<512xi32, #tpu.memory_space<vmem>>
    %dma_wait3A_56 = tpu.memref_slice %arg3[%add3A_27] : memref<180224xi32, #tpu.memory_space<hbm>> -> memref<512xi32, #tpu.memory_space<hbm>>
    tpu.wait_dma2 semaphore(%arg8 : memref<!tpu.dma_semaphore, #tpu.memory_space<semaphore_mem>>) src(%dma_wait3A_56 : memref<512xi32, #tpu.memory_space<hbm>>) dst(%dma_wait3A_55 : memref<512xi32, #tpu.memory_space<vmem>>)
    %dma_start3A_57 = arith.constant 0 : i32
    %dma_start3A_58 = arith.constant 0 : i32
    %dma_start3A_59 = tpu.memref_slice %arg6[%dma_start3A_57, %dma_start3A_58] : memref<512x32xf32, #tpu.memory_space<vmem>> -> memref<128x32xf32, #tpu.memory_space<vmem>>
    %dma_start3A_60 = arith.constant 0 : i32
    %dma_start3A_61 = tpu.memref_slice %arg5[%dma_start3A_60] : memref<2048xi32, #tpu.memory_space<vmem>> -> memref<128xi32, #tpu.memory_space<vmem>>
    %dma_start3A_62 = arith.constant 0 : i32
    %dma_start3A_63 = arith.constant 0 : i32
    %dma_start3A_64 = tpu.memref_slice %arg2[%dma_start3A_62, %dma_start3A_63] : memref<100000x32xf32, #tpu.memory_space<hbm>> -> memref<100000x32xf32, #tpu.memory_space<hbm>>
    tpu.enqueue_indirect_dma source(%dma_start3A_64 : memref<100000x32xf32, #tpu.memory_space<hbm>>) target(%dma_start3A_59 : memref<128x32xf32, #tpu.memory_space<vmem>>) offsets(%dma_start3A_61 : memref<128xi32, #tpu.memory_space<vmem>>) semaphore(%arg8 : memref<!tpu.dma_semaphore, #tpu.memory_space<semaphore_mem>>)
    %dma_start3A_65 = arith.constant 128 : i32
    %dma_start3A_66 = arith.constant 0 : i32
    %dma_start3A_67 = tpu.memref_slice %arg6[%dma_start3A_65, %dma_start3A_66] : memref<512x32xf32, #tpu.memory_space<vmem>> -> memref<128x32xf32, #tpu.memory_space<vmem>>
    %dma_start3A_68 = arith.constant 128 : i32
    %dma_start3A_69 = tpu.memref_slice %arg5[%dma_start3A_68] : memref<2048xi32, #tpu.memory_space<vmem>> -> memref<128xi32, #tpu.memory_space<vmem>>
    %dma_start3A_70 = arith.constant 0 : i32
    %dma_start3A_71 = arith.constant 0 : i32
    %dma_start3A_72 = tpu.memref_slice %arg2[%dma_start3A_70, %dma_start3A_71] : memref<100000x32xf32, #tpu.memory_space<hbm>> -> memref<100000x32xf32, #tpu.memory_space<hbm>>
    tpu.enqueue_indirect_dma source(%dma_start3A_72 : memref<100000x32xf32, #tpu.memory_space<hbm>>) target(%dma_start3A_67 : memref<128x32xf32, #tpu.memory_space<vmem>>) offsets(%dma_start3A_69 : memref<128xi32, #tpu.memory_space<vmem>>) semaphore(%arg8 : memref<!tpu.dma_semaphore, #tpu.memory_space<semaphore_mem>>)
    %dma_start3A_73 = arith.constant 256 : i32
    %dma_start3A_74 = arith.constant 0 : i32
    %dma_start3A_75 = tpu.memref_slice %arg6[%dma_start3A_73, %dma_start3A_74] : memref<512x32xf32, #tpu.memory_space<vmem>> -> memref<128x32xf32, #tpu.memory_space<vmem>>
    %dma_start3A_76 = arith.constant 256 : i32
    %dma_start3A_77 = tpu.memref_slice %arg5[%dma_start3A_76] : memref<2048xi32, #tpu.memory_space<vmem>> -> memref<128xi32, #tpu.memory_space<vmem>>
    %dma_start3A_78 = arith.constant 0 : i32
    %dma_start3A_79 = arith.constant 0 : i32
    %dma_start3A_80 = tpu.memref_slice %arg2[%dma_start3A_78, %dma_start3A_79] : memref<100000x32xf32, #tpu.memory_space<hbm>> -> memref<100000x32xf32, #tpu.memory_space<hbm>>
    tpu.enqueue_indirect_dma source(%dma_start3A_80 : memref<100000x32xf32, #tpu.memory_space<hbm>>) target(%dma_start3A_75 : memref<128x32xf32, #tpu.memory_space<vmem>>) offsets(%dma_start3A_77 : memref<128xi32, #tpu.memory_space<vmem>>) semaphore(%arg8 : memref<!tpu.dma_semaphore, #tpu.memory_space<semaphore_mem>>)
    %dma_start3A_81 = arith.constant 384 : i32
    %dma_start3A_82 = arith.constant 0 : i32
    %dma_start3A_83 = tpu.memref_slice %arg6[%dma_start3A_81, %dma_start3A_82] : memref<512x32xf32, #tpu.memory_space<vmem>> -> memref<128x32xf32, #tpu.memory_space<vmem>>
    %dma_start3A_84 = arith.constant 384 : i32
    %dma_start3A_85 = tpu.memref_slice %arg5[%dma_start3A_84] : memref<2048xi32, #tpu.memory_space<vmem>> -> memref<128xi32, #tpu.memory_space<vmem>>
    %dma_start3A_86 = arith.constant 0 : i32
    %dma_start3A_87 = arith.constant 0 : i32
    %dma_start3A_88 = tpu.memref_slice %arg2[%dma_start3A_86, %dma_start3A_87] : memref<100000x32xf32, #tpu.memory_space<hbm>> -> memref<100000x32xf32, #tpu.memory_space<hbm>>
    tpu.enqueue_indirect_dma source(%dma_start3A_88 : memref<100000x32xf32, #tpu.memory_space<hbm>>) target(%dma_start3A_83 : memref<128x32xf32, #tpu.memory_space<vmem>>) offsets(%dma_start3A_85 : memref<128xi32, #tpu.memory_space<vmem>>) semaphore(%arg8 : memref<!tpu.dma_semaphore, #tpu.memory_space<semaphore_mem>>)
    %dma_wait3A_89 = arith.constant 0 : i32
    %dma_wait3A_90 = arith.constant 0 : i32
    %dma_wait3A_91 = tpu.memref_slice %arg6[%dma_wait3A_89, %dma_wait3A_90] : memref<512x32xf32, #tpu.memory_space<vmem>> -> memref<128x32xf32, #tpu.memory_space<vmem>>
    %dma_wait3A_92 = arith.constant 0 : i32
    %dma_wait3A_93 = tpu.memref_slice %arg5[%dma_wait3A_92] : memref<2048xi32, #tpu.memory_space<vmem>> -> memref<128xi32, #tpu.memory_space<vmem>>
    %dma_wait3A_94 = arith.constant 0 : i32
    %dma_wait3A_95 = arith.constant 0 : i32
    %dma_wait3A_96 = tpu.memref_slice %arg2[%dma_wait3A_94, %dma_wait3A_95] : memref<100000x32xf32, #tpu.memory_space<hbm>> -> memref<100000x32xf32, #tpu.memory_space<hbm>>
    tpu.wait_indirect_dma semaphore(%arg8 : memref<!tpu.dma_semaphore, #tpu.memory_space<semaphore_mem>>) src(%dma_wait3A_96 : memref<100000x32xf32, #tpu.memory_space<hbm>>) dst(%dma_wait3A_91 : memref<128x32xf32, #tpu.memory_space<vmem>>)
    %dma_wait3A_97 = arith.constant 128 : i32
    %dma_wait3A_98 = arith.constant 0 : i32
    %dma_wait3A_99 = tpu.memref_slice %arg6[%dma_wait3A_97, %dma_wait3A_98] : memref<512x32xf32, #tpu.memory_space<vmem>> -> memref<128x32xf32, #tpu.memory_space<vmem>>
    %dma_wait3A_100 = arith.constant 128 : i32
    %dma_wait3A_101 = tpu.memref_slice %arg5[%dma_wait3A_100] : memref<2048xi32, #tpu.memory_space<vmem>> -> memref<128xi32, #tpu.memory_space<vmem>>
    %dma_wait3A_102 = arith.constant 0 : i32
    %dma_wait3A_103 = arith.constant 0 : i32
    %dma_wait3A_104 = tpu.memref_slice %arg2[%dma_wait3A_102, %dma_wait3A_103] : memref<100000x32xf32, #tpu.memory_space<hbm>> -> memref<100000x32xf32, #tpu.memory_space<hbm>>
    tpu.wait_indirect_dma semaphore(%arg8 : memref<!tpu.dma_semaphore, #tpu.memory_space<semaphore_mem>>) src(%dma_wait3A_104 : memref<100000x32xf32, #tpu.memory_space<hbm>>) dst(%dma_wait3A_99 : memref<128x32xf32, #tpu.memory_space<vmem>>)
    %dma_wait3A_105 = arith.constant 256 : i32
    %dma_wait3A_106 = arith.constant 0 : i32
    %dma_wait3A_107 = tpu.memref_slice %arg6[%dma_wait3A_105, %dma_wait3A_106] : memref<512x32xf32, #tpu.memory_space<vmem>> -> memref<128x32xf32, #tpu.memory_space<vmem>>
    %dma_wait3A_108 = arith.constant 256 : i32
    %dma_wait3A_109 = tpu.memref_slice %arg5[%dma_wait3A_108] : memref<2048xi32, #tpu.memory_space<vmem>> -> memref<128xi32, #tpu.memory_space<vmem>>
    %dma_wait3A_110 = arith.constant 0 : i32
    %dma_wait3A_111 = arith.constant 0 : i32
    %dma_wait3A_112 = tpu.memref_slice %arg2[%dma_wait3A_110, %dma_wait3A_111] : memref<100000x32xf32, #tpu.memory_space<hbm>> -> memref<100000x32xf32, #tpu.memory_space<hbm>>
    tpu.wait_indirect_dma semaphore(%arg8 : memref<!tpu.dma_semaphore, #tpu.memory_space<semaphore_mem>>) src(%dma_wait3A_112 : memref<100000x32xf32, #tpu.memory_space<hbm>>) dst(%dma_wait3A_107 : memref<128x32xf32, #tpu.memory_space<vmem>>)
    %dma_wait3A_113 = arith.constant 384 : i32
    %dma_wait3A_114 = arith.constant 0 : i32
    %dma_wait3A_115 = tpu.memref_slice %arg6[%dma_wait3A_113, %dma_wait3A_114] : memref<512x32xf32, #tpu.memory_space<vmem>> -> memref<128x32xf32, #tpu.memory_space<vmem>>
    %dma_wait3A_116 = arith.constant 384 : i32
    %dma_wait3A_117 = tpu.memref_slice %arg5[%dma_wait3A_116] : memref<2048xi32, #tpu.memory_space<vmem>> -> memref<128xi32, #tpu.memory_space<vmem>>
    %dma_wait3A_118 = arith.constant 0 : i32
    %dma_wait3A_119 = arith.constant 0 : i32
    %dma_wait3A_120 = tpu.memref_slice %arg2[%dma_wait3A_118, %dma_wait3A_119] : memref<100000x32xf32, #tpu.memory_space<hbm>> -> memref<100000x32xf32, #tpu.memory_space<hbm>>
    tpu.wait_indirect_dma semaphore(%arg8 : memref<!tpu.dma_semaphore, #tpu.memory_space<semaphore_mem>>) src(%dma_wait3A_120 : memref<100000x32xf32, #tpu.memory_space<hbm>>) dst(%dma_wait3A_115 : memref<128x32xf32, #tpu.memory_space<vmem>>)
    %add3A_121 = arith.constant 0 : i32
    %add3A_122 = arith.addi %add3A_121, %mul3A_2 : i32
    %dma_start3A_123 = arith.constant 0 : i32
    %dma_start3A_124 = tpu.memref_slice %arg4[%add3A_122, %dma_start3A_123] : memref<65536x32xf32, #tpu.memory_space<hbm>> -> memref<512x32xf32, #tpu.memory_space<hbm>>
    %dma_start3A_125 = arith.constant 0 : i32
    %dma_start3A_126 = tpu.memref_slice %arg4[%add3A_122, %dma_start3A_125] : memref<65536x32xf32, #tpu.memory_space<hbm>> -> memref<512x32xf32, #tpu.memory_space<hbm>>
    tpu.enqueue_dma source(%arg6 : memref<512x32xf32, #tpu.memory_space<vmem>>) target(%dma_start3A_126 : memref<512x32xf32, #tpu.memory_space<hbm>>) target_semaphore(%arg9 : memref<!tpu.dma_semaphore, #tpu.memory_space<semaphore_mem>>)
    %dma_start3A_127 = arith.constant 0 : i32
    %dma_start3A_128 = arith.constant 0 : i32
    %dma_start3A_129 = tpu.memref_slice %arg7[%dma_start3A_127, %dma_start3A_128] : memref<512x32xf32, #tpu.memory_space<vmem>> -> memref<128x32xf32, #tpu.memory_space<vmem>>
    %dma_start3A_130 = arith.constant 512 : i32
    %dma_start3A_131 = tpu.memref_slice %arg5[%dma_start3A_130] : memref<2048xi32, #tpu.memory_space<vmem>> -> memref<128xi32, #tpu.memory_space<vmem>>
    %dma_start3A_132 = arith.constant 0 : i32
    %dma_start3A_133 = arith.constant 0 : i32
    %dma_start3A_134 = tpu.memref_slice %arg2[%dma_start3A_132, %dma_start3A_133] : memref<100000x32xf32, #tpu.memory_space<hbm>> -> memref<100000x32xf32, #tpu.memory_space<hbm>>
    tpu.enqueue_indirect_dma source(%dma_start3A_134 : memref<100000x32xf32, #tpu.memory_space<hbm>>) target(%dma_start3A_129 : memref<128x32xf32, #tpu.memory_space<vmem>>) offsets(%dma_start3A_131 : memref<128xi32, #tpu.memory_space<vmem>>) semaphore(%arg8 : memref<!tpu.dma_semaphore, #tpu.memory_space<semaphore_mem>>)
    %dma_start3A_135 = arith.constant 128 : i32
    %dma_start3A_136 = arith.constant 0 : i32
    %dma_start3A_137 = tpu.memref_slice %arg7[%dma_start3A_135, %dma_start3A_136] : memref<512x32xf32, #tpu.memory_space<vmem>> -> memref<128x32xf32, #tpu.memory_space<vmem>>
    %dma_start3A_138 = arith.constant 640 : i32
    %dma_start3A_139 = tpu.memref_slice %arg5[%dma_start3A_138] : memref<2048xi32, #tpu.memory_space<vmem>> -> memref<128xi32, #tpu.memory_space<vmem>>
    %dma_start3A_140 = arith.constant 0 : i32
    %dma_start3A_141 = arith.constant 0 : i32
    %dma_start3A_142 = tpu.memref_slice %arg2[%dma_start3A_140, %dma_start3A_141] : memref<100000x32xf32, #tpu.memory_space<hbm>> -> memref<100000x32xf32, #tpu.memory_space<hbm>>
    tpu.enqueue_indirect_dma source(%dma_start3A_142 : memref<100000x32xf32, #tpu.memory_space<hbm>>) target(%dma_start3A_137 : memref<128x32xf32, #tpu.memory_space<vmem>>) offsets(%dma_start3A_139 : memref<128xi32, #tpu.memory_space<vmem>>) semaphore(%arg8 : memref<!tpu.dma_semaphore, #tpu.memory_space<semaphore_mem>>)
    %dma_start3A_143 = arith.constant 256 : i32
    %dma_start3A_144 = arith.constant 0 : i32
    %dma_start3A_145 = tpu.memref_slice %arg7[%dma_start3A_143, %dma_start3A_144] : memref<512x32xf32, #tpu.memory_space<vmem>> -> memref<128x32xf32, #tpu.memory_space<vmem>>
    %dma_start3A_146 = arith.constant 768 : i32
    %dma_start3A_147 = tpu.memref_slice %arg5[%dma_start3A_146] : memref<2048xi32, #tpu.memory_space<vmem>> -> memref<128xi32, #tpu.memory_space<vmem>>
    %dma_start3A_148 = arith.constant 0 : i32
    %dma_start3A_149 = arith.constant 0 : i32
    %dma_start3A_150 = tpu.memref_slice %arg2[%dma_start3A_148, %dma_start3A_149] : memref<100000x32xf32, #tpu.memory_space<hbm>> -> memref<100000x32xf32, #tpu.memory_space<hbm>>
    tpu.enqueue_indirect_dma source(%dma_start3A_150 : memref<100000x32xf32, #tpu.memory_space<hbm>>) target(%dma_start3A_145 : memref<128x32xf32, #tpu.memory_space<vmem>>) offsets(%dma_start3A_147 : memref<128xi32, #tpu.memory_space<vmem>>) semaphore(%arg8 : memref<!tpu.dma_semaphore, #tpu.memory_space<semaphore_mem>>)
    %dma_start3A_151 = arith.constant 384 : i32
    %dma_start3A_152 = arith.constant 0 : i32
    %dma_start3A_153 = tpu.memref_slice %arg7[%dma_start3A_151, %dma_start3A_152] : memref<512x32xf32, #tpu.memory_space<vmem>> -> memref<128x32xf32, #tpu.memory_space<vmem>>
    %dma_start3A_154 = arith.constant 896 : i32
    %dma_start3A_155 = tpu.memref_slice %arg5[%dma_start3A_154] : memref<2048xi32, #tpu.memory_space<vmem>> -> memref<128xi32, #tpu.memory_space<vmem>>
    %dma_start3A_156 = arith.constant 0 : i32
    %dma_start3A_157 = arith.constant 0 : i32
    %dma_start3A_158 = tpu.memref_slice %arg2[%dma_start3A_156, %dma_start3A_157] : memref<100000x32xf32, #tpu.memory_space<hbm>> -> memref<100000x32xf32, #tpu.memory_space<hbm>>
    tpu.enqueue_indirect_dma source(%dma_start3A_158 : memref<100000x32xf32, #tpu.memory_space<hbm>>) target(%dma_start3A_153 : memref<128x32xf32, #tpu.memory_space<vmem>>) offsets(%dma_start3A_155 : memref<128xi32, #tpu.memory_space<vmem>>) semaphore(%arg8 : memref<!tpu.dma_semaphore, #tpu.memory_space<semaphore_mem>>)
    %dma_wait3A_159 = arith.constant 0 : i32
    %dma_wait3A_160 = arith.constant 0 : i32
    %dma_wait3A_161 = tpu.memref_slice %arg7[%dma_wait3A_159, %dma_wait3A_160] : memref<512x32xf32, #tpu.memory_space<vmem>> -> memref<128x32xf32, #tpu.memory_space<vmem>>
    %dma_wait3A_162 = arith.constant 512 : i32
    %dma_wait3A_163 = tpu.memref_slice %arg5[%dma_wait3A_162] : memref<2048xi32, #tpu.memory_space<vmem>> -> memref<128xi32, #tpu.memory_space<vmem>>
    %dma_wait3A_164 = arith.constant 0 : i32
    %dma_wait3A_165 = arith.constant 0 : i32
    %dma_wait3A_166 = tpu.memref_slice %arg2[%dma_wait3A_164, %dma_wait3A_165] : memref<100000x32xf32, #tpu.memory_space<hbm>> -> memref<100000x32xf32, #tpu.memory_space<hbm>>
    tpu.wait_indirect_dma semaphore(%arg8 : memref<!tpu.dma_semaphore, #tpu.memory_space<semaphore_mem>>) src(%dma_wait3A_166 : memref<100000x32xf32, #tpu.memory_space<hbm>>) dst(%dma_wait3A_161 : memref<128x32xf32, #tpu.memory_space<vmem>>)
    %dma_wait3A_167 = arith.constant 128 : i32
    %dma_wait3A_168 = arith.constant 0 : i32
    %dma_wait3A_169 = tpu.memref_slice %arg7[%dma_wait3A_167, %dma_wait3A_168] : memref<512x32xf32, #tpu.memory_space<vmem>> -> memref<128x32xf32, #tpu.memory_space<vmem>>
    %dma_wait3A_170 = arith.constant 640 : i32
    %dma_wait3A_171 = tpu.memref_slice %arg5[%dma_wait3A_170] : memref<2048xi32, #tpu.memory_space<vmem>> -> memref<128xi32, #tpu.memory_space<vmem>>
    %dma_wait3A_172 = arith.constant 0 : i32
    %dma_wait3A_173 = arith.constant 0 : i32
    %dma_wait3A_174 = tpu.memref_slice %arg2[%dma_wait3A_172, %dma_wait3A_173] : memref<100000x32xf32, #tpu.memory_space<hbm>> -> memref<100000x32xf32, #tpu.memory_space<hbm>>
    tpu.wait_indirect_dma semaphore(%arg8 : memref<!tpu.dma_semaphore, #tpu.memory_space<semaphore_mem>>) src(%dma_wait3A_174 : memref<100000x32xf32, #tpu.memory_space<hbm>>) dst(%dma_wait3A_169 : memref<128x32xf32, #tpu.memory_space<vmem>>)
    %dma_wait3A_175 = arith.constant 256 : i32
    %dma_wait3A_176 = arith.constant 0 : i32
    %dma_wait3A_177 = tpu.memref_slice %arg7[%dma_wait3A_175, %dma_wait3A_176] : memref<512x32xf32, #tpu.memory_space<vmem>> -> memref<128x32xf32, #tpu.memory_space<vmem>>
    %dma_wait3A_178 = arith.constant 768 : i32
    %dma_wait3A_179 = tpu.memref_slice %arg5[%dma_wait3A_178] : memref<2048xi32, #tpu.memory_space<vmem>> -> memref<128xi32, #tpu.memory_space<vmem>>
    %dma_wait3A_180 = arith.constant 0 : i32
    %dma_wait3A_181 = arith.constant 0 : i32
    %dma_wait3A_182 = tpu.memref_slice %arg2[%dma_wait3A_180, %dma_wait3A_181] : memref<100000x32xf32, #tpu.memory_space<hbm>> -> memref<100000x32xf32, #tpu.memory_space<hbm>>
    tpu.wait_indirect_dma semaphore(%arg8 : memref<!tpu.dma_semaphore, #tpu.memory_space<semaphore_mem>>) src(%dma_wait3A_182 : memref<100000x32xf32, #tpu.memory_space<hbm>>) dst(%dma_wait3A_177 : memref<128x32xf32, #tpu.memory_space<vmem>>)
    %dma_wait3A_183 = arith.constant 384 : i32
    %dma_wait3A_184 = arith.constant 0 : i32
    %dma_wait3A_185 = tpu.memref_slice %arg7[%dma_wait3A_183, %dma_wait3A_184] : memref<512x32xf32, #tpu.memory_space<vmem>> -> memref<128x32xf32, #tpu.memory_space<vmem>>
    %dma_wait3A_186 = arith.constant 896 : i32
    %dma_wait3A_187 = tpu.memref_slice %arg5[%dma_wait3A_186] : memref<2048xi32, #tpu.memory_space<vmem>> -> memref<128xi32, #tpu.memory_space<vmem>>
    %dma_wait3A_188 = arith.constant 0 : i32
    %dma_wait3A_189 = arith.constant 0 : i32
    %dma_wait3A_190 = tpu.memref_slice %arg2[%dma_wait3A_188, %dma_wait3A_189] : memref<100000x32xf32, #tpu.memory_space<hbm>> -> memref<100000x32xf32, #tpu.memory_space<hbm>>
    tpu.wait_indirect_dma semaphore(%arg8 : memref<!tpu.dma_semaphore, #tpu.memory_space<semaphore_mem>>) src(%dma_wait3A_190 : memref<100000x32xf32, #tpu.memory_space<hbm>>) dst(%dma_wait3A_185 : memref<128x32xf32, #tpu.memory_space<vmem>>)
    %add3A_191 = arith.constant 16384 : i32
    %add3A_192 = arith.addi %add3A_191, %mul3A_2 : i32
    %dma_start3A_193 = arith.constant 0 : i32
    %dma_start3A_194 = tpu.memref_slice %arg4[%add3A_192, %dma_start3A_193] : memref<65536x32xf32, #tpu.memory_space<hbm>> -> memref<512x32xf32, #tpu.memory_space<hbm>>
    %dma_start3A_195 = arith.constant 0 : i32
    %dma_start3A_196 = tpu.memref_slice %arg4[%add3A_192, %dma_start3A_195] : memref<65536x32xf32, #tpu.memory_space<hbm>> -> memref<512x32xf32, #tpu.memory_space<hbm>>
    tpu.enqueue_dma source(%arg7 : memref<512x32xf32, #tpu.memory_space<vmem>>) target(%dma_start3A_196 : memref<512x32xf32, #tpu.memory_space<hbm>>) target_semaphore(%arg10 : memref<!tpu.dma_semaphore, #tpu.memory_space<semaphore_mem>>)
    %dma_wait3A_197 = arith.constant 0 : i32
    %dma_wait3A_198 = tpu.memref_slice %arg4[%add3A_122, %dma_wait3A_197] : memref<65536x32xf32, #tpu.memory_space<hbm>> -> memref<512x32xf32, #tpu.memory_space<hbm>>
    %dma_wait3A_199 = arith.constant 0 : i32
    %dma_wait3A_200 = tpu.memref_slice %arg4[%add3A_122, %dma_wait3A_199] : memref<65536x32xf32, #tpu.memory_space<hbm>> -> memref<512x32xf32, #tpu.memory_space<hbm>>
    tpu.wait_dma2 semaphore(%arg9 : memref<!tpu.dma_semaphore, #tpu.memory_space<semaphore_mem>>) src(%arg6 : memref<512x32xf32, #tpu.memory_space<vmem>>) dst(%dma_wait3A_200 : memref<512x32xf32, #tpu.memory_space<hbm>>)
    %dma_start3A_201 = arith.constant 0 : i32
    %dma_start3A_202 = arith.constant 0 : i32
    %dma_start3A_203 = tpu.memref_slice %arg6[%dma_start3A_201, %dma_start3A_202] : memref<512x32xf32, #tpu.memory_space<vmem>> -> memref<128x32xf32, #tpu.memory_space<vmem>>
    %dma_start3A_204 = arith.constant 1024 : i32
    %dma_start3A_205 = tpu.memref_slice %arg5[%dma_start3A_204] : memref<2048xi32, #tpu.memory_space<vmem>> -> memref<128xi32, #tpu.memory_space<vmem>>
    %dma_start3A_206 = arith.constant 0 : i32
    %dma_start3A_207 = arith.constant 0 : i32
    %dma_start3A_208 = tpu.memref_slice %arg2[%dma_start3A_206, %dma_start3A_207] : memref<100000x32xf32, #tpu.memory_space<hbm>> -> memref<100000x32xf32, #tpu.memory_space<hbm>>
    tpu.enqueue_indirect_dma source(%dma_start3A_208 : memref<100000x32xf32, #tpu.memory_space<hbm>>) target(%dma_start3A_203 : memref<128x32xf32, #tpu.memory_space<vmem>>) offsets(%dma_start3A_205 : memref<128xi32, #tpu.memory_space<vmem>>) semaphore(%arg8 : memref<!tpu.dma_semaphore, #tpu.memory_space<semaphore_mem>>)
    %dma_start3A_209 = arith.constant 128 : i32
    %dma_start3A_210 = arith.constant 0 : i32
    %dma_start3A_211 = tpu.memref_slice %arg6[%dma_start3A_209, %dma_start3A_210] : memref<512x32xf32, #tpu.memory_space<vmem>> -> memref<128x32xf32, #tpu.memory_space<vmem>>
    %dma_start3A_212 = arith.constant 1152 : i32
    %dma_start3A_213 = tpu.memref_slice %arg5[%dma_start3A_212] : memref<2048xi32, #tpu.memory_space<vmem>> -> memref<128xi32, #tpu.memory_space<vmem>>
    %dma_start3A_214 = arith.constant 0 : i32
    %dma_start3A_215 = arith.constant 0 : i32
    %dma_start3A_216 = tpu.memref_slice %arg2[%dma_start3A_214, %dma_start3A_215] : memref<100000x32xf32, #tpu.memory_space<hbm>> -> memref<100000x32xf32, #tpu.memory_space<hbm>>
    tpu.enqueue_indirect_dma source(%dma_start3A_216 : memref<100000x32xf32, #tpu.memory_space<hbm>>) target(%dma_start3A_211 : memref<128x32xf32, #tpu.memory_space<vmem>>) offsets(%dma_start3A_213 : memref<128xi32, #tpu.memory_space<vmem>>) semaphore(%arg8 : memref<!tpu.dma_semaphore, #tpu.memory_space<semaphore_mem>>)
    %dma_start3A_217 = arith.constant 256 : i32
    %dma_start3A_218 = arith.constant 0 : i32
    %dma_start3A_219 = tpu.memref_slice %arg6[%dma_start3A_217, %dma_start3A_218] : memref<512x32xf32, #tpu.memory_space<vmem>> -> memref<128x32xf32, #tpu.memory_space<vmem>>
    %dma_start3A_220 = arith.constant 1280 : i32
    %dma_start3A_221 = tpu.memref_slice %arg5[%dma_start3A_220] : memref<2048xi32, #tpu.memory_space<vmem>> -> memref<128xi32, #tpu.memory_space<vmem>>
    %dma_start3A_222 = arith.constant 0 : i32
    %dma_start3A_223 = arith.constant 0 : i32
    %dma_start3A_224 = tpu.memref_slice %arg2[%dma_start3A_222, %dma_start3A_223] : memref<100000x32xf32, #tpu.memory_space<hbm>> -> memref<100000x32xf32, #tpu.memory_space<hbm>>
    tpu.enqueue_indirect_dma source(%dma_start3A_224 : memref<100000x32xf32, #tpu.memory_space<hbm>>) target(%dma_start3A_219 : memref<128x32xf32, #tpu.memory_space<vmem>>) offsets(%dma_start3A_221 : memref<128xi32, #tpu.memory_space<vmem>>) semaphore(%arg8 : memref<!tpu.dma_semaphore, #tpu.memory_space<semaphore_mem>>)
    %dma_start3A_225 = arith.constant 384 : i32
    %dma_start3A_226 = arith.constant 0 : i32
    %dma_start3A_227 = tpu.memref_slice %arg6[%dma_start3A_225, %dma_start3A_226] : memref<512x32xf32, #tpu.memory_space<vmem>> -> memref<128x32xf32, #tpu.memory_space<vmem>>
    %dma_start3A_228 = arith.constant 1408 : i32
    %dma_start3A_229 = tpu.memref_slice %arg5[%dma_start3A_228] : memref<2048xi32, #tpu.memory_space<vmem>> -> memref<128xi32, #tpu.memory_space<vmem>>
    %dma_start3A_230 = arith.constant 0 : i32
    %dma_start3A_231 = arith.constant 0 : i32
    %dma_start3A_232 = tpu.memref_slice %arg2[%dma_start3A_230, %dma_start3A_231] : memref<100000x32xf32, #tpu.memory_space<hbm>> -> memref<100000x32xf32, #tpu.memory_space<hbm>>
    tpu.enqueue_indirect_dma source(%dma_start3A_232 : memref<100000x32xf32, #tpu.memory_space<hbm>>) target(%dma_start3A_227 : memref<128x32xf32, #tpu.memory_space<vmem>>) offsets(%dma_start3A_229 : memref<128xi32, #tpu.memory_space<vmem>>) semaphore(%arg8 : memref<!tpu.dma_semaphore, #tpu.memory_space<semaphore_mem>>)
    %dma_wait3A_233 = arith.constant 0 : i32
    %dma_wait3A_234 = arith.constant 0 : i32
    %dma_wait3A_235 = tpu.memref_slice %arg6[%dma_wait3A_233, %dma_wait3A_234] : memref<512x32xf32, #tpu.memory_space<vmem>> -> memref<128x32xf32, #tpu.memory_space<vmem>>
    %dma_wait3A_236 = arith.constant 1024 : i32
    %dma_wait3A_237 = tpu.memref_slice %arg5[%dma_wait3A_236] : memref<2048xi32, #tpu.memory_space<vmem>> -> memref<128xi32, #tpu.memory_space<vmem>>
    %dma_wait3A_238 = arith.constant 0 : i32
    %dma_wait3A_239 = arith.constant 0 : i32
    %dma_wait3A_240 = tpu.memref_slice %arg2[%dma_wait3A_238, %dma_wait3A_239] : memref<100000x32xf32, #tpu.memory_space<hbm>> -> memref<100000x32xf32, #tpu.memory_space<hbm>>
    tpu.wait_indirect_dma semaphore(%arg8 : memref<!tpu.dma_semaphore, #tpu.memory_space<semaphore_mem>>) src(%dma_wait3A_240 : memref<100000x32xf32, #tpu.memory_space<hbm>>) dst(%dma_wait3A_235 : memref<128x32xf32, #tpu.memory_space<vmem>>)
    %dma_wait3A_241 = arith.constant 128 : i32
    %dma_wait3A_242 = arith.constant 0 : i32
    %dma_wait3A_243 = tpu.memref_slice %arg6[%dma_wait3A_241, %dma_wait3A_242] : memref<512x32xf32, #tpu.memory_space<vmem>> -> memref<128x32xf32, #tpu.memory_space<vmem>>
    %dma_wait3A_244 = arith.constant 1152 : i32
    %dma_wait3A_245 = tpu.memref_slice %arg5[%dma_wait3A_244] : memref<2048xi32, #tpu.memory_space<vmem>> -> memref<128xi32, #tpu.memory_space<vmem>>
    %dma_wait3A_246 = arith.constant 0 : i32
    %dma_wait3A_247 = arith.constant 0 : i32
    %dma_wait3A_248 = tpu.memref_slice %arg2[%dma_wait3A_246, %dma_wait3A_247] : memref<100000x32xf32, #tpu.memory_space<hbm>> -> memref<100000x32xf32, #tpu.memory_space<hbm>>
    tpu.wait_indirect_dma semaphore(%arg8 : memref<!tpu.dma_semaphore, #tpu.memory_space<semaphore_mem>>) src(%dma_wait3A_248 : memref<100000x32xf32, #tpu.memory_space<hbm>>) dst(%dma_wait3A_243 : memref<128x32xf32, #tpu.memory_space<vmem>>)
    %dma_wait3A_249 = arith.constant 256 : i32
    %dma_wait3A_250 = arith.constant 0 : i32
    %dma_wait3A_251 = tpu.memref_slice %arg6[%dma_wait3A_249, %dma_wait3A_250] : memref<512x32xf32, #tpu.memory_space<vmem>> -> memref<128x32xf32, #tpu.memory_space<vmem>>
    %dma_wait3A_252 = arith.constant 1280 : i32
    %dma_wait3A_253 = tpu.memref_slice %arg5[%dma_wait3A_252] : memref<2048xi32, #tpu.memory_space<vmem>> -> memref<128xi32, #tpu.memory_space<vmem>>
    %dma_wait3A_254 = arith.constant 0 : i32
    %dma_wait3A_255 = arith.constant 0 : i32
    %dma_wait3A_256 = tpu.memref_slice %arg2[%dma_wait3A_254, %dma_wait3A_255] : memref<100000x32xf32, #tpu.memory_space<hbm>> -> memref<100000x32xf32, #tpu.memory_space<hbm>>
    tpu.wait_indirect_dma semaphore(%arg8 : memref<!tpu.dma_semaphore, #tpu.memory_space<semaphore_mem>>) src(%dma_wait3A_256 : memref<100000x32xf32, #tpu.memory_space<hbm>>) dst(%dma_wait3A_251 : memref<128x32xf32, #tpu.memory_space<vmem>>)
    %dma_wait3A_257 = arith.constant 384 : i32
    %dma_wait3A_258 = arith.constant 0 : i32
    %dma_wait3A_259 = tpu.memref_slice %arg6[%dma_wait3A_257, %dma_wait3A_258] : memref<512x32xf32, #tpu.memory_space<vmem>> -> memref<128x32xf32, #tpu.memory_space<vmem>>
    %dma_wait3A_260 = arith.constant 1408 : i32
    %dma_wait3A_261 = tpu.memref_slice %arg5[%dma_wait3A_260] : memref<2048xi32, #tpu.memory_space<vmem>> -> memref<128xi32, #tpu.memory_space<vmem>>
    %dma_wait3A_262 = arith.constant 0 : i32
    %dma_wait3A_263 = arith.constant 0 : i32
    %dma_wait3A_264 = tpu.memref_slice %arg2[%dma_wait3A_262, %dma_wait3A_263] : memref<100000x32xf32, #tpu.memory_space<hbm>> -> memref<100000x32xf32, #tpu.memory_space<hbm>>
    tpu.wait_indirect_dma semaphore(%arg8 : memref<!tpu.dma_semaphore, #tpu.memory_space<semaphore_mem>>) src(%dma_wait3A_264 : memref<100000x32xf32, #tpu.memory_space<hbm>>) dst(%dma_wait3A_259 : memref<128x32xf32, #tpu.memory_space<vmem>>)
    %add3A_265 = arith.constant 32768 : i32
    %add3A_266 = arith.addi %add3A_265, %mul3A_2 : i32
    %dma_start3A_267 = arith.constant 0 : i32
    %dma_start3A_268 = tpu.memref_slice %arg4[%add3A_266, %dma_start3A_267] : memref<65536x32xf32, #tpu.memory_space<hbm>> -> memref<512x32xf32, #tpu.memory_space<hbm>>
    %dma_start3A_269 = arith.constant 0 : i32
    %dma_start3A_270 = tpu.memref_slice %arg4[%add3A_266, %dma_start3A_269] : memref<65536x32xf32, #tpu.memory_space<hbm>> -> memref<512x32xf32, #tpu.memory_space<hbm>>
    tpu.enqueue_dma source(%arg6 : memref<512x32xf32, #tpu.memory_space<vmem>>) target(%dma_start3A_270 : memref<512x32xf32, #tpu.memory_space<hbm>>) target_semaphore(%arg9 : memref<!tpu.dma_semaphore, #tpu.memory_space<semaphore_mem>>)
    %dma_wait3A_271 = arith.constant 0 : i32
    %dma_wait3A_272 = tpu.memref_slice %arg4[%add3A_192, %dma_wait3A_271] : memref<65536x32xf32, #tpu.memory_space<hbm>> -> memref<512x32xf32, #tpu.memory_space<hbm>>
    %dma_wait3A_273 = arith.constant 0 : i32
    %dma_wait3A_274 = tpu.memref_slice %arg4[%add3A_192, %dma_wait3A_273] : memref<65536x32xf32, #tpu.memory_space<hbm>> -> memref<512x32xf32, #tpu.memory_space<hbm>>
    tpu.wait_dma2 semaphore(%arg10 : memref<!tpu.dma_semaphore, #tpu.memory_space<semaphore_mem>>) src(%arg7 : memref<512x32xf32, #tpu.memory_space<vmem>>) dst(%dma_wait3A_274 : memref<512x32xf32, #tpu.memory_space<hbm>>)
    %dma_start3A_275 = arith.constant 0 : i32
    %dma_start3A_276 = arith.constant 0 : i32
    %dma_start3A_277 = tpu.memref_slice %arg7[%dma_start3A_275, %dma_start3A_276] : memref<512x32xf32, #tpu.memory_space<vmem>> -> memref<128x32xf32, #tpu.memory_space<vmem>>
    %dma_start3A_278 = arith.constant 1536 : i32
    %dma_start3A_279 = tpu.memref_slice %arg5[%dma_start3A_278] : memref<2048xi32, #tpu.memory_space<vmem>> -> memref<128xi32, #tpu.memory_space<vmem>>
    %dma_start3A_280 = arith.constant 0 : i32
    %dma_start3A_281 = arith.constant 0 : i32
    %dma_start3A_282 = tpu.memref_slice %arg2[%dma_start3A_280, %dma_start3A_281] : memref<100000x32xf32, #tpu.memory_space<hbm>> -> memref<100000x32xf32, #tpu.memory_space<hbm>>
    tpu.enqueue_indirect_dma source(%dma_start3A_282 : memref<100000x32xf32, #tpu.memory_space<hbm>>) target(%dma_start3A_277 : memref<128x32xf32, #tpu.memory_space<vmem>>) offsets(%dma_start3A_279 : memref<128xi32, #tpu.memory_space<vmem>>) semaphore(%arg8 : memref<!tpu.dma_semaphore, #tpu.memory_space<semaphore_mem>>)
    %dma_start3A_283 = arith.constant 128 : i32
    %dma_start3A_284 = arith.constant 0 : i32
    %dma_start3A_285 = tpu.memref_slice %arg7[%dma_start3A_283, %dma_start3A_284] : memref<512x32xf32, #tpu.memory_space<vmem>> -> memref<128x32xf32, #tpu.memory_space<vmem>>
    %dma_start3A_286 = arith.constant 1664 : i32
    %dma_start3A_287 = tpu.memref_slice %arg5[%dma_start3A_286] : memref<2048xi32, #tpu.memory_space<vmem>> -> memref<128xi32, #tpu.memory_space<vmem>>
    %dma_start3A_288 = arith.constant 0 : i32
    %dma_start3A_289 = arith.constant 0 : i32
    %dma_start3A_290 = tpu.memref_slice %arg2[%dma_start3A_288, %dma_start3A_289] : memref<100000x32xf32, #tpu.memory_space<hbm>> -> memref<100000x32xf32, #tpu.memory_space<hbm>>
    tpu.enqueue_indirect_dma source(%dma_start3A_290 : memref<100000x32xf32, #tpu.memory_space<hbm>>) target(%dma_start3A_285 : memref<128x32xf32, #tpu.memory_space<vmem>>) offsets(%dma_start3A_287 : memref<128xi32, #tpu.memory_space<vmem>>) semaphore(%arg8 : memref<!tpu.dma_semaphore, #tpu.memory_space<semaphore_mem>>)
    %dma_start3A_291 = arith.constant 256 : i32
    %dma_start3A_292 = arith.constant 0 : i32
    %dma_start3A_293 = tpu.memref_slice %arg7[%dma_start3A_291, %dma_start3A_292] : memref<512x32xf32, #tpu.memory_space<vmem>> -> memref<128x32xf32, #tpu.memory_space<vmem>>
    %dma_start3A_294 = arith.constant 1792 : i32
    %dma_start3A_295 = tpu.memref_slice %arg5[%dma_start3A_294] : memref<2048xi32, #tpu.memory_space<vmem>> -> memref<128xi32, #tpu.memory_space<vmem>>
    %dma_start3A_296 = arith.constant 0 : i32
    %dma_start3A_297 = arith.constant 0 : i32
    %dma_start3A_298 = tpu.memref_slice %arg2[%dma_start3A_296, %dma_start3A_297] : memref<100000x32xf32, #tpu.memory_space<hbm>> -> memref<100000x32xf32, #tpu.memory_space<hbm>>
    tpu.enqueue_indirect_dma source(%dma_start3A_298 : memref<100000x32xf32, #tpu.memory_space<hbm>>) target(%dma_start3A_293 : memref<128x32xf32, #tpu.memory_space<vmem>>) offsets(%dma_start3A_295 : memref<128xi32, #tpu.memory_space<vmem>>) semaphore(%arg8 : memref<!tpu.dma_semaphore, #tpu.memory_space<semaphore_mem>>)
    %dma_start3A_299 = arith.constant 384 : i32
    %dma_start3A_300 = arith.constant 0 : i32
    %dma_start3A_301 = tpu.memref_slice %arg7[%dma_start3A_299, %dma_start3A_300] : memref<512x32xf32, #tpu.memory_space<vmem>> -> memref<128x32xf32, #tpu.memory_space<vmem>>
    %dma_start3A_302 = arith.constant 1920 : i32
    %dma_start3A_303 = tpu.memref_slice %arg5[%dma_start3A_302] : memref<2048xi32, #tpu.memory_space<vmem>> -> memref<128xi32, #tpu.memory_space<vmem>>
    %dma_start3A_304 = arith.constant 0 : i32
    %dma_start3A_305 = arith.constant 0 : i32
    %dma_start3A_306 = tpu.memref_slice %arg2[%dma_start3A_304, %dma_start3A_305] : memref<100000x32xf32, #tpu.memory_space<hbm>> -> memref<100000x32xf32, #tpu.memory_space<hbm>>
    tpu.enqueue_indirect_dma source(%dma_start3A_306 : memref<100000x32xf32, #tpu.memory_space<hbm>>) target(%dma_start3A_301 : memref<128x32xf32, #tpu.memory_space<vmem>>) offsets(%dma_start3A_303 : memref<128xi32, #tpu.memory_space<vmem>>) semaphore(%arg8 : memref<!tpu.dma_semaphore, #tpu.memory_space<semaphore_mem>>)
    %dma_wait3A_307 = arith.constant 0 : i32
    %dma_wait3A_308 = arith.constant 0 : i32
    %dma_wait3A_309 = tpu.memref_slice %arg7[%dma_wait3A_307, %dma_wait3A_308] : memref<512x32xf32, #tpu.memory_space<vmem>> -> memref<128x32xf32, #tpu.memory_space<vmem>>
    %dma_wait3A_310 = arith.constant 1536 : i32
    %dma_wait3A_311 = tpu.memref_slice %arg5[%dma_wait3A_310] : memref<2048xi32, #tpu.memory_space<vmem>> -> memref<128xi32, #tpu.memory_space<vmem>>
    %dma_wait3A_312 = arith.constant 0 : i32
    %dma_wait3A_313 = arith.constant 0 : i32
    %dma_wait3A_314 = tpu.memref_slice %arg2[%dma_wait3A_312, %dma_wait3A_313] : memref<100000x32xf32, #tpu.memory_space<hbm>> -> memref<100000x32xf32, #tpu.memory_space<hbm>>
    tpu.wait_indirect_dma semaphore(%arg8 : memref<!tpu.dma_semaphore, #tpu.memory_space<semaphore_mem>>) src(%dma_wait3A_314 : memref<100000x32xf32, #tpu.memory_space<hbm>>) dst(%dma_wait3A_309 : memref<128x32xf32, #tpu.memory_space<vmem>>)
    %dma_wait3A_315 = arith.constant 128 : i32
    %dma_wait3A_316 = arith.constant 0 : i32
    %dma_wait3A_317 = tpu.memref_slice %arg7[%dma_wait3A_315, %dma_wait3A_316] : memref<512x32xf32, #tpu.memory_space<vmem>> -> memref<128x32xf32, #tpu.memory_space<vmem>>
    %dma_wait3A_318 = arith.constant 1664 : i32
    %dma_wait3A_319 = tpu.memref_slice %arg5[%dma_wait3A_318] : memref<2048xi32, #tpu.memory_space<vmem>> -> memref<128xi32, #tpu.memory_space<vmem>>
    %dma_wait3A_320 = arith.constant 0 : i32
    %dma_wait3A_321 = arith.constant 0 : i32
    %dma_wait3A_322 = tpu.memref_slice %arg2[%dma_wait3A_320, %dma_wait3A_321] : memref<100000x32xf32, #tpu.memory_space<hbm>> -> memref<100000x32xf32, #tpu.memory_space<hbm>>
    tpu.wait_indirect_dma semaphore(%arg8 : memref<!tpu.dma_semaphore, #tpu.memory_space<semaphore_mem>>) src(%dma_wait3A_322 : memref<100000x32xf32, #tpu.memory_space<hbm>>) dst(%dma_wait3A_317 : memref<128x32xf32, #tpu.memory_space<vmem>>)
    %dma_wait3A_323 = arith.constant 256 : i32
    %dma_wait3A_324 = arith.constant 0 : i32
    %dma_wait3A_325 = tpu.memref_slice %arg7[%dma_wait3A_323, %dma_wait3A_324] : memref<512x32xf32, #tpu.memory_space<vmem>> -> memref<128x32xf32, #tpu.memory_space<vmem>>
    %dma_wait3A_326 = arith.constant 1792 : i32
    %dma_wait3A_327 = tpu.memref_slice %arg5[%dma_wait3A_326] : memref<2048xi32, #tpu.memory_space<vmem>> -> memref<128xi32, #tpu.memory_space<vmem>>
    %dma_wait3A_328 = arith.constant 0 : i32
    %dma_wait3A_329 = arith.constant 0 : i32
    %dma_wait3A_330 = tpu.memref_slice %arg2[%dma_wait3A_328, %dma_wait3A_329] : memref<100000x32xf32, #tpu.memory_space<hbm>> -> memref<100000x32xf32, #tpu.memory_space<hbm>>
    tpu.wait_indirect_dma semaphore(%arg8 : memref<!tpu.dma_semaphore, #tpu.memory_space<semaphore_mem>>) src(%dma_wait3A_330 : memref<100000x32xf32, #tpu.memory_space<hbm>>) dst(%dma_wait3A_325 : memref<128x32xf32, #tpu.memory_space<vmem>>)
    %dma_wait3A_331 = arith.constant 384 : i32
    %dma_wait3A_332 = arith.constant 0 : i32
    %dma_wait3A_333 = tpu.memref_slice %arg7[%dma_wait3A_331, %dma_wait3A_332] : memref<512x32xf32, #tpu.memory_space<vmem>> -> memref<128x32xf32, #tpu.memory_space<vmem>>
    %dma_wait3A_334 = arith.constant 1920 : i32
    %dma_wait3A_335 = tpu.memref_slice %arg5[%dma_wait3A_334] : memref<2048xi32, #tpu.memory_space<vmem>> -> memref<128xi32, #tpu.memory_space<vmem>>
    %dma_wait3A_336 = arith.constant 0 : i32
    %dma_wait3A_337 = arith.constant 0 : i32
    %dma_wait3A_338 = tpu.memref_slice %arg2[%dma_wait3A_336, %dma_wait3A_337] : memref<100000x32xf32, #tpu.memory_space<hbm>> -> memref<100000x32xf32, #tpu.memory_space<hbm>>
    tpu.wait_indirect_dma semaphore(%arg8 : memref<!tpu.dma_semaphore, #tpu.memory_space<semaphore_mem>>) src(%dma_wait3A_338 : memref<100000x32xf32, #tpu.memory_space<hbm>>) dst(%dma_wait3A_333 : memref<128x32xf32, #tpu.memory_space<vmem>>)
    %add3A_339 = arith.constant 49152 : i32
    %add3A_340 = arith.addi %add3A_339, %mul3A_2 : i32
    %dma_start3A_341 = arith.constant 0 : i32
    %dma_start3A_342 = tpu.memref_slice %arg4[%add3A_340, %dma_start3A_341] : memref<65536x32xf32, #tpu.memory_space<hbm>> -> memref<512x32xf32, #tpu.memory_space<hbm>>
    %dma_start3A_343 = arith.constant 0 : i32
    %dma_start3A_344 = tpu.memref_slice %arg4[%add3A_340, %dma_start3A_343] : memref<65536x32xf32, #tpu.memory_space<hbm>> -> memref<512x32xf32, #tpu.memory_space<hbm>>
    tpu.enqueue_dma source(%arg7 : memref<512x32xf32, #tpu.memory_space<vmem>>) target(%dma_start3A_344 : memref<512x32xf32, #tpu.memory_space<hbm>>) target_semaphore(%arg10 : memref<!tpu.dma_semaphore, #tpu.memory_space<semaphore_mem>>)
    %dma_wait3A_345 = arith.constant 0 : i32
    %dma_wait3A_346 = tpu.memref_slice %arg4[%add3A_266, %dma_wait3A_345] : memref<65536x32xf32, #tpu.memory_space<hbm>> -> memref<512x32xf32, #tpu.memory_space<hbm>>
    %dma_wait3A_347 = arith.constant 0 : i32
    %dma_wait3A_348 = tpu.memref_slice %arg4[%add3A_266, %dma_wait3A_347] : memref<65536x32xf32, #tpu.memory_space<hbm>> -> memref<512x32xf32, #tpu.memory_space<hbm>>
    tpu.wait_dma2 semaphore(%arg9 : memref<!tpu.dma_semaphore, #tpu.memory_space<semaphore_mem>>) src(%arg6 : memref<512x32xf32, #tpu.memory_space<vmem>>) dst(%dma_wait3A_348 : memref<512x32xf32, #tpu.memory_space<hbm>>)
    %dma_wait3A_349 = arith.constant 0 : i32
    %dma_wait3A_350 = tpu.memref_slice %arg4[%add3A_340, %dma_wait3A_349] : memref<65536x32xf32, #tpu.memory_space<hbm>> -> memref<512x32xf32, #tpu.memory_space<hbm>>
    %dma_wait3A_351 = arith.constant 0 : i32
    %dma_wait3A_352 = tpu.memref_slice %arg4[%add3A_340, %dma_wait3A_351] : memref<65536x32xf32, #tpu.memory_space<hbm>> -> memref<512x32xf32, #tpu.memory_space<hbm>>
    tpu.wait_dma2 semaphore(%arg10 : memref<!tpu.dma_semaphore, #tpu.memory_space<semaphore_mem>>) src(%arg7 : memref<512x32xf32, #tpu.memory_space<vmem>>) dst(%dma_wait3A_352 : memref<512x32xf32, #tpu.memory_space<hbm>>)
    return
  }
}

#map = affine_map<(d0, d1) -> (0, 0)>
#map1 = affine_map<(d0, d1) -> (0)>
module attributes {stable_mosaic.version = 14 : i64} {
  func.func @k(%arg0: i32, %arg1: i32, %arg2: memref<100000x32xf32, #tpu.memory_space<hbm>>, %arg3: memref<180224xi32, #tpu.memory_space<hbm>>, %arg4: memref<16384x32xf32, #tpu.memory_space<hbm>>, %arg5: memref<512xi32, #tpu.memory_space<vmem>>, %arg6: memref<512x32xf32, #tpu.memory_space<vmem>>, %arg7: memref<512x32xf32, #tpu.memory_space<vmem>>, %arg8: memref<!tpu.dma_semaphore, #tpu.memory_space<semaphore_mem>>, %arg9: memref<!tpu.dma_semaphore, #tpu.memory_space<semaphore_mem>>, %arg10: memref<!tpu.dma_semaphore, #tpu.memory_space<semaphore_mem>>) attributes {dimension_semantics = [#tpu.dimension_semantics<core_parallel>, #tpu.dimension_semantics<subcore_parallel>], iteration_bounds = array<i64: 2, 16>, scalar_prefetch = 0 : i64, scratch_operands = 6 : i64, tpu.core_type = #tpu.core_type<sc_vector_subcore>, window_params = [{transform_indices = #map}, {transform_indices = #map1}, {transform_indices = #map}]} {
    %mul3A = arith.constant 2 : i32
    %mul3A_0 = arith.muli %arg1, %mul3A : i32
    %add3A = arith.addi %mul3A_0, %arg0 : i32
    %mul3A_1 = arith.constant 512 : i32
    %mul3A_2 = arith.muli %add3A, %mul3A_1 : i32
    %add3A_3 = arith.constant 16384 : i32
    %add3A_4 = arith.addi %add3A_3, %mul3A_2 : i32
    %dma_start3A = arith.constant 0 : i32
    %dma_start3A_5 = tpu.memref_slice %arg5[%dma_start3A] : memref<512xi32, #tpu.memory_space<vmem>> -> memref<512xi32, #tpu.memory_space<vmem>>
    %dma_start3A_6 = tpu.memref_slice %arg3[%add3A_4] : memref<180224xi32, #tpu.memory_space<hbm>> -> memref<512xi32, #tpu.memory_space<hbm>>
    %dma_start3A_7 = arith.constant 0 : i32
    %dma_start3A_8 = tpu.memref_slice %arg5[%dma_start3A_7] : memref<512xi32, #tpu.memory_space<vmem>> -> memref<512xi32, #tpu.memory_space<vmem>>
    %dma_start3A_9 = tpu.memref_slice %arg3[%add3A_4] : memref<180224xi32, #tpu.memory_space<hbm>> -> memref<512xi32, #tpu.memory_space<hbm>>
    tpu.enqueue_dma source(%dma_start3A_9 : memref<512xi32, #tpu.memory_space<hbm>>) target(%dma_start3A_8 : memref<512xi32, #tpu.memory_space<vmem>>) target_semaphore(%arg8 : memref<!tpu.dma_semaphore, #tpu.memory_space<semaphore_mem>>)
    %dma_wait3A = arith.constant 0 : i32
    %dma_wait3A_10 = tpu.memref_slice %arg5[%dma_wait3A] : memref<512xi32, #tpu.memory_space<vmem>> -> memref<512xi32, #tpu.memory_space<vmem>>
    %dma_wait3A_11 = tpu.memref_slice %arg3[%add3A_4] : memref<180224xi32, #tpu.memory_space<hbm>> -> memref<512xi32, #tpu.memory_space<hbm>>
    %dma_wait3A_12 = arith.constant 0 : i32
    %dma_wait3A_13 = tpu.memref_slice %arg5[%dma_wait3A_12] : memref<512xi32, #tpu.memory_space<vmem>> -> memref<512xi32, #tpu.memory_space<vmem>>
    %dma_wait3A_14 = tpu.memref_slice %arg3[%add3A_4] : memref<180224xi32, #tpu.memory_space<hbm>> -> memref<512xi32, #tpu.memory_space<hbm>>
    tpu.wait_dma2 semaphore(%arg8 : memref<!tpu.dma_semaphore, #tpu.memory_space<semaphore_mem>>) src(%dma_wait3A_14 : memref<512xi32, #tpu.memory_space<hbm>>) dst(%dma_wait3A_13 : memref<512xi32, #tpu.memory_space<vmem>>)
    %dma_start3A_15 = arith.constant 0 : i32
    %dma_start3A_16 = arith.constant 0 : i32
    %dma_start3A_17 = tpu.memref_slice %arg6[%dma_start3A_15, %dma_start3A_16] : memref<512x32xf32, #tpu.memory_space<vmem>> -> memref<128x32xf32, #tpu.memory_space<vmem>>
    %dma_start3A_18 = arith.constant 0 : i32
    %dma_start3A_19 = tpu.memref_slice %arg5[%dma_start3A_18] : memref<512xi32, #tpu.memory_space<vmem>> -> memref<128xi32, #tpu.memory_space<vmem>>
    %dma_start3A_20 = arith.constant 0 : i32
    %dma_start3A_21 = arith.constant 0 : i32
    %dma_start3A_22 = tpu.memref_slice %arg2[%dma_start3A_20, %dma_start3A_21] : memref<100000x32xf32, #tpu.memory_space<hbm>> -> memref<100000x32xf32, #tpu.memory_space<hbm>>
    tpu.enqueue_indirect_dma source(%dma_start3A_22 : memref<100000x32xf32, #tpu.memory_space<hbm>>) target(%dma_start3A_17 : memref<128x32xf32, #tpu.memory_space<vmem>>) offsets(%dma_start3A_19 : memref<128xi32, #tpu.memory_space<vmem>>) semaphore(%arg8 : memref<!tpu.dma_semaphore, #tpu.memory_space<semaphore_mem>>)
    %dma_start3A_23 = arith.constant 128 : i32
    %dma_start3A_24 = arith.constant 0 : i32
    %dma_start3A_25 = tpu.memref_slice %arg6[%dma_start3A_23, %dma_start3A_24] : memref<512x32xf32, #tpu.memory_space<vmem>> -> memref<128x32xf32, #tpu.memory_space<vmem>>
    %dma_start3A_26 = arith.constant 128 : i32
    %dma_start3A_27 = tpu.memref_slice %arg5[%dma_start3A_26] : memref<512xi32, #tpu.memory_space<vmem>> -> memref<128xi32, #tpu.memory_space<vmem>>
    %dma_start3A_28 = arith.constant 0 : i32
    %dma_start3A_29 = arith.constant 0 : i32
    %dma_start3A_30 = tpu.memref_slice %arg2[%dma_start3A_28, %dma_start3A_29] : memref<100000x32xf32, #tpu.memory_space<hbm>> -> memref<100000x32xf32, #tpu.memory_space<hbm>>
    tpu.enqueue_indirect_dma source(%dma_start3A_30 : memref<100000x32xf32, #tpu.memory_space<hbm>>) target(%dma_start3A_25 : memref<128x32xf32, #tpu.memory_space<vmem>>) offsets(%dma_start3A_27 : memref<128xi32, #tpu.memory_space<vmem>>) semaphore(%arg8 : memref<!tpu.dma_semaphore, #tpu.memory_space<semaphore_mem>>)
    %dma_start3A_31 = arith.constant 256 : i32
    %dma_start3A_32 = arith.constant 0 : i32
    %dma_start3A_33 = tpu.memref_slice %arg6[%dma_start3A_31, %dma_start3A_32] : memref<512x32xf32, #tpu.memory_space<vmem>> -> memref<128x32xf32, #tpu.memory_space<vmem>>
    %dma_start3A_34 = arith.constant 256 : i32
    %dma_start3A_35 = tpu.memref_slice %arg5[%dma_start3A_34] : memref<512xi32, #tpu.memory_space<vmem>> -> memref<128xi32, #tpu.memory_space<vmem>>
    %dma_start3A_36 = arith.constant 0 : i32
    %dma_start3A_37 = arith.constant 0 : i32
    %dma_start3A_38 = tpu.memref_slice %arg2[%dma_start3A_36, %dma_start3A_37] : memref<100000x32xf32, #tpu.memory_space<hbm>> -> memref<100000x32xf32, #tpu.memory_space<hbm>>
    tpu.enqueue_indirect_dma source(%dma_start3A_38 : memref<100000x32xf32, #tpu.memory_space<hbm>>) target(%dma_start3A_33 : memref<128x32xf32, #tpu.memory_space<vmem>>) offsets(%dma_start3A_35 : memref<128xi32, #tpu.memory_space<vmem>>) semaphore(%arg8 : memref<!tpu.dma_semaphore, #tpu.memory_space<semaphore_mem>>)
    %dma_start3A_39 = arith.constant 384 : i32
    %dma_start3A_40 = arith.constant 0 : i32
    %dma_start3A_41 = tpu.memref_slice %arg6[%dma_start3A_39, %dma_start3A_40] : memref<512x32xf32, #tpu.memory_space<vmem>> -> memref<128x32xf32, #tpu.memory_space<vmem>>
    %dma_start3A_42 = arith.constant 384 : i32
    %dma_start3A_43 = tpu.memref_slice %arg5[%dma_start3A_42] : memref<512xi32, #tpu.memory_space<vmem>> -> memref<128xi32, #tpu.memory_space<vmem>>
    %dma_start3A_44 = arith.constant 0 : i32
    %dma_start3A_45 = arith.constant 0 : i32
    %dma_start3A_46 = tpu.memref_slice %arg2[%dma_start3A_44, %dma_start3A_45] : memref<100000x32xf32, #tpu.memory_space<hbm>> -> memref<100000x32xf32, #tpu.memory_space<hbm>>
    tpu.enqueue_indirect_dma source(%dma_start3A_46 : memref<100000x32xf32, #tpu.memory_space<hbm>>) target(%dma_start3A_41 : memref<128x32xf32, #tpu.memory_space<vmem>>) offsets(%dma_start3A_43 : memref<128xi32, #tpu.memory_space<vmem>>) semaphore(%arg8 : memref<!tpu.dma_semaphore, #tpu.memory_space<semaphore_mem>>)
    %dma_wait3A_47 = arith.constant 0 : i32
    %dma_wait3A_48 = arith.constant 0 : i32
    %dma_wait3A_49 = tpu.memref_slice %arg6[%dma_wait3A_47, %dma_wait3A_48] : memref<512x32xf32, #tpu.memory_space<vmem>> -> memref<128x32xf32, #tpu.memory_space<vmem>>
    %dma_wait3A_50 = arith.constant 0 : i32
    %dma_wait3A_51 = tpu.memref_slice %arg5[%dma_wait3A_50] : memref<512xi32, #tpu.memory_space<vmem>> -> memref<128xi32, #tpu.memory_space<vmem>>
    %dma_wait3A_52 = arith.constant 0 : i32
    %dma_wait3A_53 = arith.constant 0 : i32
    %dma_wait3A_54 = tpu.memref_slice %arg2[%dma_wait3A_52, %dma_wait3A_53] : memref<100000x32xf32, #tpu.memory_space<hbm>> -> memref<100000x32xf32, #tpu.memory_space<hbm>>
    tpu.wait_indirect_dma semaphore(%arg8 : memref<!tpu.dma_semaphore, #tpu.memory_space<semaphore_mem>>) src(%dma_wait3A_54 : memref<100000x32xf32, #tpu.memory_space<hbm>>) dst(%dma_wait3A_49 : memref<128x32xf32, #tpu.memory_space<vmem>>)
    %dma_wait3A_55 = arith.constant 128 : i32
    %dma_wait3A_56 = arith.constant 0 : i32
    %dma_wait3A_57 = tpu.memref_slice %arg6[%dma_wait3A_55, %dma_wait3A_56] : memref<512x32xf32, #tpu.memory_space<vmem>> -> memref<128x32xf32, #tpu.memory_space<vmem>>
    %dma_wait3A_58 = arith.constant 128 : i32
    %dma_wait3A_59 = tpu.memref_slice %arg5[%dma_wait3A_58] : memref<512xi32, #tpu.memory_space<vmem>> -> memref<128xi32, #tpu.memory_space<vmem>>
    %dma_wait3A_60 = arith.constant 0 : i32
    %dma_wait3A_61 = arith.constant 0 : i32
    %dma_wait3A_62 = tpu.memref_slice %arg2[%dma_wait3A_60, %dma_wait3A_61] : memref<100000x32xf32, #tpu.memory_space<hbm>> -> memref<100000x32xf32, #tpu.memory_space<hbm>>
    tpu.wait_indirect_dma semaphore(%arg8 : memref<!tpu.dma_semaphore, #tpu.memory_space<semaphore_mem>>) src(%dma_wait3A_62 : memref<100000x32xf32, #tpu.memory_space<hbm>>) dst(%dma_wait3A_57 : memref<128x32xf32, #tpu.memory_space<vmem>>)
    %dma_wait3A_63 = arith.constant 256 : i32
    %dma_wait3A_64 = arith.constant 0 : i32
    %dma_wait3A_65 = tpu.memref_slice %arg6[%dma_wait3A_63, %dma_wait3A_64] : memref<512x32xf32, #tpu.memory_space<vmem>> -> memref<128x32xf32, #tpu.memory_space<vmem>>
    %dma_wait3A_66 = arith.constant 256 : i32
    %dma_wait3A_67 = tpu.memref_slice %arg5[%dma_wait3A_66] : memref<512xi32, #tpu.memory_space<vmem>> -> memref<128xi32, #tpu.memory_space<vmem>>
    %dma_wait3A_68 = arith.constant 0 : i32
    %dma_wait3A_69 = arith.constant 0 : i32
    %dma_wait3A_70 = tpu.memref_slice %arg2[%dma_wait3A_68, %dma_wait3A_69] : memref<100000x32xf32, #tpu.memory_space<hbm>> -> memref<100000x32xf32, #tpu.memory_space<hbm>>
    tpu.wait_indirect_dma semaphore(%arg8 : memref<!tpu.dma_semaphore, #tpu.memory_space<semaphore_mem>>) src(%dma_wait3A_70 : memref<100000x32xf32, #tpu.memory_space<hbm>>) dst(%dma_wait3A_65 : memref<128x32xf32, #tpu.memory_space<vmem>>)
    %dma_wait3A_71 = arith.constant 384 : i32
    %dma_wait3A_72 = arith.constant 0 : i32
    %dma_wait3A_73 = tpu.memref_slice %arg6[%dma_wait3A_71, %dma_wait3A_72] : memref<512x32xf32, #tpu.memory_space<vmem>> -> memref<128x32xf32, #tpu.memory_space<vmem>>
    %dma_wait3A_74 = arith.constant 384 : i32
    %dma_wait3A_75 = tpu.memref_slice %arg5[%dma_wait3A_74] : memref<512xi32, #tpu.memory_space<vmem>> -> memref<128xi32, #tpu.memory_space<vmem>>
    %dma_wait3A_76 = arith.constant 0 : i32
    %dma_wait3A_77 = arith.constant 0 : i32
    %dma_wait3A_78 = tpu.memref_slice %arg2[%dma_wait3A_76, %dma_wait3A_77] : memref<100000x32xf32, #tpu.memory_space<hbm>> -> memref<100000x32xf32, #tpu.memory_space<hbm>>
    tpu.wait_indirect_dma semaphore(%arg8 : memref<!tpu.dma_semaphore, #tpu.memory_space<semaphore_mem>>) src(%dma_wait3A_78 : memref<100000x32xf32, #tpu.memory_space<hbm>>) dst(%dma_wait3A_73 : memref<128x32xf32, #tpu.memory_space<vmem>>)
    %add3A_79 = arith.constant 0 : i32
    %add3A_80 = arith.addi %add3A_79, %mul3A_2 : i32
    %dma_start3A_81 = arith.constant 0 : i32
    %dma_start3A_82 = tpu.memref_slice %arg4[%add3A_80, %dma_start3A_81] : memref<16384x32xf32, #tpu.memory_space<hbm>> -> memref<512x32xf32, #tpu.memory_space<hbm>>
    %dma_start3A_83 = arith.constant 0 : i32
    %dma_start3A_84 = tpu.memref_slice %arg4[%add3A_80, %dma_start3A_83] : memref<16384x32xf32, #tpu.memory_space<hbm>> -> memref<512x32xf32, #tpu.memory_space<hbm>>
    tpu.enqueue_dma source(%arg6 : memref<512x32xf32, #tpu.memory_space<vmem>>) target(%dma_start3A_84 : memref<512x32xf32, #tpu.memory_space<hbm>>) target_semaphore(%arg9 : memref<!tpu.dma_semaphore, #tpu.memory_space<semaphore_mem>>)
    %dma_wait3A_85 = arith.constant 0 : i32
    %dma_wait3A_86 = tpu.memref_slice %arg4[%add3A_80, %dma_wait3A_85] : memref<16384x32xf32, #tpu.memory_space<hbm>> -> memref<512x32xf32, #tpu.memory_space<hbm>>
    %dma_wait3A_87 = arith.constant 0 : i32
    %dma_wait3A_88 = tpu.memref_slice %arg4[%add3A_80, %dma_wait3A_87] : memref<16384x32xf32, #tpu.memory_space<hbm>> -> memref<512x32xf32, #tpu.memory_space<hbm>>
    tpu.wait_dma2 semaphore(%arg9 : memref<!tpu.dma_semaphore, #tpu.memory_space<semaphore_mem>>) src(%arg6 : memref<512x32xf32, #tpu.memory_space<vmem>>) dst(%dma_wait3A_88 : memref<512x32xf32, #tpu.memory_space<hbm>>)
    return
  }
}

#map = affine_map<(d0, d1) -> (0, 0)>
#map1 = affine_map<(d0, d1) -> (0)>
module attributes {stable_mosaic.version = 14 : i64} {
  func.func @k(%arg0: i32, %arg1: i32, %arg2: memref<100000x32xf32, #tpu.memory_space<hbm>>, %arg3: memref<180224xi32, #tpu.memory_space<hbm>>, %arg4: memref<81920x32xf32, #tpu.memory_space<hbm>>, %arg5: memref<2560xi32, #tpu.memory_space<vmem>>, %arg6: memref<512x32xf32, #tpu.memory_space<vmem>>, %arg7: memref<512x32xf32, #tpu.memory_space<vmem>>, %arg8: memref<!tpu.dma_semaphore, #tpu.memory_space<semaphore_mem>>, %arg9: memref<!tpu.dma_semaphore, #tpu.memory_space<semaphore_mem>>, %arg10: memref<!tpu.dma_semaphore, #tpu.memory_space<semaphore_mem>>) attributes {dimension_semantics = [#tpu.dimension_semantics<core_parallel>, #tpu.dimension_semantics<subcore_parallel>], iteration_bounds = array<i64: 2, 16>, scalar_prefetch = 0 : i64, scratch_operands = 6 : i64, tpu.core_type = #tpu.core_type<sc_vector_subcore>, window_params = [{transform_indices = #map}, {transform_indices = #map1}, {transform_indices = #map}]} {
    %mul3A = arith.constant 2 : i32
    %mul3A_0 = arith.muli %arg1, %mul3A : i32
    %add3A = arith.addi %mul3A_0, %arg0 : i32
    %mul3A_1 = arith.constant 512 : i32
    %mul3A_2 = arith.muli %add3A, %mul3A_1 : i32
    %add3A_3 = arith.constant 32768 : i32
    %add3A_4 = arith.addi %add3A_3, %mul3A_2 : i32
    %dma_start3A = arith.constant 0 : i32
    %dma_start3A_5 = tpu.memref_slice %arg5[%dma_start3A] : memref<2560xi32, #tpu.memory_space<vmem>> -> memref<512xi32, #tpu.memory_space<vmem>>
    %dma_start3A_6 = tpu.memref_slice %arg3[%add3A_4] : memref<180224xi32, #tpu.memory_space<hbm>> -> memref<512xi32, #tpu.memory_space<hbm>>
    %dma_start3A_7 = arith.constant 0 : i32
    %dma_start3A_8 = tpu.memref_slice %arg5[%dma_start3A_7] : memref<2560xi32, #tpu.memory_space<vmem>> -> memref<512xi32, #tpu.memory_space<vmem>>
    %dma_start3A_9 = tpu.memref_slice %arg3[%add3A_4] : memref<180224xi32, #tpu.memory_space<hbm>> -> memref<512xi32, #tpu.memory_space<hbm>>
    tpu.enqueue_dma source(%dma_start3A_9 : memref<512xi32, #tpu.memory_space<hbm>>) target(%dma_start3A_8 : memref<512xi32, #tpu.memory_space<vmem>>) target_semaphore(%arg8 : memref<!tpu.dma_semaphore, #tpu.memory_space<semaphore_mem>>)
    %add3A_10 = arith.constant 49152 : i32
    %add3A_11 = arith.addi %add3A_10, %mul3A_2 : i32
    %dma_start3A_12 = arith.constant 512 : i32
    %dma_start3A_13 = tpu.memref_slice %arg5[%dma_start3A_12] : memref<2560xi32, #tpu.memory_space<vmem>> -> memref<512xi32, #tpu.memory_space<vmem>>
    %dma_start3A_14 = tpu.memref_slice %arg3[%add3A_11] : memref<180224xi32, #tpu.memory_space<hbm>> -> memref<512xi32, #tpu.memory_space<hbm>>
    %dma_start3A_15 = arith.constant 512 : i32
    %dma_start3A_16 = tpu.memref_slice %arg5[%dma_start3A_15] : memref<2560xi32, #tpu.memory_space<vmem>> -> memref<512xi32, #tpu.memory_space<vmem>>
    %dma_start3A_17 = tpu.memref_slice %arg3[%add3A_11] : memref<180224xi32, #tpu.memory_space<hbm>> -> memref<512xi32, #tpu.memory_space<hbm>>
    tpu.enqueue_dma source(%dma_start3A_17 : memref<512xi32, #tpu.memory_space<hbm>>) target(%dma_start3A_16 : memref<512xi32, #tpu.memory_space<vmem>>) target_semaphore(%arg8 : memref<!tpu.dma_semaphore, #tpu.memory_space<semaphore_mem>>)
    %add3A_18 = arith.constant 65536 : i32
    %add3A_19 = arith.addi %add3A_18, %mul3A_2 : i32
    %dma_start3A_20 = arith.constant 1024 : i32
    %dma_start3A_21 = tpu.memref_slice %arg5[%dma_start3A_20] : memref<2560xi32, #tpu.memory_space<vmem>> -> memref<512xi32, #tpu.memory_space<vmem>>
    %dma_start3A_22 = tpu.memref_slice %arg3[%add3A_19] : memref<180224xi32, #tpu.memory_space<hbm>> -> memref<512xi32, #tpu.memory_space<hbm>>
    %dma_start3A_23 = arith.constant 1024 : i32
    %dma_start3A_24 = tpu.memref_slice %arg5[%dma_start3A_23] : memref<2560xi32, #tpu.memory_space<vmem>> -> memref<512xi32, #tpu.memory_space<vmem>>
    %dma_start3A_25 = tpu.memref_slice %arg3[%add3A_19] : memref<180224xi32, #tpu.memory_space<hbm>> -> memref<512xi32, #tpu.memory_space<hbm>>
    tpu.enqueue_dma source(%dma_start3A_25 : memref<512xi32, #tpu.memory_space<hbm>>) target(%dma_start3A_24 : memref<512xi32, #tpu.memory_space<vmem>>) target_semaphore(%arg8 : memref<!tpu.dma_semaphore, #tpu.memory_space<semaphore_mem>>)
    %add3A_26 = arith.constant 81920 : i32
    %add3A_27 = arith.addi %add3A_26, %mul3A_2 : i32
    %dma_start3A_28 = arith.constant 1536 : i32
    %dma_start3A_29 = tpu.memref_slice %arg5[%dma_start3A_28] : memref<2560xi32, #tpu.memory_space<vmem>> -> memref<512xi32, #tpu.memory_space<vmem>>
    %dma_start3A_30 = tpu.memref_slice %arg3[%add3A_27] : memref<180224xi32, #tpu.memory_space<hbm>> -> memref<512xi32, #tpu.memory_space<hbm>>
    %dma_start3A_31 = arith.constant 1536 : i32
    %dma_start3A_32 = tpu.memref_slice %arg5[%dma_start3A_31] : memref<2560xi32, #tpu.memory_space<vmem>> -> memref<512xi32, #tpu.memory_space<vmem>>
    %dma_start3A_33 = tpu.memref_slice %arg3[%add3A_27] : memref<180224xi32, #tpu.memory_space<hbm>> -> memref<512xi32, #tpu.memory_space<hbm>>
    tpu.enqueue_dma source(%dma_start3A_33 : memref<512xi32, #tpu.memory_space<hbm>>) target(%dma_start3A_32 : memref<512xi32, #tpu.memory_space<vmem>>) target_semaphore(%arg8 : memref<!tpu.dma_semaphore, #tpu.memory_space<semaphore_mem>>)
    %add3A_34 = arith.constant 98304 : i32
    %add3A_35 = arith.addi %add3A_34, %mul3A_2 : i32
    %dma_start3A_36 = arith.constant 2048 : i32
    %dma_start3A_37 = tpu.memref_slice %arg5[%dma_start3A_36] : memref<2560xi32, #tpu.memory_space<vmem>> -> memref<512xi32, #tpu.memory_space<vmem>>
    %dma_start3A_38 = tpu.memref_slice %arg3[%add3A_35] : memref<180224xi32, #tpu.memory_space<hbm>> -> memref<512xi32, #tpu.memory_space<hbm>>
    %dma_start3A_39 = arith.constant 2048 : i32
    %dma_start3A_40 = tpu.memref_slice %arg5[%dma_start3A_39] : memref<2560xi32, #tpu.memory_space<vmem>> -> memref<512xi32, #tpu.memory_space<vmem>>
    %dma_start3A_41 = tpu.memref_slice %arg3[%add3A_35] : memref<180224xi32, #tpu.memory_space<hbm>> -> memref<512xi32, #tpu.memory_space<hbm>>
    tpu.enqueue_dma source(%dma_start3A_41 : memref<512xi32, #tpu.memory_space<hbm>>) target(%dma_start3A_40 : memref<512xi32, #tpu.memory_space<vmem>>) target_semaphore(%arg8 : memref<!tpu.dma_semaphore, #tpu.memory_space<semaphore_mem>>)
    %dma_wait3A = arith.constant 0 : i32
    %dma_wait3A_42 = tpu.memref_slice %arg5[%dma_wait3A] : memref<2560xi32, #tpu.memory_space<vmem>> -> memref<512xi32, #tpu.memory_space<vmem>>
    %dma_wait3A_43 = tpu.memref_slice %arg3[%add3A_4] : memref<180224xi32, #tpu.memory_space<hbm>> -> memref<512xi32, #tpu.memory_space<hbm>>
    %dma_wait3A_44 = arith.constant 0 : i32
    %dma_wait3A_45 = tpu.memref_slice %arg5[%dma_wait3A_44] : memref<2560xi32, #tpu.memory_space<vmem>> -> memref<512xi32, #tpu.memory_space<vmem>>
    %dma_wait3A_46 = tpu.memref_slice %arg3[%add3A_4] : memref<180224xi32, #tpu.memory_space<hbm>> -> memref<512xi32, #tpu.memory_space<hbm>>
    tpu.wait_dma2 semaphore(%arg8 : memref<!tpu.dma_semaphore, #tpu.memory_space<semaphore_mem>>) src(%dma_wait3A_46 : memref<512xi32, #tpu.memory_space<hbm>>) dst(%dma_wait3A_45 : memref<512xi32, #tpu.memory_space<vmem>>)
    %dma_wait3A_47 = arith.constant 512 : i32
    %dma_wait3A_48 = tpu.memref_slice %arg5[%dma_wait3A_47] : memref<2560xi32, #tpu.memory_space<vmem>> -> memref<512xi32, #tpu.memory_space<vmem>>
    %dma_wait3A_49 = tpu.memref_slice %arg3[%add3A_11] : memref<180224xi32, #tpu.memory_space<hbm>> -> memref<512xi32, #tpu.memory_space<hbm>>
    %dma_wait3A_50 = arith.constant 512 : i32
    %dma_wait3A_51 = tpu.memref_slice %arg5[%dma_wait3A_50] : memref<2560xi32, #tpu.memory_space<vmem>> -> memref<512xi32, #tpu.memory_space<vmem>>
    %dma_wait3A_52 = tpu.memref_slice %arg3[%add3A_11] : memref<180224xi32, #tpu.memory_space<hbm>> -> memref<512xi32, #tpu.memory_space<hbm>>
    tpu.wait_dma2 semaphore(%arg8 : memref<!tpu.dma_semaphore, #tpu.memory_space<semaphore_mem>>) src(%dma_wait3A_52 : memref<512xi32, #tpu.memory_space<hbm>>) dst(%dma_wait3A_51 : memref<512xi32, #tpu.memory_space<vmem>>)
    %dma_wait3A_53 = arith.constant 1024 : i32
    %dma_wait3A_54 = tpu.memref_slice %arg5[%dma_wait3A_53] : memref<2560xi32, #tpu.memory_space<vmem>> -> memref<512xi32, #tpu.memory_space<vmem>>
    %dma_wait3A_55 = tpu.memref_slice %arg3[%add3A_19] : memref<180224xi32, #tpu.memory_space<hbm>> -> memref<512xi32, #tpu.memory_space<hbm>>
    %dma_wait3A_56 = arith.constant 1024 : i32
    %dma_wait3A_57 = tpu.memref_slice %arg5[%dma_wait3A_56] : memref<2560xi32, #tpu.memory_space<vmem>> -> memref<512xi32, #tpu.memory_space<vmem>>
    %dma_wait3A_58 = tpu.memref_slice %arg3[%add3A_19] : memref<180224xi32, #tpu.memory_space<hbm>> -> memref<512xi32, #tpu.memory_space<hbm>>
    tpu.wait_dma2 semaphore(%arg8 : memref<!tpu.dma_semaphore, #tpu.memory_space<semaphore_mem>>) src(%dma_wait3A_58 : memref<512xi32, #tpu.memory_space<hbm>>) dst(%dma_wait3A_57 : memref<512xi32, #tpu.memory_space<vmem>>)
    %dma_wait3A_59 = arith.constant 1536 : i32
    %dma_wait3A_60 = tpu.memref_slice %arg5[%dma_wait3A_59] : memref<2560xi32, #tpu.memory_space<vmem>> -> memref<512xi32, #tpu.memory_space<vmem>>
    %dma_wait3A_61 = tpu.memref_slice %arg3[%add3A_27] : memref<180224xi32, #tpu.memory_space<hbm>> -> memref<512xi32, #tpu.memory_space<hbm>>
    %dma_wait3A_62 = arith.constant 1536 : i32
    %dma_wait3A_63 = tpu.memref_slice %arg5[%dma_wait3A_62] : memref<2560xi32, #tpu.memory_space<vmem>> -> memref<512xi32, #tpu.memory_space<vmem>>
    %dma_wait3A_64 = tpu.memref_slice %arg3[%add3A_27] : memref<180224xi32, #tpu.memory_space<hbm>> -> memref<512xi32, #tpu.memory_space<hbm>>
    tpu.wait_dma2 semaphore(%arg8 : memref<!tpu.dma_semaphore, #tpu.memory_space<semaphore_mem>>) src(%dma_wait3A_64 : memref<512xi32, #tpu.memory_space<hbm>>) dst(%dma_wait3A_63 : memref<512xi32, #tpu.memory_space<vmem>>)
    %dma_wait3A_65 = arith.constant 2048 : i32
    %dma_wait3A_66 = tpu.memref_slice %arg5[%dma_wait3A_65] : memref<2560xi32, #tpu.memory_space<vmem>> -> memref<512xi32, #tpu.memory_space<vmem>>
    %dma_wait3A_67 = tpu.memref_slice %arg3[%add3A_35] : memref<180224xi32, #tpu.memory_space<hbm>> -> memref<512xi32, #tpu.memory_space<hbm>>
    %dma_wait3A_68 = arith.constant 2048 : i32
    %dma_wait3A_69 = tpu.memref_slice %arg5[%dma_wait3A_68] : memref<2560xi32, #tpu.memory_space<vmem>> -> memref<512xi32, #tpu.memory_space<vmem>>
    %dma_wait3A_70 = tpu.memref_slice %arg3[%add3A_35] : memref<180224xi32, #tpu.memory_space<hbm>> -> memref<512xi32, #tpu.memory_space<hbm>>
    tpu.wait_dma2 semaphore(%arg8 : memref<!tpu.dma_semaphore, #tpu.memory_space<semaphore_mem>>) src(%dma_wait3A_70 : memref<512xi32, #tpu.memory_space<hbm>>) dst(%dma_wait3A_69 : memref<512xi32, #tpu.memory_space<vmem>>)
    %dma_start3A_71 = arith.constant 0 : i32
    %dma_start3A_72 = arith.constant 0 : i32
    %dma_start3A_73 = tpu.memref_slice %arg6[%dma_start3A_71, %dma_start3A_72] : memref<512x32xf32, #tpu.memory_space<vmem>> -> memref<128x32xf32, #tpu.memory_space<vmem>>
    %dma_start3A_74 = arith.constant 0 : i32
    %dma_start3A_75 = tpu.memref_slice %arg5[%dma_start3A_74] : memref<2560xi32, #tpu.memory_space<vmem>> -> memref<128xi32, #tpu.memory_space<vmem>>
    %dma_start3A_76 = arith.constant 0 : i32
    %dma_start3A_77 = arith.constant 0 : i32
    %dma_start3A_78 = tpu.memref_slice %arg2[%dma_start3A_76, %dma_start3A_77] : memref<100000x32xf32, #tpu.memory_space<hbm>> -> memref<100000x32xf32, #tpu.memory_space<hbm>>
    tpu.enqueue_indirect_dma source(%dma_start3A_78 : memref<100000x32xf32, #tpu.memory_space<hbm>>) target(%dma_start3A_73 : memref<128x32xf32, #tpu.memory_space<vmem>>) offsets(%dma_start3A_75 : memref<128xi32, #tpu.memory_space<vmem>>) semaphore(%arg8 : memref<!tpu.dma_semaphore, #tpu.memory_space<semaphore_mem>>)
    %dma_start3A_79 = arith.constant 128 : i32
    %dma_start3A_80 = arith.constant 0 : i32
    %dma_start3A_81 = tpu.memref_slice %arg6[%dma_start3A_79, %dma_start3A_80] : memref<512x32xf32, #tpu.memory_space<vmem>> -> memref<128x32xf32, #tpu.memory_space<vmem>>
    %dma_start3A_82 = arith.constant 128 : i32
    %dma_start3A_83 = tpu.memref_slice %arg5[%dma_start3A_82] : memref<2560xi32, #tpu.memory_space<vmem>> -> memref<128xi32, #tpu.memory_space<vmem>>
    %dma_start3A_84 = arith.constant 0 : i32
    %dma_start3A_85 = arith.constant 0 : i32
    %dma_start3A_86 = tpu.memref_slice %arg2[%dma_start3A_84, %dma_start3A_85] : memref<100000x32xf32, #tpu.memory_space<hbm>> -> memref<100000x32xf32, #tpu.memory_space<hbm>>
    tpu.enqueue_indirect_dma source(%dma_start3A_86 : memref<100000x32xf32, #tpu.memory_space<hbm>>) target(%dma_start3A_81 : memref<128x32xf32, #tpu.memory_space<vmem>>) offsets(%dma_start3A_83 : memref<128xi32, #tpu.memory_space<vmem>>) semaphore(%arg8 : memref<!tpu.dma_semaphore, #tpu.memory_space<semaphore_mem>>)
    %dma_start3A_87 = arith.constant 256 : i32
    %dma_start3A_88 = arith.constant 0 : i32
    %dma_start3A_89 = tpu.memref_slice %arg6[%dma_start3A_87, %dma_start3A_88] : memref<512x32xf32, #tpu.memory_space<vmem>> -> memref<128x32xf32, #tpu.memory_space<vmem>>
    %dma_start3A_90 = arith.constant 256 : i32
    %dma_start3A_91 = tpu.memref_slice %arg5[%dma_start3A_90] : memref<2560xi32, #tpu.memory_space<vmem>> -> memref<128xi32, #tpu.memory_space<vmem>>
    %dma_start3A_92 = arith.constant 0 : i32
    %dma_start3A_93 = arith.constant 0 : i32
    %dma_start3A_94 = tpu.memref_slice %arg2[%dma_start3A_92, %dma_start3A_93] : memref<100000x32xf32, #tpu.memory_space<hbm>> -> memref<100000x32xf32, #tpu.memory_space<hbm>>
    tpu.enqueue_indirect_dma source(%dma_start3A_94 : memref<100000x32xf32, #tpu.memory_space<hbm>>) target(%dma_start3A_89 : memref<128x32xf32, #tpu.memory_space<vmem>>) offsets(%dma_start3A_91 : memref<128xi32, #tpu.memory_space<vmem>>) semaphore(%arg8 : memref<!tpu.dma_semaphore, #tpu.memory_space<semaphore_mem>>)
    %dma_start3A_95 = arith.constant 384 : i32
    %dma_start3A_96 = arith.constant 0 : i32
    %dma_start3A_97 = tpu.memref_slice %arg6[%dma_start3A_95, %dma_start3A_96] : memref<512x32xf32, #tpu.memory_space<vmem>> -> memref<128x32xf32, #tpu.memory_space<vmem>>
    %dma_start3A_98 = arith.constant 384 : i32
    %dma_start3A_99 = tpu.memref_slice %arg5[%dma_start3A_98] : memref<2560xi32, #tpu.memory_space<vmem>> -> memref<128xi32, #tpu.memory_space<vmem>>
    %dma_start3A_100 = arith.constant 0 : i32
    %dma_start3A_101 = arith.constant 0 : i32
    %dma_start3A_102 = tpu.memref_slice %arg2[%dma_start3A_100, %dma_start3A_101] : memref<100000x32xf32, #tpu.memory_space<hbm>> -> memref<100000x32xf32, #tpu.memory_space<hbm>>
    tpu.enqueue_indirect_dma source(%dma_start3A_102 : memref<100000x32xf32, #tpu.memory_space<hbm>>) target(%dma_start3A_97 : memref<128x32xf32, #tpu.memory_space<vmem>>) offsets(%dma_start3A_99 : memref<128xi32, #tpu.memory_space<vmem>>) semaphore(%arg8 : memref<!tpu.dma_semaphore, #tpu.memory_space<semaphore_mem>>)
    %dma_wait3A_103 = arith.constant 0 : i32
    %dma_wait3A_104 = arith.constant 0 : i32
    %dma_wait3A_105 = tpu.memref_slice %arg6[%dma_wait3A_103, %dma_wait3A_104] : memref<512x32xf32, #tpu.memory_space<vmem>> -> memref<128x32xf32, #tpu.memory_space<vmem>>
    %dma_wait3A_106 = arith.constant 0 : i32
    %dma_wait3A_107 = tpu.memref_slice %arg5[%dma_wait3A_106] : memref<2560xi32, #tpu.memory_space<vmem>> -> memref<128xi32, #tpu.memory_space<vmem>>
    %dma_wait3A_108 = arith.constant 0 : i32
    %dma_wait3A_109 = arith.constant 0 : i32
    %dma_wait3A_110 = tpu.memref_slice %arg2[%dma_wait3A_108, %dma_wait3A_109] : memref<100000x32xf32, #tpu.memory_space<hbm>> -> memref<100000x32xf32, #tpu.memory_space<hbm>>
    tpu.wait_indirect_dma semaphore(%arg8 : memref<!tpu.dma_semaphore, #tpu.memory_space<semaphore_mem>>) src(%dma_wait3A_110 : memref<100000x32xf32, #tpu.memory_space<hbm>>) dst(%dma_wait3A_105 : memref<128x32xf32, #tpu.memory_space<vmem>>)
    %dma_wait3A_111 = arith.constant 128 : i32
    %dma_wait3A_112 = arith.constant 0 : i32
    %dma_wait3A_113 = tpu.memref_slice %arg6[%dma_wait3A_111, %dma_wait3A_112] : memref<512x32xf32, #tpu.memory_space<vmem>> -> memref<128x32xf32, #tpu.memory_space<vmem>>
    %dma_wait3A_114 = arith.constant 128 : i32
    %dma_wait3A_115 = tpu.memref_slice %arg5[%dma_wait3A_114] : memref<2560xi32, #tpu.memory_space<vmem>> -> memref<128xi32, #tpu.memory_space<vmem>>
    %dma_wait3A_116 = arith.constant 0 : i32
    %dma_wait3A_117 = arith.constant 0 : i32
    %dma_wait3A_118 = tpu.memref_slice %arg2[%dma_wait3A_116, %dma_wait3A_117] : memref<100000x32xf32, #tpu.memory_space<hbm>> -> memref<100000x32xf32, #tpu.memory_space<hbm>>
    tpu.wait_indirect_dma semaphore(%arg8 : memref<!tpu.dma_semaphore, #tpu.memory_space<semaphore_mem>>) src(%dma_wait3A_118 : memref<100000x32xf32, #tpu.memory_space<hbm>>) dst(%dma_wait3A_113 : memref<128x32xf32, #tpu.memory_space<vmem>>)
    %dma_wait3A_119 = arith.constant 256 : i32
    %dma_wait3A_120 = arith.constant 0 : i32
    %dma_wait3A_121 = tpu.memref_slice %arg6[%dma_wait3A_119, %dma_wait3A_120] : memref<512x32xf32, #tpu.memory_space<vmem>> -> memref<128x32xf32, #tpu.memory_space<vmem>>
    %dma_wait3A_122 = arith.constant 256 : i32
    %dma_wait3A_123 = tpu.memref_slice %arg5[%dma_wait3A_122] : memref<2560xi32, #tpu.memory_space<vmem>> -> memref<128xi32, #tpu.memory_space<vmem>>
    %dma_wait3A_124 = arith.constant 0 : i32
    %dma_wait3A_125 = arith.constant 0 : i32
    %dma_wait3A_126 = tpu.memref_slice %arg2[%dma_wait3A_124, %dma_wait3A_125] : memref<100000x32xf32, #tpu.memory_space<hbm>> -> memref<100000x32xf32, #tpu.memory_space<hbm>>
    tpu.wait_indirect_dma semaphore(%arg8 : memref<!tpu.dma_semaphore, #tpu.memory_space<semaphore_mem>>) src(%dma_wait3A_126 : memref<100000x32xf32, #tpu.memory_space<hbm>>) dst(%dma_wait3A_121 : memref<128x32xf32, #tpu.memory_space<vmem>>)
    %dma_wait3A_127 = arith.constant 384 : i32
    %dma_wait3A_128 = arith.constant 0 : i32
    %dma_wait3A_129 = tpu.memref_slice %arg6[%dma_wait3A_127, %dma_wait3A_128] : memref<512x32xf32, #tpu.memory_space<vmem>> -> memref<128x32xf32, #tpu.memory_space<vmem>>
    %dma_wait3A_130 = arith.constant 384 : i32
    %dma_wait3A_131 = tpu.memref_slice %arg5[%dma_wait3A_130] : memref<2560xi32, #tpu.memory_space<vmem>> -> memref<128xi32, #tpu.memory_space<vmem>>
    %dma_wait3A_132 = arith.constant 0 : i32
    %dma_wait3A_133 = arith.constant 0 : i32
    %dma_wait3A_134 = tpu.memref_slice %arg2[%dma_wait3A_132, %dma_wait3A_133] : memref<100000x32xf32, #tpu.memory_space<hbm>> -> memref<100000x32xf32, #tpu.memory_space<hbm>>
    tpu.wait_indirect_dma semaphore(%arg8 : memref<!tpu.dma_semaphore, #tpu.memory_space<semaphore_mem>>) src(%dma_wait3A_134 : memref<100000x32xf32, #tpu.memory_space<hbm>>) dst(%dma_wait3A_129 : memref<128x32xf32, #tpu.memory_space<vmem>>)
    %add3A_135 = arith.constant 0 : i32
    %add3A_136 = arith.addi %add3A_135, %mul3A_2 : i32
    %dma_start3A_137 = arith.constant 0 : i32
    %dma_start3A_138 = tpu.memref_slice %arg4[%add3A_136, %dma_start3A_137] : memref<81920x32xf32, #tpu.memory_space<hbm>> -> memref<512x32xf32, #tpu.memory_space<hbm>>
    %dma_start3A_139 = arith.constant 0 : i32
    %dma_start3A_140 = tpu.memref_slice %arg4[%add3A_136, %dma_start3A_139] : memref<81920x32xf32, #tpu.memory_space<hbm>> -> memref<512x32xf32, #tpu.memory_space<hbm>>
    tpu.enqueue_dma source(%arg6 : memref<512x32xf32, #tpu.memory_space<vmem>>) target(%dma_start3A_140 : memref<512x32xf32, #tpu.memory_space<hbm>>) target_semaphore(%arg9 : memref<!tpu.dma_semaphore, #tpu.memory_space<semaphore_mem>>)
    %dma_start3A_141 = arith.constant 0 : i32
    %dma_start3A_142 = arith.constant 0 : i32
    %dma_start3A_143 = tpu.memref_slice %arg7[%dma_start3A_141, %dma_start3A_142] : memref<512x32xf32, #tpu.memory_space<vmem>> -> memref<128x32xf32, #tpu.memory_space<vmem>>
    %dma_start3A_144 = arith.constant 512 : i32
    %dma_start3A_145 = tpu.memref_slice %arg5[%dma_start3A_144] : memref<2560xi32, #tpu.memory_space<vmem>> -> memref<128xi32, #tpu.memory_space<vmem>>
    %dma_start3A_146 = arith.constant 0 : i32
    %dma_start3A_147 = arith.constant 0 : i32
    %dma_start3A_148 = tpu.memref_slice %arg2[%dma_start3A_146, %dma_start3A_147] : memref<100000x32xf32, #tpu.memory_space<hbm>> -> memref<100000x32xf32, #tpu.memory_space<hbm>>
    tpu.enqueue_indirect_dma source(%dma_start3A_148 : memref<100000x32xf32, #tpu.memory_space<hbm>>) target(%dma_start3A_143 : memref<128x32xf32, #tpu.memory_space<vmem>>) offsets(%dma_start3A_145 : memref<128xi32, #tpu.memory_space<vmem>>) semaphore(%arg8 : memref<!tpu.dma_semaphore, #tpu.memory_space<semaphore_mem>>)
    %dma_start3A_149 = arith.constant 128 : i32
    %dma_start3A_150 = arith.constant 0 : i32
    %dma_start3A_151 = tpu.memref_slice %arg7[%dma_start3A_149, %dma_start3A_150] : memref<512x32xf32, #tpu.memory_space<vmem>> -> memref<128x32xf32, #tpu.memory_space<vmem>>
    %dma_start3A_152 = arith.constant 640 : i32
    %dma_start3A_153 = tpu.memref_slice %arg5[%dma_start3A_152] : memref<2560xi32, #tpu.memory_space<vmem>> -> memref<128xi32, #tpu.memory_space<vmem>>
    %dma_start3A_154 = arith.constant 0 : i32
    %dma_start3A_155 = arith.constant 0 : i32
    %dma_start3A_156 = tpu.memref_slice %arg2[%dma_start3A_154, %dma_start3A_155] : memref<100000x32xf32, #tpu.memory_space<hbm>> -> memref<100000x32xf32, #tpu.memory_space<hbm>>
    tpu.enqueue_indirect_dma source(%dma_start3A_156 : memref<100000x32xf32, #tpu.memory_space<hbm>>) target(%dma_start3A_151 : memref<128x32xf32, #tpu.memory_space<vmem>>) offsets(%dma_start3A_153 : memref<128xi32, #tpu.memory_space<vmem>>) semaphore(%arg8 : memref<!tpu.dma_semaphore, #tpu.memory_space<semaphore_mem>>)
    %dma_start3A_157 = arith.constant 256 : i32
    %dma_start3A_158 = arith.constant 0 : i32
    %dma_start3A_159 = tpu.memref_slice %arg7[%dma_start3A_157, %dma_start3A_158] : memref<512x32xf32, #tpu.memory_space<vmem>> -> memref<128x32xf32, #tpu.memory_space<vmem>>
    %dma_start3A_160 = arith.constant 768 : i32
    %dma_start3A_161 = tpu.memref_slice %arg5[%dma_start3A_160] : memref<2560xi32, #tpu.memory_space<vmem>> -> memref<128xi32, #tpu.memory_space<vmem>>
    %dma_start3A_162 = arith.constant 0 : i32
    %dma_start3A_163 = arith.constant 0 : i32
    %dma_start3A_164 = tpu.memref_slice %arg2[%dma_start3A_162, %dma_start3A_163] : memref<100000x32xf32, #tpu.memory_space<hbm>> -> memref<100000x32xf32, #tpu.memory_space<hbm>>
    tpu.enqueue_indirect_dma source(%dma_start3A_164 : memref<100000x32xf32, #tpu.memory_space<hbm>>) target(%dma_start3A_159 : memref<128x32xf32, #tpu.memory_space<vmem>>) offsets(%dma_start3A_161 : memref<128xi32, #tpu.memory_space<vmem>>) semaphore(%arg8 : memref<!tpu.dma_semaphore, #tpu.memory_space<semaphore_mem>>)
    %dma_start3A_165 = arith.constant 384 : i32
    %dma_start3A_166 = arith.constant 0 : i32
    %dma_start3A_167 = tpu.memref_slice %arg7[%dma_start3A_165, %dma_start3A_166] : memref<512x32xf32, #tpu.memory_space<vmem>> -> memref<128x32xf32, #tpu.memory_space<vmem>>
    %dma_start3A_168 = arith.constant 896 : i32
    %dma_start3A_169 = tpu.memref_slice %arg5[%dma_start3A_168] : memref<2560xi32, #tpu.memory_space<vmem>> -> memref<128xi32, #tpu.memory_space<vmem>>
    %dma_start3A_170 = arith.constant 0 : i32
    %dma_start3A_171 = arith.constant 0 : i32
    %dma_start3A_172 = tpu.memref_slice %arg2[%dma_start3A_170, %dma_start3A_171] : memref<100000x32xf32, #tpu.memory_space<hbm>> -> memref<100000x32xf32, #tpu.memory_space<hbm>>
    tpu.enqueue_indirect_dma source(%dma_start3A_172 : memref<100000x32xf32, #tpu.memory_space<hbm>>) target(%dma_start3A_167 : memref<128x32xf32, #tpu.memory_space<vmem>>) offsets(%dma_start3A_169 : memref<128xi32, #tpu.memory_space<vmem>>) semaphore(%arg8 : memref<!tpu.dma_semaphore, #tpu.memory_space<semaphore_mem>>)
    %dma_wait3A_173 = arith.constant 0 : i32
    %dma_wait3A_174 = arith.constant 0 : i32
    %dma_wait3A_175 = tpu.memref_slice %arg7[%dma_wait3A_173, %dma_wait3A_174] : memref<512x32xf32, #tpu.memory_space<vmem>> -> memref<128x32xf32, #tpu.memory_space<vmem>>
    %dma_wait3A_176 = arith.constant 512 : i32
    %dma_wait3A_177 = tpu.memref_slice %arg5[%dma_wait3A_176] : memref<2560xi32, #tpu.memory_space<vmem>> -> memref<128xi32, #tpu.memory_space<vmem>>
    %dma_wait3A_178 = arith.constant 0 : i32
    %dma_wait3A_179 = arith.constant 0 : i32
    %dma_wait3A_180 = tpu.memref_slice %arg2[%dma_wait3A_178, %dma_wait3A_179] : memref<100000x32xf32, #tpu.memory_space<hbm>> -> memref<100000x32xf32, #tpu.memory_space<hbm>>
    tpu.wait_indirect_dma semaphore(%arg8 : memref<!tpu.dma_semaphore, #tpu.memory_space<semaphore_mem>>) src(%dma_wait3A_180 : memref<100000x32xf32, #tpu.memory_space<hbm>>) dst(%dma_wait3A_175 : memref<128x32xf32, #tpu.memory_space<vmem>>)
    %dma_wait3A_181 = arith.constant 128 : i32
    %dma_wait3A_182 = arith.constant 0 : i32
    %dma_wait3A_183 = tpu.memref_slice %arg7[%dma_wait3A_181, %dma_wait3A_182] : memref<512x32xf32, #tpu.memory_space<vmem>> -> memref<128x32xf32, #tpu.memory_space<vmem>>
    %dma_wait3A_184 = arith.constant 640 : i32
    %dma_wait3A_185 = tpu.memref_slice %arg5[%dma_wait3A_184] : memref<2560xi32, #tpu.memory_space<vmem>> -> memref<128xi32, #tpu.memory_space<vmem>>
    %dma_wait3A_186 = arith.constant 0 : i32
    %dma_wait3A_187 = arith.constant 0 : i32
    %dma_wait3A_188 = tpu.memref_slice %arg2[%dma_wait3A_186, %dma_wait3A_187] : memref<100000x32xf32, #tpu.memory_space<hbm>> -> memref<100000x32xf32, #tpu.memory_space<hbm>>
    tpu.wait_indirect_dma semaphore(%arg8 : memref<!tpu.dma_semaphore, #tpu.memory_space<semaphore_mem>>) src(%dma_wait3A_188 : memref<100000x32xf32, #tpu.memory_space<hbm>>) dst(%dma_wait3A_183 : memref<128x32xf32, #tpu.memory_space<vmem>>)
    %dma_wait3A_189 = arith.constant 256 : i32
    %dma_wait3A_190 = arith.constant 0 : i32
    %dma_wait3A_191 = tpu.memref_slice %arg7[%dma_wait3A_189, %dma_wait3A_190] : memref<512x32xf32, #tpu.memory_space<vmem>> -> memref<128x32xf32, #tpu.memory_space<vmem>>
    %dma_wait3A_192 = arith.constant 768 : i32
    %dma_wait3A_193 = tpu.memref_slice %arg5[%dma_wait3A_192] : memref<2560xi32, #tpu.memory_space<vmem>> -> memref<128xi32, #tpu.memory_space<vmem>>
    %dma_wait3A_194 = arith.constant 0 : i32
    %dma_wait3A_195 = arith.constant 0 : i32
    %dma_wait3A_196 = tpu.memref_slice %arg2[%dma_wait3A_194, %dma_wait3A_195] : memref<100000x32xf32, #tpu.memory_space<hbm>> -> memref<100000x32xf32, #tpu.memory_space<hbm>>
    tpu.wait_indirect_dma semaphore(%arg8 : memref<!tpu.dma_semaphore, #tpu.memory_space<semaphore_mem>>) src(%dma_wait3A_196 : memref<100000x32xf32, #tpu.memory_space<hbm>>) dst(%dma_wait3A_191 : memref<128x32xf32, #tpu.memory_space<vmem>>)
    %dma_wait3A_197 = arith.constant 384 : i32
    %dma_wait3A_198 = arith.constant 0 : i32
    %dma_wait3A_199 = tpu.memref_slice %arg7[%dma_wait3A_197, %dma_wait3A_198] : memref<512x32xf32, #tpu.memory_space<vmem>> -> memref<128x32xf32, #tpu.memory_space<vmem>>
    %dma_wait3A_200 = arith.constant 896 : i32
    %dma_wait3A_201 = tpu.memref_slice %arg5[%dma_wait3A_200] : memref<2560xi32, #tpu.memory_space<vmem>> -> memref<128xi32, #tpu.memory_space<vmem>>
    %dma_wait3A_202 = arith.constant 0 : i32
    %dma_wait3A_203 = arith.constant 0 : i32
    %dma_wait3A_204 = tpu.memref_slice %arg2[%dma_wait3A_202, %dma_wait3A_203] : memref<100000x32xf32, #tpu.memory_space<hbm>> -> memref<100000x32xf32, #tpu.memory_space<hbm>>
    tpu.wait_indirect_dma semaphore(%arg8 : memref<!tpu.dma_semaphore, #tpu.memory_space<semaphore_mem>>) src(%dma_wait3A_204 : memref<100000x32xf32, #tpu.memory_space<hbm>>) dst(%dma_wait3A_199 : memref<128x32xf32, #tpu.memory_space<vmem>>)
    %add3A_205 = arith.constant 16384 : i32
    %add3A_206 = arith.addi %add3A_205, %mul3A_2 : i32
    %dma_start3A_207 = arith.constant 0 : i32
    %dma_start3A_208 = tpu.memref_slice %arg4[%add3A_206, %dma_start3A_207] : memref<81920x32xf32, #tpu.memory_space<hbm>> -> memref<512x32xf32, #tpu.memory_space<hbm>>
    %dma_start3A_209 = arith.constant 0 : i32
    %dma_start3A_210 = tpu.memref_slice %arg4[%add3A_206, %dma_start3A_209] : memref<81920x32xf32, #tpu.memory_space<hbm>> -> memref<512x32xf32, #tpu.memory_space<hbm>>
    tpu.enqueue_dma source(%arg7 : memref<512x32xf32, #tpu.memory_space<vmem>>) target(%dma_start3A_210 : memref<512x32xf32, #tpu.memory_space<hbm>>) target_semaphore(%arg10 : memref<!tpu.dma_semaphore, #tpu.memory_space<semaphore_mem>>)
    %dma_wait3A_211 = arith.constant 0 : i32
    %dma_wait3A_212 = tpu.memref_slice %arg4[%add3A_136, %dma_wait3A_211] : memref<81920x32xf32, #tpu.memory_space<hbm>> -> memref<512x32xf32, #tpu.memory_space<hbm>>
    %dma_wait3A_213 = arith.constant 0 : i32
    %dma_wait3A_214 = tpu.memref_slice %arg4[%add3A_136, %dma_wait3A_213] : memref<81920x32xf32, #tpu.memory_space<hbm>> -> memref<512x32xf32, #tpu.memory_space<hbm>>
    tpu.wait_dma2 semaphore(%arg9 : memref<!tpu.dma_semaphore, #tpu.memory_space<semaphore_mem>>) src(%arg6 : memref<512x32xf32, #tpu.memory_space<vmem>>) dst(%dma_wait3A_214 : memref<512x32xf32, #tpu.memory_space<hbm>>)
    %dma_start3A_215 = arith.constant 0 : i32
    %dma_start3A_216 = arith.constant 0 : i32
    %dma_start3A_217 = tpu.memref_slice %arg6[%dma_start3A_215, %dma_start3A_216] : memref<512x32xf32, #tpu.memory_space<vmem>> -> memref<128x32xf32, #tpu.memory_space<vmem>>
    %dma_start3A_218 = arith.constant 1024 : i32
    %dma_start3A_219 = tpu.memref_slice %arg5[%dma_start3A_218] : memref<2560xi32, #tpu.memory_space<vmem>> -> memref<128xi32, #tpu.memory_space<vmem>>
    %dma_start3A_220 = arith.constant 0 : i32
    %dma_start3A_221 = arith.constant 0 : i32
    %dma_start3A_222 = tpu.memref_slice %arg2[%dma_start3A_220, %dma_start3A_221] : memref<100000x32xf32, #tpu.memory_space<hbm>> -> memref<100000x32xf32, #tpu.memory_space<hbm>>
    tpu.enqueue_indirect_dma source(%dma_start3A_222 : memref<100000x32xf32, #tpu.memory_space<hbm>>) target(%dma_start3A_217 : memref<128x32xf32, #tpu.memory_space<vmem>>) offsets(%dma_start3A_219 : memref<128xi32, #tpu.memory_space<vmem>>) semaphore(%arg8 : memref<!tpu.dma_semaphore, #tpu.memory_space<semaphore_mem>>)
    %dma_start3A_223 = arith.constant 128 : i32
    %dma_start3A_224 = arith.constant 0 : i32
    %dma_start3A_225 = tpu.memref_slice %arg6[%dma_start3A_223, %dma_start3A_224] : memref<512x32xf32, #tpu.memory_space<vmem>> -> memref<128x32xf32, #tpu.memory_space<vmem>>
    %dma_start3A_226 = arith.constant 1152 : i32
    %dma_start3A_227 = tpu.memref_slice %arg5[%dma_start3A_226] : memref<2560xi32, #tpu.memory_space<vmem>> -> memref<128xi32, #tpu.memory_space<vmem>>
    %dma_start3A_228 = arith.constant 0 : i32
    %dma_start3A_229 = arith.constant 0 : i32
    %dma_start3A_230 = tpu.memref_slice %arg2[%dma_start3A_228, %dma_start3A_229] : memref<100000x32xf32, #tpu.memory_space<hbm>> -> memref<100000x32xf32, #tpu.memory_space<hbm>>
    tpu.enqueue_indirect_dma source(%dma_start3A_230 : memref<100000x32xf32, #tpu.memory_space<hbm>>) target(%dma_start3A_225 : memref<128x32xf32, #tpu.memory_space<vmem>>) offsets(%dma_start3A_227 : memref<128xi32, #tpu.memory_space<vmem>>) semaphore(%arg8 : memref<!tpu.dma_semaphore, #tpu.memory_space<semaphore_mem>>)
    %dma_start3A_231 = arith.constant 256 : i32
    %dma_start3A_232 = arith.constant 0 : i32
    %dma_start3A_233 = tpu.memref_slice %arg6[%dma_start3A_231, %dma_start3A_232] : memref<512x32xf32, #tpu.memory_space<vmem>> -> memref<128x32xf32, #tpu.memory_space<vmem>>
    %dma_start3A_234 = arith.constant 1280 : i32
    %dma_start3A_235 = tpu.memref_slice %arg5[%dma_start3A_234] : memref<2560xi32, #tpu.memory_space<vmem>> -> memref<128xi32, #tpu.memory_space<vmem>>
    %dma_start3A_236 = arith.constant 0 : i32
    %dma_start3A_237 = arith.constant 0 : i32
    %dma_start3A_238 = tpu.memref_slice %arg2[%dma_start3A_236, %dma_start3A_237] : memref<100000x32xf32, #tpu.memory_space<hbm>> -> memref<100000x32xf32, #tpu.memory_space<hbm>>
    tpu.enqueue_indirect_dma source(%dma_start3A_238 : memref<100000x32xf32, #tpu.memory_space<hbm>>) target(%dma_start3A_233 : memref<128x32xf32, #tpu.memory_space<vmem>>) offsets(%dma_start3A_235 : memref<128xi32, #tpu.memory_space<vmem>>) semaphore(%arg8 : memref<!tpu.dma_semaphore, #tpu.memory_space<semaphore_mem>>)
    %dma_start3A_239 = arith.constant 384 : i32
    %dma_start3A_240 = arith.constant 0 : i32
    %dma_start3A_241 = tpu.memref_slice %arg6[%dma_start3A_239, %dma_start3A_240] : memref<512x32xf32, #tpu.memory_space<vmem>> -> memref<128x32xf32, #tpu.memory_space<vmem>>
    %dma_start3A_242 = arith.constant 1408 : i32
    %dma_start3A_243 = tpu.memref_slice %arg5[%dma_start3A_242] : memref<2560xi32, #tpu.memory_space<vmem>> -> memref<128xi32, #tpu.memory_space<vmem>>
    %dma_start3A_244 = arith.constant 0 : i32
    %dma_start3A_245 = arith.constant 0 : i32
    %dma_start3A_246 = tpu.memref_slice %arg2[%dma_start3A_244, %dma_start3A_245] : memref<100000x32xf32, #tpu.memory_space<hbm>> -> memref<100000x32xf32, #tpu.memory_space<hbm>>
    tpu.enqueue_indirect_dma source(%dma_start3A_246 : memref<100000x32xf32, #tpu.memory_space<hbm>>) target(%dma_start3A_241 : memref<128x32xf32, #tpu.memory_space<vmem>>) offsets(%dma_start3A_243 : memref<128xi32, #tpu.memory_space<vmem>>) semaphore(%arg8 : memref<!tpu.dma_semaphore, #tpu.memory_space<semaphore_mem>>)
    %dma_wait3A_247 = arith.constant 0 : i32
    %dma_wait3A_248 = arith.constant 0 : i32
    %dma_wait3A_249 = tpu.memref_slice %arg6[%dma_wait3A_247, %dma_wait3A_248] : memref<512x32xf32, #tpu.memory_space<vmem>> -> memref<128x32xf32, #tpu.memory_space<vmem>>
    %dma_wait3A_250 = arith.constant 1024 : i32
    %dma_wait3A_251 = tpu.memref_slice %arg5[%dma_wait3A_250] : memref<2560xi32, #tpu.memory_space<vmem>> -> memref<128xi32, #tpu.memory_space<vmem>>
    %dma_wait3A_252 = arith.constant 0 : i32
    %dma_wait3A_253 = arith.constant 0 : i32
    %dma_wait3A_254 = tpu.memref_slice %arg2[%dma_wait3A_252, %dma_wait3A_253] : memref<100000x32xf32, #tpu.memory_space<hbm>> -> memref<100000x32xf32, #tpu.memory_space<hbm>>
    tpu.wait_indirect_dma semaphore(%arg8 : memref<!tpu.dma_semaphore, #tpu.memory_space<semaphore_mem>>) src(%dma_wait3A_254 : memref<100000x32xf32, #tpu.memory_space<hbm>>) dst(%dma_wait3A_249 : memref<128x32xf32, #tpu.memory_space<vmem>>)
    %dma_wait3A_255 = arith.constant 128 : i32
    %dma_wait3A_256 = arith.constant 0 : i32
    %dma_wait3A_257 = tpu.memref_slice %arg6[%dma_wait3A_255, %dma_wait3A_256] : memref<512x32xf32, #tpu.memory_space<vmem>> -> memref<128x32xf32, #tpu.memory_space<vmem>>
    %dma_wait3A_258 = arith.constant 1152 : i32
    %dma_wait3A_259 = tpu.memref_slice %arg5[%dma_wait3A_258] : memref<2560xi32, #tpu.memory_space<vmem>> -> memref<128xi32, #tpu.memory_space<vmem>>
    %dma_wait3A_260 = arith.constant 0 : i32
    %dma_wait3A_261 = arith.constant 0 : i32
    %dma_wait3A_262 = tpu.memref_slice %arg2[%dma_wait3A_260, %dma_wait3A_261] : memref<100000x32xf32, #tpu.memory_space<hbm>> -> memref<100000x32xf32, #tpu.memory_space<hbm>>
    tpu.wait_indirect_dma semaphore(%arg8 : memref<!tpu.dma_semaphore, #tpu.memory_space<semaphore_mem>>) src(%dma_wait3A_262 : memref<100000x32xf32, #tpu.memory_space<hbm>>) dst(%dma_wait3A_257 : memref<128x32xf32, #tpu.memory_space<vmem>>)
    %dma_wait3A_263 = arith.constant 256 : i32
    %dma_wait3A_264 = arith.constant 0 : i32
    %dma_wait3A_265 = tpu.memref_slice %arg6[%dma_wait3A_263, %dma_wait3A_264] : memref<512x32xf32, #tpu.memory_space<vmem>> -> memref<128x32xf32, #tpu.memory_space<vmem>>
    %dma_wait3A_266 = arith.constant 1280 : i32
    %dma_wait3A_267 = tpu.memref_slice %arg5[%dma_wait3A_266] : memref<2560xi32, #tpu.memory_space<vmem>> -> memref<128xi32, #tpu.memory_space<vmem>>
    %dma_wait3A_268 = arith.constant 0 : i32
    %dma_wait3A_269 = arith.constant 0 : i32
    %dma_wait3A_270 = tpu.memref_slice %arg2[%dma_wait3A_268, %dma_wait3A_269] : memref<100000x32xf32, #tpu.memory_space<hbm>> -> memref<100000x32xf32, #tpu.memory_space<hbm>>
    tpu.wait_indirect_dma semaphore(%arg8 : memref<!tpu.dma_semaphore, #tpu.memory_space<semaphore_mem>>) src(%dma_wait3A_270 : memref<100000x32xf32, #tpu.memory_space<hbm>>) dst(%dma_wait3A_265 : memref<128x32xf32, #tpu.memory_space<vmem>>)
    %dma_wait3A_271 = arith.constant 384 : i32
    %dma_wait3A_272 = arith.constant 0 : i32
    %dma_wait3A_273 = tpu.memref_slice %arg6[%dma_wait3A_271, %dma_wait3A_272] : memref<512x32xf32, #tpu.memory_space<vmem>> -> memref<128x32xf32, #tpu.memory_space<vmem>>
    %dma_wait3A_274 = arith.constant 1408 : i32
    %dma_wait3A_275 = tpu.memref_slice %arg5[%dma_wait3A_274] : memref<2560xi32, #tpu.memory_space<vmem>> -> memref<128xi32, #tpu.memory_space<vmem>>
    %dma_wait3A_276 = arith.constant 0 : i32
    %dma_wait3A_277 = arith.constant 0 : i32
    %dma_wait3A_278 = tpu.memref_slice %arg2[%dma_wait3A_276, %dma_wait3A_277] : memref<100000x32xf32, #tpu.memory_space<hbm>> -> memref<100000x32xf32, #tpu.memory_space<hbm>>
    tpu.wait_indirect_dma semaphore(%arg8 : memref<!tpu.dma_semaphore, #tpu.memory_space<semaphore_mem>>) src(%dma_wait3A_278 : memref<100000x32xf32, #tpu.memory_space<hbm>>) dst(%dma_wait3A_273 : memref<128x32xf32, #tpu.memory_space<vmem>>)
    %add3A_279 = arith.constant 32768 : i32
    %add3A_280 = arith.addi %add3A_279, %mul3A_2 : i32
    %dma_start3A_281 = arith.constant 0 : i32
    %dma_start3A_282 = tpu.memref_slice %arg4[%add3A_280, %dma_start3A_281] : memref<81920x32xf32, #tpu.memory_space<hbm>> -> memref<512x32xf32, #tpu.memory_space<hbm>>
    %dma_start3A_283 = arith.constant 0 : i32
    %dma_start3A_284 = tpu.memref_slice %arg4[%add3A_280, %dma_start3A_283] : memref<81920x32xf32, #tpu.memory_space<hbm>> -> memref<512x32xf32, #tpu.memory_space<hbm>>
    tpu.enqueue_dma source(%arg6 : memref<512x32xf32, #tpu.memory_space<vmem>>) target(%dma_start3A_284 : memref<512x32xf32, #tpu.memory_space<hbm>>) target_semaphore(%arg9 : memref<!tpu.dma_semaphore, #tpu.memory_space<semaphore_mem>>)
    %dma_wait3A_285 = arith.constant 0 : i32
    %dma_wait3A_286 = tpu.memref_slice %arg4[%add3A_206, %dma_wait3A_285] : memref<81920x32xf32, #tpu.memory_space<hbm>> -> memref<512x32xf32, #tpu.memory_space<hbm>>
    %dma_wait3A_287 = arith.constant 0 : i32
    %dma_wait3A_288 = tpu.memref_slice %arg4[%add3A_206, %dma_wait3A_287] : memref<81920x32xf32, #tpu.memory_space<hbm>> -> memref<512x32xf32, #tpu.memory_space<hbm>>
    tpu.wait_dma2 semaphore(%arg10 : memref<!tpu.dma_semaphore, #tpu.memory_space<semaphore_mem>>) src(%arg7 : memref<512x32xf32, #tpu.memory_space<vmem>>) dst(%dma_wait3A_288 : memref<512x32xf32, #tpu.memory_space<hbm>>)
    %dma_start3A_289 = arith.constant 0 : i32
    %dma_start3A_290 = arith.constant 0 : i32
    %dma_start3A_291 = tpu.memref_slice %arg7[%dma_start3A_289, %dma_start3A_290] : memref<512x32xf32, #tpu.memory_space<vmem>> -> memref<128x32xf32, #tpu.memory_space<vmem>>
    %dma_start3A_292 = arith.constant 1536 : i32
    %dma_start3A_293 = tpu.memref_slice %arg5[%dma_start3A_292] : memref<2560xi32, #tpu.memory_space<vmem>> -> memref<128xi32, #tpu.memory_space<vmem>>
    %dma_start3A_294 = arith.constant 0 : i32
    %dma_start3A_295 = arith.constant 0 : i32
    %dma_start3A_296 = tpu.memref_slice %arg2[%dma_start3A_294, %dma_start3A_295] : memref<100000x32xf32, #tpu.memory_space<hbm>> -> memref<100000x32xf32, #tpu.memory_space<hbm>>
    tpu.enqueue_indirect_dma source(%dma_start3A_296 : memref<100000x32xf32, #tpu.memory_space<hbm>>) target(%dma_start3A_291 : memref<128x32xf32, #tpu.memory_space<vmem>>) offsets(%dma_start3A_293 : memref<128xi32, #tpu.memory_space<vmem>>) semaphore(%arg8 : memref<!tpu.dma_semaphore, #tpu.memory_space<semaphore_mem>>)
    %dma_start3A_297 = arith.constant 128 : i32
    %dma_start3A_298 = arith.constant 0 : i32
    %dma_start3A_299 = tpu.memref_slice %arg7[%dma_start3A_297, %dma_start3A_298] : memref<512x32xf32, #tpu.memory_space<vmem>> -> memref<128x32xf32, #tpu.memory_space<vmem>>
    %dma_start3A_300 = arith.constant 1664 : i32
    %dma_start3A_301 = tpu.memref_slice %arg5[%dma_start3A_300] : memref<2560xi32, #tpu.memory_space<vmem>> -> memref<128xi32, #tpu.memory_space<vmem>>
    %dma_start3A_302 = arith.constant 0 : i32
    %dma_start3A_303 = arith.constant 0 : i32
    %dma_start3A_304 = tpu.memref_slice %arg2[%dma_start3A_302, %dma_start3A_303] : memref<100000x32xf32, #tpu.memory_space<hbm>> -> memref<100000x32xf32, #tpu.memory_space<hbm>>
    tpu.enqueue_indirect_dma source(%dma_start3A_304 : memref<100000x32xf32, #tpu.memory_space<hbm>>) target(%dma_start3A_299 : memref<128x32xf32, #tpu.memory_space<vmem>>) offsets(%dma_start3A_301 : memref<128xi32, #tpu.memory_space<vmem>>) semaphore(%arg8 : memref<!tpu.dma_semaphore, #tpu.memory_space<semaphore_mem>>)
    %dma_start3A_305 = arith.constant 256 : i32
    %dma_start3A_306 = arith.constant 0 : i32
    %dma_start3A_307 = tpu.memref_slice %arg7[%dma_start3A_305, %dma_start3A_306] : memref<512x32xf32, #tpu.memory_space<vmem>> -> memref<128x32xf32, #tpu.memory_space<vmem>>
    %dma_start3A_308 = arith.constant 1792 : i32
    %dma_start3A_309 = tpu.memref_slice %arg5[%dma_start3A_308] : memref<2560xi32, #tpu.memory_space<vmem>> -> memref<128xi32, #tpu.memory_space<vmem>>
    %dma_start3A_310 = arith.constant 0 : i32
    %dma_start3A_311 = arith.constant 0 : i32
    %dma_start3A_312 = tpu.memref_slice %arg2[%dma_start3A_310, %dma_start3A_311] : memref<100000x32xf32, #tpu.memory_space<hbm>> -> memref<100000x32xf32, #tpu.memory_space<hbm>>
    tpu.enqueue_indirect_dma source(%dma_start3A_312 : memref<100000x32xf32, #tpu.memory_space<hbm>>) target(%dma_start3A_307 : memref<128x32xf32, #tpu.memory_space<vmem>>) offsets(%dma_start3A_309 : memref<128xi32, #tpu.memory_space<vmem>>) semaphore(%arg8 : memref<!tpu.dma_semaphore, #tpu.memory_space<semaphore_mem>>)
    %dma_start3A_313 = arith.constant 384 : i32
    %dma_start3A_314 = arith.constant 0 : i32
    %dma_start3A_315 = tpu.memref_slice %arg7[%dma_start3A_313, %dma_start3A_314] : memref<512x32xf32, #tpu.memory_space<vmem>> -> memref<128x32xf32, #tpu.memory_space<vmem>>
    %dma_start3A_316 = arith.constant 1920 : i32
    %dma_start3A_317 = tpu.memref_slice %arg5[%dma_start3A_316] : memref<2560xi32, #tpu.memory_space<vmem>> -> memref<128xi32, #tpu.memory_space<vmem>>
    %dma_start3A_318 = arith.constant 0 : i32
    %dma_start3A_319 = arith.constant 0 : i32
    %dma_start3A_320 = tpu.memref_slice %arg2[%dma_start3A_318, %dma_start3A_319] : memref<100000x32xf32, #tpu.memory_space<hbm>> -> memref<100000x32xf32, #tpu.memory_space<hbm>>
    tpu.enqueue_indirect_dma source(%dma_start3A_320 : memref<100000x32xf32, #tpu.memory_space<hbm>>) target(%dma_start3A_315 : memref<128x32xf32, #tpu.memory_space<vmem>>) offsets(%dma_start3A_317 : memref<128xi32, #tpu.memory_space<vmem>>) semaphore(%arg8 : memref<!tpu.dma_semaphore, #tpu.memory_space<semaphore_mem>>)
    %dma_wait3A_321 = arith.constant 0 : i32
    %dma_wait3A_322 = arith.constant 0 : i32
    %dma_wait3A_323 = tpu.memref_slice %arg7[%dma_wait3A_321, %dma_wait3A_322] : memref<512x32xf32, #tpu.memory_space<vmem>> -> memref<128x32xf32, #tpu.memory_space<vmem>>
    %dma_wait3A_324 = arith.constant 1536 : i32
    %dma_wait3A_325 = tpu.memref_slice %arg5[%dma_wait3A_324] : memref<2560xi32, #tpu.memory_space<vmem>> -> memref<128xi32, #tpu.memory_space<vmem>>
    %dma_wait3A_326 = arith.constant 0 : i32
    %dma_wait3A_327 = arith.constant 0 : i32
    %dma_wait3A_328 = tpu.memref_slice %arg2[%dma_wait3A_326, %dma_wait3A_327] : memref<100000x32xf32, #tpu.memory_space<hbm>> -> memref<100000x32xf32, #tpu.memory_space<hbm>>
    tpu.wait_indirect_dma semaphore(%arg8 : memref<!tpu.dma_semaphore, #tpu.memory_space<semaphore_mem>>) src(%dma_wait3A_328 : memref<100000x32xf32, #tpu.memory_space<hbm>>) dst(%dma_wait3A_323 : memref<128x32xf32, #tpu.memory_space<vmem>>)
    %dma_wait3A_329 = arith.constant 128 : i32
    %dma_wait3A_330 = arith.constant 0 : i32
    %dma_wait3A_331 = tpu.memref_slice %arg7[%dma_wait3A_329, %dma_wait3A_330] : memref<512x32xf32, #tpu.memory_space<vmem>> -> memref<128x32xf32, #tpu.memory_space<vmem>>
    %dma_wait3A_332 = arith.constant 1664 : i32
    %dma_wait3A_333 = tpu.memref_slice %arg5[%dma_wait3A_332] : memref<2560xi32, #tpu.memory_space<vmem>> -> memref<128xi32, #tpu.memory_space<vmem>>
    %dma_wait3A_334 = arith.constant 0 : i32
    %dma_wait3A_335 = arith.constant 0 : i32
    %dma_wait3A_336 = tpu.memref_slice %arg2[%dma_wait3A_334, %dma_wait3A_335] : memref<100000x32xf32, #tpu.memory_space<hbm>> -> memref<100000x32xf32, #tpu.memory_space<hbm>>
    tpu.wait_indirect_dma semaphore(%arg8 : memref<!tpu.dma_semaphore, #tpu.memory_space<semaphore_mem>>) src(%dma_wait3A_336 : memref<100000x32xf32, #tpu.memory_space<hbm>>) dst(%dma_wait3A_331 : memref<128x32xf32, #tpu.memory_space<vmem>>)
    %dma_wait3A_337 = arith.constant 256 : i32
    %dma_wait3A_338 = arith.constant 0 : i32
    %dma_wait3A_339 = tpu.memref_slice %arg7[%dma_wait3A_337, %dma_wait3A_338] : memref<512x32xf32, #tpu.memory_space<vmem>> -> memref<128x32xf32, #tpu.memory_space<vmem>>
    %dma_wait3A_340 = arith.constant 1792 : i32
    %dma_wait3A_341 = tpu.memref_slice %arg5[%dma_wait3A_340] : memref<2560xi32, #tpu.memory_space<vmem>> -> memref<128xi32, #tpu.memory_space<vmem>>
    %dma_wait3A_342 = arith.constant 0 : i32
    %dma_wait3A_343 = arith.constant 0 : i32
    %dma_wait3A_344 = tpu.memref_slice %arg2[%dma_wait3A_342, %dma_wait3A_343] : memref<100000x32xf32, #tpu.memory_space<hbm>> -> memref<100000x32xf32, #tpu.memory_space<hbm>>
    tpu.wait_indirect_dma semaphore(%arg8 : memref<!tpu.dma_semaphore, #tpu.memory_space<semaphore_mem>>) src(%dma_wait3A_344 : memref<100000x32xf32, #tpu.memory_space<hbm>>) dst(%dma_wait3A_339 : memref<128x32xf32, #tpu.memory_space<vmem>>)
    %dma_wait3A_345 = arith.constant 384 : i32
    %dma_wait3A_346 = arith.constant 0 : i32
    %dma_wait3A_347 = tpu.memref_slice %arg7[%dma_wait3A_345, %dma_wait3A_346] : memref<512x32xf32, #tpu.memory_space<vmem>> -> memref<128x32xf32, #tpu.memory_space<vmem>>
    %dma_wait3A_348 = arith.constant 1920 : i32
    %dma_wait3A_349 = tpu.memref_slice %arg5[%dma_wait3A_348] : memref<2560xi32, #tpu.memory_space<vmem>> -> memref<128xi32, #tpu.memory_space<vmem>>
    %dma_wait3A_350 = arith.constant 0 : i32
    %dma_wait3A_351 = arith.constant 0 : i32
    %dma_wait3A_352 = tpu.memref_slice %arg2[%dma_wait3A_350, %dma_wait3A_351] : memref<100000x32xf32, #tpu.memory_space<hbm>> -> memref<100000x32xf32, #tpu.memory_space<hbm>>
    tpu.wait_indirect_dma semaphore(%arg8 : memref<!tpu.dma_semaphore, #tpu.memory_space<semaphore_mem>>) src(%dma_wait3A_352 : memref<100000x32xf32, #tpu.memory_space<hbm>>) dst(%dma_wait3A_347 : memref<128x32xf32, #tpu.memory_space<vmem>>)
    %add3A_353 = arith.constant 49152 : i32
    %add3A_354 = arith.addi %add3A_353, %mul3A_2 : i32
    %dma_start3A_355 = arith.constant 0 : i32
    %dma_start3A_356 = tpu.memref_slice %arg4[%add3A_354, %dma_start3A_355] : memref<81920x32xf32, #tpu.memory_space<hbm>> -> memref<512x32xf32, #tpu.memory_space<hbm>>
    %dma_start3A_357 = arith.constant 0 : i32
    %dma_start3A_358 = tpu.memref_slice %arg4[%add3A_354, %dma_start3A_357] : memref<81920x32xf32, #tpu.memory_space<hbm>> -> memref<512x32xf32, #tpu.memory_space<hbm>>
    tpu.enqueue_dma source(%arg7 : memref<512x32xf32, #tpu.memory_space<vmem>>) target(%dma_start3A_358 : memref<512x32xf32, #tpu.memory_space<hbm>>) target_semaphore(%arg10 : memref<!tpu.dma_semaphore, #tpu.memory_space<semaphore_mem>>)
    %dma_wait3A_359 = arith.constant 0 : i32
    %dma_wait3A_360 = tpu.memref_slice %arg4[%add3A_280, %dma_wait3A_359] : memref<81920x32xf32, #tpu.memory_space<hbm>> -> memref<512x32xf32, #tpu.memory_space<hbm>>
    %dma_wait3A_361 = arith.constant 0 : i32
    %dma_wait3A_362 = tpu.memref_slice %arg4[%add3A_280, %dma_wait3A_361] : memref<81920x32xf32, #tpu.memory_space<hbm>> -> memref<512x32xf32, #tpu.memory_space<hbm>>
    tpu.wait_dma2 semaphore(%arg9 : memref<!tpu.dma_semaphore, #tpu.memory_space<semaphore_mem>>) src(%arg6 : memref<512x32xf32, #tpu.memory_space<vmem>>) dst(%dma_wait3A_362 : memref<512x32xf32, #tpu.memory_space<hbm>>)
    %dma_start3A_363 = arith.constant 0 : i32
    %dma_start3A_364 = arith.constant 0 : i32
    %dma_start3A_365 = tpu.memref_slice %arg6[%dma_start3A_363, %dma_start3A_364] : memref<512x32xf32, #tpu.memory_space<vmem>> -> memref<128x32xf32, #tpu.memory_space<vmem>>
    %dma_start3A_366 = arith.constant 2048 : i32
    %dma_start3A_367 = tpu.memref_slice %arg5[%dma_start3A_366] : memref<2560xi32, #tpu.memory_space<vmem>> -> memref<128xi32, #tpu.memory_space<vmem>>
    %dma_start3A_368 = arith.constant 0 : i32
    %dma_start3A_369 = arith.constant 0 : i32
    %dma_start3A_370 = tpu.memref_slice %arg2[%dma_start3A_368, %dma_start3A_369] : memref<100000x32xf32, #tpu.memory_space<hbm>> -> memref<100000x32xf32, #tpu.memory_space<hbm>>
    tpu.enqueue_indirect_dma source(%dma_start3A_370 : memref<100000x32xf32, #tpu.memory_space<hbm>>) target(%dma_start3A_365 : memref<128x32xf32, #tpu.memory_space<vmem>>) offsets(%dma_start3A_367 : memref<128xi32, #tpu.memory_space<vmem>>) semaphore(%arg8 : memref<!tpu.dma_semaphore, #tpu.memory_space<semaphore_mem>>)
    %dma_start3A_371 = arith.constant 128 : i32
    %dma_start3A_372 = arith.constant 0 : i32
    %dma_start3A_373 = tpu.memref_slice %arg6[%dma_start3A_371, %dma_start3A_372] : memref<512x32xf32, #tpu.memory_space<vmem>> -> memref<128x32xf32, #tpu.memory_space<vmem>>
    %dma_start3A_374 = arith.constant 2176 : i32
    %dma_start3A_375 = tpu.memref_slice %arg5[%dma_start3A_374] : memref<2560xi32, #tpu.memory_space<vmem>> -> memref<128xi32, #tpu.memory_space<vmem>>
    %dma_start3A_376 = arith.constant 0 : i32
    %dma_start3A_377 = arith.constant 0 : i32
    %dma_start3A_378 = tpu.memref_slice %arg2[%dma_start3A_376, %dma_start3A_377] : memref<100000x32xf32, #tpu.memory_space<hbm>> -> memref<100000x32xf32, #tpu.memory_space<hbm>>
    tpu.enqueue_indirect_dma source(%dma_start3A_378 : memref<100000x32xf32, #tpu.memory_space<hbm>>) target(%dma_start3A_373 : memref<128x32xf32, #tpu.memory_space<vmem>>) offsets(%dma_start3A_375 : memref<128xi32, #tpu.memory_space<vmem>>) semaphore(%arg8 : memref<!tpu.dma_semaphore, #tpu.memory_space<semaphore_mem>>)
    %dma_start3A_379 = arith.constant 256 : i32
    %dma_start3A_380 = arith.constant 0 : i32
    %dma_start3A_381 = tpu.memref_slice %arg6[%dma_start3A_379, %dma_start3A_380] : memref<512x32xf32, #tpu.memory_space<vmem>> -> memref<128x32xf32, #tpu.memory_space<vmem>>
    %dma_start3A_382 = arith.constant 2304 : i32
    %dma_start3A_383 = tpu.memref_slice %arg5[%dma_start3A_382] : memref<2560xi32, #tpu.memory_space<vmem>> -> memref<128xi32, #tpu.memory_space<vmem>>
    %dma_start3A_384 = arith.constant 0 : i32
    %dma_start3A_385 = arith.constant 0 : i32
    %dma_start3A_386 = tpu.memref_slice %arg2[%dma_start3A_384, %dma_start3A_385] : memref<100000x32xf32, #tpu.memory_space<hbm>> -> memref<100000x32xf32, #tpu.memory_space<hbm>>
    tpu.enqueue_indirect_dma source(%dma_start3A_386 : memref<100000x32xf32, #tpu.memory_space<hbm>>) target(%dma_start3A_381 : memref<128x32xf32, #tpu.memory_space<vmem>>) offsets(%dma_start3A_383 : memref<128xi32, #tpu.memory_space<vmem>>) semaphore(%arg8 : memref<!tpu.dma_semaphore, #tpu.memory_space<semaphore_mem>>)
    %dma_start3A_387 = arith.constant 384 : i32
    %dma_start3A_388 = arith.constant 0 : i32
    %dma_start3A_389 = tpu.memref_slice %arg6[%dma_start3A_387, %dma_start3A_388] : memref<512x32xf32, #tpu.memory_space<vmem>> -> memref<128x32xf32, #tpu.memory_space<vmem>>
    %dma_start3A_390 = arith.constant 2432 : i32
    %dma_start3A_391 = tpu.memref_slice %arg5[%dma_start3A_390] : memref<2560xi32, #tpu.memory_space<vmem>> -> memref<128xi32, #tpu.memory_space<vmem>>
    %dma_start3A_392 = arith.constant 0 : i32
    %dma_start3A_393 = arith.constant 0 : i32
    %dma_start3A_394 = tpu.memref_slice %arg2[%dma_start3A_392, %dma_start3A_393] : memref<100000x32xf32, #tpu.memory_space<hbm>> -> memref<100000x32xf32, #tpu.memory_space<hbm>>
    tpu.enqueue_indirect_dma source(%dma_start3A_394 : memref<100000x32xf32, #tpu.memory_space<hbm>>) target(%dma_start3A_389 : memref<128x32xf32, #tpu.memory_space<vmem>>) offsets(%dma_start3A_391 : memref<128xi32, #tpu.memory_space<vmem>>) semaphore(%arg8 : memref<!tpu.dma_semaphore, #tpu.memory_space<semaphore_mem>>)
    %dma_wait3A_395 = arith.constant 0 : i32
    %dma_wait3A_396 = arith.constant 0 : i32
    %dma_wait3A_397 = tpu.memref_slice %arg6[%dma_wait3A_395, %dma_wait3A_396] : memref<512x32xf32, #tpu.memory_space<vmem>> -> memref<128x32xf32, #tpu.memory_space<vmem>>
    %dma_wait3A_398 = arith.constant 2048 : i32
    %dma_wait3A_399 = tpu.memref_slice %arg5[%dma_wait3A_398] : memref<2560xi32, #tpu.memory_space<vmem>> -> memref<128xi32, #tpu.memory_space<vmem>>
    %dma_wait3A_400 = arith.constant 0 : i32
    %dma_wait3A_401 = arith.constant 0 : i32
    %dma_wait3A_402 = tpu.memref_slice %arg2[%dma_wait3A_400, %dma_wait3A_401] : memref<100000x32xf32, #tpu.memory_space<hbm>> -> memref<100000x32xf32, #tpu.memory_space<hbm>>
    tpu.wait_indirect_dma semaphore(%arg8 : memref<!tpu.dma_semaphore, #tpu.memory_space<semaphore_mem>>) src(%dma_wait3A_402 : memref<100000x32xf32, #tpu.memory_space<hbm>>) dst(%dma_wait3A_397 : memref<128x32xf32, #tpu.memory_space<vmem>>)
    %dma_wait3A_403 = arith.constant 128 : i32
    %dma_wait3A_404 = arith.constant 0 : i32
    %dma_wait3A_405 = tpu.memref_slice %arg6[%dma_wait3A_403, %dma_wait3A_404] : memref<512x32xf32, #tpu.memory_space<vmem>> -> memref<128x32xf32, #tpu.memory_space<vmem>>
    %dma_wait3A_406 = arith.constant 2176 : i32
    %dma_wait3A_407 = tpu.memref_slice %arg5[%dma_wait3A_406] : memref<2560xi32, #tpu.memory_space<vmem>> -> memref<128xi32, #tpu.memory_space<vmem>>
    %dma_wait3A_408 = arith.constant 0 : i32
    %dma_wait3A_409 = arith.constant 0 : i32
    %dma_wait3A_410 = tpu.memref_slice %arg2[%dma_wait3A_408, %dma_wait3A_409] : memref<100000x32xf32, #tpu.memory_space<hbm>> -> memref<100000x32xf32, #tpu.memory_space<hbm>>
    tpu.wait_indirect_dma semaphore(%arg8 : memref<!tpu.dma_semaphore, #tpu.memory_space<semaphore_mem>>) src(%dma_wait3A_410 : memref<100000x32xf32, #tpu.memory_space<hbm>>) dst(%dma_wait3A_405 : memref<128x32xf32, #tpu.memory_space<vmem>>)
    %dma_wait3A_411 = arith.constant 256 : i32
    %dma_wait3A_412 = arith.constant 0 : i32
    %dma_wait3A_413 = tpu.memref_slice %arg6[%dma_wait3A_411, %dma_wait3A_412] : memref<512x32xf32, #tpu.memory_space<vmem>> -> memref<128x32xf32, #tpu.memory_space<vmem>>
    %dma_wait3A_414 = arith.constant 2304 : i32
    %dma_wait3A_415 = tpu.memref_slice %arg5[%dma_wait3A_414] : memref<2560xi32, #tpu.memory_space<vmem>> -> memref<128xi32, #tpu.memory_space<vmem>>
    %dma_wait3A_416 = arith.constant 0 : i32
    %dma_wait3A_417 = arith.constant 0 : i32
    %dma_wait3A_418 = tpu.memref_slice %arg2[%dma_wait3A_416, %dma_wait3A_417] : memref<100000x32xf32, #tpu.memory_space<hbm>> -> memref<100000x32xf32, #tpu.memory_space<hbm>>
    tpu.wait_indirect_dma semaphore(%arg8 : memref<!tpu.dma_semaphore, #tpu.memory_space<semaphore_mem>>) src(%dma_wait3A_418 : memref<100000x32xf32, #tpu.memory_space<hbm>>) dst(%dma_wait3A_413 : memref<128x32xf32, #tpu.memory_space<vmem>>)
    %dma_wait3A_419 = arith.constant 384 : i32
    %dma_wait3A_420 = arith.constant 0 : i32
    %dma_wait3A_421 = tpu.memref_slice %arg6[%dma_wait3A_419, %dma_wait3A_420] : memref<512x32xf32, #tpu.memory_space<vmem>> -> memref<128x32xf32, #tpu.memory_space<vmem>>
    %dma_wait3A_422 = arith.constant 2432 : i32
    %dma_wait3A_423 = tpu.memref_slice %arg5[%dma_wait3A_422] : memref<2560xi32, #tpu.memory_space<vmem>> -> memref<128xi32, #tpu.memory_space<vmem>>
    %dma_wait3A_424 = arith.constant 0 : i32
    %dma_wait3A_425 = arith.constant 0 : i32
    %dma_wait3A_426 = tpu.memref_slice %arg2[%dma_wait3A_424, %dma_wait3A_425] : memref<100000x32xf32, #tpu.memory_space<hbm>> -> memref<100000x32xf32, #tpu.memory_space<hbm>>
    tpu.wait_indirect_dma semaphore(%arg8 : memref<!tpu.dma_semaphore, #tpu.memory_space<semaphore_mem>>) src(%dma_wait3A_426 : memref<100000x32xf32, #tpu.memory_space<hbm>>) dst(%dma_wait3A_421 : memref<128x32xf32, #tpu.memory_space<vmem>>)
    %add3A_427 = arith.constant 65536 : i32
    %add3A_428 = arith.addi %add3A_427, %mul3A_2 : i32
    %dma_start3A_429 = arith.constant 0 : i32
    %dma_start3A_430 = tpu.memref_slice %arg4[%add3A_428, %dma_start3A_429] : memref<81920x32xf32, #tpu.memory_space<hbm>> -> memref<512x32xf32, #tpu.memory_space<hbm>>
    %dma_start3A_431 = arith.constant 0 : i32
    %dma_start3A_432 = tpu.memref_slice %arg4[%add3A_428, %dma_start3A_431] : memref<81920x32xf32, #tpu.memory_space<hbm>> -> memref<512x32xf32, #tpu.memory_space<hbm>>
    tpu.enqueue_dma source(%arg6 : memref<512x32xf32, #tpu.memory_space<vmem>>) target(%dma_start3A_432 : memref<512x32xf32, #tpu.memory_space<hbm>>) target_semaphore(%arg9 : memref<!tpu.dma_semaphore, #tpu.memory_space<semaphore_mem>>)
    %dma_wait3A_433 = arith.constant 0 : i32
    %dma_wait3A_434 = tpu.memref_slice %arg4[%add3A_428, %dma_wait3A_433] : memref<81920x32xf32, #tpu.memory_space<hbm>> -> memref<512x32xf32, #tpu.memory_space<hbm>>
    %dma_wait3A_435 = arith.constant 0 : i32
    %dma_wait3A_436 = tpu.memref_slice %arg4[%add3A_428, %dma_wait3A_435] : memref<81920x32xf32, #tpu.memory_space<hbm>> -> memref<512x32xf32, #tpu.memory_space<hbm>>
    tpu.wait_dma2 semaphore(%arg9 : memref<!tpu.dma_semaphore, #tpu.memory_space<semaphore_mem>>) src(%arg6 : memref<512x32xf32, #tpu.memory_space<vmem>>) dst(%dma_wait3A_436 : memref<512x32xf32, #tpu.memory_space<hbm>>)
    %dma_wait3A_437 = arith.constant 0 : i32
    %dma_wait3A_438 = tpu.memref_slice %arg4[%add3A_354, %dma_wait3A_437] : memref<81920x32xf32, #tpu.memory_space<hbm>> -> memref<512x32xf32, #tpu.memory_space<hbm>>
    %dma_wait3A_439 = arith.constant 0 : i32
    %dma_wait3A_440 = tpu.memref_slice %arg4[%add3A_354, %dma_wait3A_439] : memref<81920x32xf32, #tpu.memory_space<hbm>> -> memref<512x32xf32, #tpu.memory_space<hbm>>
    tpu.wait_dma2 semaphore(%arg10 : memref<!tpu.dma_semaphore, #tpu.memory_space<semaphore_mem>>) src(%arg7 : memref<512x32xf32, #tpu.memory_space<vmem>>) dst(%dma_wait3A_440 : memref<512x32xf32, #tpu.memory_space<hbm>>)
    return
  }
}

module attributes {stable_mosaic.version = 14 : i64} {
  func.func @body(%arg0: i32, %arg1: memref<32x4096xf32, #tpu.memory_space<vmem>>, %arg2: memref<1024x128xf32, #tpu.memory_space<vmem>>) attributes {dimension_semantics = [#tpu.dimension_semantics<arbitrary>], iteration_bounds = array<i64: 25>, scalar_prefetch = 0 : i64, scratch_operands = 0 : i64, tpu.core_type = #tpu.core_type<tc>, window_params = [{transform_indices = @transform_0, window_bounds = array<i64: 32, 4096>}, {transform_indices = @transform_1, window_bounds = array<i64: 1024, 128>}]} {
    %get3A = arith.constant 0 : index
    %get3A_0 = arith.constant 0 : index
    %get3A_1 = vector.load %arg1[%get3A, %get3A_0] : memref<32x4096xf32, #tpu.memory_space<vmem>>, vector<32x4096xf32>
    %transpose3A = tpu.transpose %get3A_1, [1, 0] : vector<32x4096xf32> -> vector<4096x32xf32>
    %reshape3A = vector.shape_cast %transpose3A : vector<4096x32xf32> to vector<1024x4x32xf32>
    %slice3A = vector.extract_strided_slice %reshape3A {offsets = [0, 0, 0], sizes = [1024, 1, 32], strides = [1, 1, 1]} : vector<1024x4x32xf32> to vector<1024x1x32xf32>
    %squeeze3A = vector.shape_cast %slice3A : vector<1024x1x32xf32> to vector<1024x32xf32>
    %swap3A = arith.constant 0 : index
    %swap3A_2 = arith.constant 0 : index
    %swap3A_3 = vector.load %arg2[%swap3A, %swap3A_2] : memref<1024x128xf32, #tpu.memory_space<vmem>>, vector<1024x32xf32>
    tpu.vector_store %arg2[%swap3A, %swap3A_2], %squeeze3A {strides = array<i32>} : memref<1024x128xf32, #tpu.memory_space<vmem>>, vector<1024x32xf32>,
    %slice3A_4 = vector.extract_strided_slice %reshape3A {offsets = [0, 1, 0], sizes = [1024, 1, 32], strides = [1, 1, 1]} : vector<1024x4x32xf32> to vector<1024x1x32xf32>
    %squeeze3A_5 = vector.shape_cast %slice3A_4 : vector<1024x1x32xf32> to vector<1024x32xf32>
    %swap3A_6 = arith.constant 0 : index
    %swap3A_7 = arith.constant 32 : index
    %swap3A_8 = vector.load %arg2[%swap3A_6, %swap3A_7] : memref<1024x128xf32, #tpu.memory_space<vmem>>, vector<1024x32xf32>
    tpu.vector_store %arg2[%swap3A_6, %swap3A_7], %squeeze3A_5 {strides = array<i32>} : memref<1024x128xf32, #tpu.memory_space<vmem>>, vector<1024x32xf32>,
    %slice3A_9 = vector.extract_strided_slice %reshape3A {offsets = [0, 2, 0], sizes = [1024, 1, 32], strides = [1, 1, 1]} : vector<1024x4x32xf32> to vector<1024x1x32xf32>
    %squeeze3A_10 = vector.shape_cast %slice3A_9 : vector<1024x1x32xf32> to vector<1024x32xf32>
    %swap3A_11 = arith.constant 0 : index
    %swap3A_12 = arith.constant 64 : index
    %swap3A_13 = vector.load %arg2[%swap3A_11, %swap3A_12] : memref<1024x128xf32, #tpu.memory_space<vmem>>, vector<1024x32xf32>
    tpu.vector_store %arg2[%swap3A_11, %swap3A_12], %squeeze3A_10 {strides = array<i32>} : memref<1024x128xf32, #tpu.memory_space<vmem>>, vector<1024x32xf32>,
    %slice3A_14 = vector.extract_strided_slice %reshape3A {offsets = [0, 3, 0], sizes = [1024, 1, 32], strides = [1, 1, 1]} : vector<1024x4x32xf32> to vector<1024x1x32xf32>
    %squeeze3A_15 = vector.shape_cast %slice3A_14 : vector<1024x1x32xf32> to vector<1024x32xf32>
    %swap3A_16 = arith.constant 0 : index
    %swap3A_17 = arith.constant 96 : index
    %swap3A_18 = vector.load %arg2[%swap3A_16, %swap3A_17] : memref<1024x128xf32, #tpu.memory_space<vmem>>, vector<1024x32xf32>
    tpu.vector_store %arg2[%swap3A_16, %swap3A_17], %squeeze3A_15 {strides = array<i32>} : memref<1024x128xf32, #tpu.memory_space<vmem>>, vector<1024x32xf32>,
    return
  }
  func.func @transform_0(%arg0: i32) -> (i32, i32) {
    %c0_i32 = arith.constant 0 : i32
    %c0_i32_0 = arith.constant 0 : i32
    return %c0_i32, %arg0 : i32, i32
  }
  func.func @transform_1(%arg0: i32) -> (i32, i32) {
    %c0_i32 = arith.constant 0 : i32
    %c0_i32_0 = arith.constant 0 : i32
    return %arg0, %c0_i32 : i32, i32
  }
}

module attributes {stable_mosaic.version = 14 : i64} {
  func.func @body(%arg0: i32, %arg1: memref<512x128xf32, #tpu.memory_space<vmem>>, %arg2: memref<512x128xf32, #tpu.memory_space<vmem>>, %arg3: memref<512x128xf32, #tpu.memory_space<vmem>>, %arg4: memref<512x128xf32, #tpu.memory_space<vmem>>, %arg5: memref<512x128xf32, #tpu.memory_space<vmem>>, %arg6: memref<512x128xf32, #tpu.memory_space<vmem>>, %arg7: memref<512x128xf32, #tpu.memory_space<vmem>>, %arg8: memref<512x128xf32, #tpu.memory_space<vmem>>, %arg9: memref<512x128xf32, #tpu.memory_space<vmem>>, %arg10: memref<512x128xf32, #tpu.memory_space<vmem>>, %arg11: memref<512x128xf32, #tpu.memory_space<vmem>>, %arg12: memref<512x512xf32, #tpu.memory_space<vmem>>, %arg13: memref<11x128x128xf32, #tpu.memory_space<vmem>>, %arg14: memref<512x128xf32, #tpu.memory_space<vmem>>, %arg15: memref<1x128xf32, #tpu.memory_space<vmem>>, %arg16: memref<512x128xf32, #tpu.memory_space<vmem>>) attributes {dimension_semantics = [#tpu.dimension_semantics<arbitrary>], iteration_bounds = array<i64: 8>, scalar_prefetch = 0 : i64, scratch_operands = 0 : i64, tpu.core_type = #tpu.core_type<tc>, window_params = [{transform_indices = @transform_0, window_bounds = array<i64: 512, 128>}, {transform_indices = @transform_1, window_bounds = array<i64: 512, 128>}, {transform_indices = @transform_2, window_bounds = array<i64: 512, 128>}, {transform_indices = @transform_3, window_bounds = array<i64: 512, 128>}, {transform_indices = @transform_4, window_bounds = array<i64: 512, 128>}, {transform_indices = @transform_5, window_bounds = array<i64: 512, 128>}, {transform_indices = @transform_6, window_bounds = array<i64: 512, 128>}, {transform_indices = @transform_7, window_bounds = array<i64: 512, 128>}, {transform_indices = @transform_8, window_bounds = array<i64: 512, 128>}, {transform_indices = @transform_9, window_bounds = array<i64: 512, 128>}, {transform_indices = @transform_10, window_bounds = array<i64: 512, 128>}, {transform_indices = @transform_11, window_bounds = array<i64: 512, 512>}, {pipeline_mode = #tpu.pipeline_mode<synchronous>, transform_indices = @transform_12, window_bounds = array<i64: 11, 128, 128>}, {pipeline_mode = #tpu.pipeline_mode<synchronous>, transform_indices = @transform_13, window_bounds = array<i64: 512, 128>}, {pipeline_mode = #tpu.pipeline_mode<synchronous>, transform_indices = @transform_14, window_bounds = array<i64: 1, 128>}, {transform_indices = @transform_15, window_bounds = array<i64: 512, 128>}]} {
    %get3A = arith.constant 0 : index
    %get3A_0 = arith.constant 0 : index
    %get3A_1 = vector.load %arg1[%get3A, %get3A_0] : memref<512x128xf32, #tpu.memory_space<vmem>>, vector<512x128xf32>
    %get3A_2 = arith.constant 0 : index
    %get3A_3 = arith.constant 0 : index
    %get3A_4 = arith.constant 0 : index
    %get3A_5 = vector.load %arg13[%get3A_2, %get3A_3, %get3A_4] : memref<11x128x128xf32, #tpu.memory_space<vmem>>, vector<1x128x128xf32>
    %get3A_6 = vector.shape_cast %get3A_5 : vector<1x128x128xf32> to vector<128x128xf32>
    %dot_general3A = arith.constant dense<0.000000e+00> : vector<512x128xf32>
    %dot_general3A_7 = tpu.matmul %get3A_1, %get3A_6, %dot_general3A {dimension_numbers = #tpu.dot_dimension_numbers<[1], [0], [0], [1], [0, 0, 1, 1], [], []>, transpose_lhs_hint = false} : vector<512x128xf32>, vector<128x128xf32>, vector<512x128xf32> -> vector<512x128xf32>
    %get3A_8 = arith.constant 0 : index
    %get3A_9 = arith.constant 0 : index
    %get3A_10 = vector.load %arg2[%get3A_8, %get3A_9] : memref<512x128xf32, #tpu.memory_space<vmem>>, vector<512x128xf32>
    %get3A_11 = arith.constant 1 : index
    %get3A_12 = arith.constant 0 : index
    %get3A_13 = arith.constant 0 : index
    %get3A_14 = vector.load %arg13[%get3A_11, %get3A_12, %get3A_13] : memref<11x128x128xf32, #tpu.memory_space<vmem>>, vector<1x128x128xf32>
    %get3A_15 = vector.shape_cast %get3A_14 : vector<1x128x128xf32> to vector<128x128xf32>
    %dot_general3A_16 = arith.constant dense<0.000000e+00> : vector<512x128xf32>
    %dot_general3A_17 = tpu.matmul %get3A_10, %get3A_15, %dot_general3A_16 {dimension_numbers = #tpu.dot_dimension_numbers<[1], [0], [0], [1], [0, 0, 1, 1], [], []>, transpose_lhs_hint = false} : vector<512x128xf32>, vector<128x128xf32>, vector<512x128xf32> -> vector<512x128xf32>
    %add3A = arith.addf %dot_general3A_7, %dot_general3A_17 : vector<512x128xf32>
    %get3A_18 = arith.constant 0 : index
    %get3A_19 = arith.constant 0 : index
    %get3A_20 = vector.load %arg3[%get3A_18, %get3A_19] : memref<512x128xf32, #tpu.memory_space<vmem>>, vector<512x128xf32>
    %get3A_21 = arith.constant 2 : index
    %get3A_22 = arith.constant 0 : index
    %get3A_23 = arith.constant 0 : index
    %get3A_24 = vector.load %arg13[%get3A_21, %get3A_22, %get3A_23] : memref<11x128x128xf32, #tpu.memory_space<vmem>>, vector<1x128x128xf32>
    %get3A_25 = vector.shape_cast %get3A_24 : vector<1x128x128xf32> to vector<128x128xf32>
    %dot_general3A_26 = arith.constant dense<0.000000e+00> : vector<512x128xf32>
    %dot_general3A_27 = tpu.matmul %get3A_20, %get3A_25, %dot_general3A_26 {dimension_numbers = #tpu.dot_dimension_numbers<[1], [0], [0], [1], [0, 0, 1, 1], [], []>, transpose_lhs_hint = false} : vector<512x128xf32>, vector<128x128xf32>, vector<512x128xf32> -> vector<512x128xf32>
    %add3A_28 = arith.addf %add3A, %dot_general3A_27 : vector<512x128xf32>
    %get3A_29 = arith.constant 0 : index
    %get3A_30 = arith.constant 0 : index
    %get3A_31 = vector.load %arg4[%get3A_29, %get3A_30] : memref<512x128xf32, #tpu.memory_space<vmem>>, vector<512x128xf32>
    %get3A_32 = arith.constant 3 : index
    %get3A_33 = arith.constant 0 : index
    %get3A_34 = arith.constant 0 : index
    %get3A_35 = vector.load %arg13[%get3A_32, %get3A_33, %get3A_34] : memref<11x128x128xf32, #tpu.memory_space<vmem>>, vector<1x128x128xf32>
    %get3A_36 = vector.shape_cast %get3A_35 : vector<1x128x128xf32> to vector<128x128xf32>
    %dot_general3A_37 = arith.constant dense<0.000000e+00> : vector<512x128xf32>
    %dot_general3A_38 = tpu.matmul %get3A_31, %get3A_36, %dot_general3A_37 {dimension_numbers = #tpu.dot_dimension_numbers<[1], [0], [0], [1], [0, 0, 1, 1], [], []>, transpose_lhs_hint = false} : vector<512x128xf32>, vector<128x128xf32>, vector<512x128xf32> -> vector<512x128xf32>
    %add3A_39 = arith.addf %add3A_28, %dot_general3A_38 : vector<512x128xf32>
    %get3A_40 = arith.constant 0 : index
    %get3A_41 = arith.constant 0 : index
    %get3A_42 = vector.load %arg5[%get3A_40, %get3A_41] : memref<512x128xf32, #tpu.memory_space<vmem>>, vector<512x128xf32>
    %get3A_43 = arith.constant 4 : index
    %get3A_44 = arith.constant 0 : index
    %get3A_45 = arith.constant 0 : index
    %get3A_46 = vector.load %arg13[%get3A_43, %get3A_44, %get3A_45] : memref<11x128x128xf32, #tpu.memory_space<vmem>>, vector<1x128x128xf32>
    %get3A_47 = vector.shape_cast %get3A_46 : vector<1x128x128xf32> to vector<128x128xf32>
    %dot_general3A_48 = arith.constant dense<0.000000e+00> : vector<512x128xf32>
    %dot_general3A_49 = tpu.matmul %get3A_42, %get3A_47, %dot_general3A_48 {dimension_numbers = #tpu.dot_dimension_numbers<[1], [0], [0], [1], [0, 0, 1, 1], [], []>, transpose_lhs_hint = false} : vector<512x128xf32>, vector<128x128xf32>, vector<512x128xf32> -> vector<512x128xf32>
    %add3A_50 = arith.addf %add3A_39, %dot_general3A_49 : vector<512x128xf32>
    %get3A_51 = arith.constant 0 : index
    %get3A_52 = arith.constant 0 : index
    %get3A_53 = vector.load %arg6[%get3A_51, %get3A_52] : memref<512x128xf32, #tpu.memory_space<vmem>>, vector<512x128xf32>
    %get3A_54 = arith.constant 5 : index
    %get3A_55 = arith.constant 0 : index
    %get3A_56 = arith.constant 0 : index
    %get3A_57 = vector.load %arg13[%get3A_54, %get3A_55, %get3A_56] : memref<11x128x128xf32, #tpu.memory_space<vmem>>, vector<1x128x128xf32>
    %get3A_58 = vector.shape_cast %get3A_57 : vector<1x128x128xf32> to vector<128x128xf32>
    %dot_general3A_59 = arith.constant dense<0.000000e+00> : vector<512x128xf32>
    %dot_general3A_60 = tpu.matmul %get3A_53, %get3A_58, %dot_general3A_59 {dimension_numbers = #tpu.dot_dimension_numbers<[1], [0], [0], [1], [0, 0, 1, 1], [], []>, transpose_lhs_hint = false} : vector<512x128xf32>, vector<128x128xf32>, vector<512x128xf32> -> vector<512x128xf32>
    %add3A_61 = arith.addf %add3A_50, %dot_general3A_60 : vector<512x128xf32>
    %get3A_62 = arith.constant 0 : index
    %get3A_63 = arith.constant 0 : index
    %get3A_64 = vector.load %arg7[%get3A_62, %get3A_63] : memref<512x128xf32, #tpu.memory_space<vmem>>, vector<512x128xf32>
    %get3A_65 = arith.constant 6 : index
    %get3A_66 = arith.constant 0 : index
    %get3A_67 = arith.constant 0 : index
    %get3A_68 = vector.load %arg13[%get3A_65, %get3A_66, %get3A_67] : memref<11x128x128xf32, #tpu.memory_space<vmem>>, vector<1x128x128xf32>
    %get3A_69 = vector.shape_cast %get3A_68 : vector<1x128x128xf32> to vector<128x128xf32>
    %dot_general3A_70 = arith.constant dense<0.000000e+00> : vector<512x128xf32>
    %dot_general3A_71 = tpu.matmul %get3A_64, %get3A_69, %dot_general3A_70 {dimension_numbers = #tpu.dot_dimension_numbers<[1], [0], [0], [1], [0, 0, 1, 1], [], []>, transpose_lhs_hint = false} : vector<512x128xf32>, vector<128x128xf32>, vector<512x128xf32> -> vector<512x128xf32>
    %add3A_72 = arith.addf %add3A_61, %dot_general3A_71 : vector<512x128xf32>
    %get3A_73 = arith.constant 0 : index
    %get3A_74 = arith.constant 0 : index
    %get3A_75 = vector.load %arg8[%get3A_73, %get3A_74] : memref<512x128xf32, #tpu.memory_space<vmem>>, vector<512x128xf32>
    %get3A_76 = arith.constant 7 : index
    %get3A_77 = arith.constant 0 : index
    %get3A_78 = arith.constant 0 : index
    %get3A_79 = vector.load %arg13[%get3A_76, %get3A_77, %get3A_78] : memref<11x128x128xf32, #tpu.memory_space<vmem>>, vector<1x128x128xf32>
    %get3A_80 = vector.shape_cast %get3A_79 : vector<1x128x128xf32> to vector<128x128xf32>
    %dot_general3A_81 = arith.constant dense<0.000000e+00> : vector<512x128xf32>
    %dot_general3A_82 = tpu.matmul %get3A_75, %get3A_80, %dot_general3A_81 {dimension_numbers = #tpu.dot_dimension_numbers<[1], [0], [0], [1], [0, 0, 1, 1], [], []>, transpose_lhs_hint = false} : vector<512x128xf32>, vector<128x128xf32>, vector<512x128xf32> -> vector<512x128xf32>
    %add3A_83 = arith.addf %add3A_72, %dot_general3A_82 : vector<512x128xf32>
    %get3A_84 = arith.constant 0 : index
    %get3A_85 = arith.constant 0 : index
    %get3A_86 = vector.load %arg9[%get3A_84, %get3A_85] : memref<512x128xf32, #tpu.memory_space<vmem>>, vector<512x128xf32>
    %get3A_87 = arith.constant 8 : index
    %get3A_88 = arith.constant 0 : index
    %get3A_89 = arith.constant 0 : index
    %get3A_90 = vector.load %arg13[%get3A_87, %get3A_88, %get3A_89] : memref<11x128x128xf32, #tpu.memory_space<vmem>>, vector<1x128x128xf32>
    %get3A_91 = vector.shape_cast %get3A_90 : vector<1x128x128xf32> to vector<128x128xf32>
    %dot_general3A_92 = arith.constant dense<0.000000e+00> : vector<512x128xf32>
    %dot_general3A_93 = tpu.matmul %get3A_86, %get3A_91, %dot_general3A_92 {dimension_numbers = #tpu.dot_dimension_numbers<[1], [0], [0], [1], [0, 0, 1, 1], [], []>, transpose_lhs_hint = false} : vector<512x128xf32>, vector<128x128xf32>, vector<512x128xf32> -> vector<512x128xf32>
    %add3A_94 = arith.addf %add3A_83, %dot_general3A_93 : vector<512x128xf32>
    %get3A_95 = arith.constant 0 : index
    %get3A_96 = arith.constant 0 : index
    %get3A_97 = vector.load %arg10[%get3A_95, %get3A_96] : memref<512x128xf32, #tpu.memory_space<vmem>>, vector<512x128xf32>
    %get3A_98 = arith.constant 9 : index
    %get3A_99 = arith.constant 0 : index
    %get3A_100 = arith.constant 0 : index
    %get3A_101 = vector.load %arg13[%get3A_98, %get3A_99, %get3A_100] : memref<11x128x128xf32, #tpu.memory_space<vmem>>, vector<1x128x128xf32>
    %get3A_102 = vector.shape_cast %get3A_101 : vector<1x128x128xf32> to vector<128x128xf32>
    %dot_general3A_103 = arith.constant dense<0.000000e+00> : vector<512x128xf32>
    %dot_general3A_104 = tpu.matmul %get3A_97, %get3A_102, %dot_general3A_103 {dimension_numbers = #tpu.dot_dimension_numbers<[1], [0], [0], [1], [0, 0, 1, 1], [], []>, transpose_lhs_hint = false} : vector<512x128xf32>, vector<128x128xf32>, vector<512x128xf32> -> vector<512x128xf32>
    %add3A_105 = arith.addf %add3A_94, %dot_general3A_104 : vector<512x128xf32>
    %get3A_106 = arith.constant 0 : index
    %get3A_107 = arith.constant 0 : index
    %get3A_108 = vector.load %arg11[%get3A_106, %get3A_107] : memref<512x128xf32, #tpu.memory_space<vmem>>, vector<512x128xf32>
    %get3A_109 = arith.constant 10 : index
    %get3A_110 = arith.constant 0 : index
    %get3A_111 = arith.constant 0 : index
    %get3A_112 = vector.load %arg13[%get3A_109, %get3A_110, %get3A_111] : memref<11x128x128xf32, #tpu.memory_space<vmem>>, vector<1x128x128xf32>
    %get3A_113 = vector.shape_cast %get3A_112 : vector<1x128x128xf32> to vector<128x128xf32>
    %dot_general3A_114 = arith.constant dense<0.000000e+00> : vector<512x128xf32>
    %dot_general3A_115 = tpu.matmul %get3A_108, %get3A_113, %dot_general3A_114 {dimension_numbers = #tpu.dot_dimension_numbers<[1], [0], [0], [1], [0, 0, 1, 1], [], []>, transpose_lhs_hint = false} : vector<512x128xf32>, vector<128x128xf32>, vector<512x128xf32> -> vector<512x128xf32>
    %add3A_116 = arith.addf %add3A_105, %dot_general3A_115 : vector<512x128xf32>
    %get3A_117 = arith.constant 0 : index
    %get3A_118 = arith.constant 0 : index
    %get3A_119 = vector.load %arg12[%get3A_117, %get3A_118] : memref<512x512xf32, #tpu.memory_space<vmem>>, vector<512x512xf32>
    %get3A_120 = arith.constant 0 : index
    %get3A_121 = arith.constant 0 : index
    %get3A_122 = vector.load %arg14[%get3A_120, %get3A_121] : memref<512x128xf32, #tpu.memory_space<vmem>>, vector<512x128xf32>
    %dot_general3A_123 = arith.constant dense<0.000000e+00> : vector<512x128xf32>
    %dot_general3A_124 = tpu.matmul %get3A_119, %get3A_122, %dot_general3A_123 {dimension_numbers = #tpu.dot_dimension_numbers<[1], [0], [0], [1], [0, 0, 1, 1], [], []>, transpose_lhs_hint = false} : vector<512x512xf32>, vector<512x128xf32>, vector<512x128xf32> -> vector<512x128xf32>
    %add3A_125 = arith.addf %add3A_116, %dot_general3A_124 : vector<512x128xf32>
    %get3A_126 = arith.constant 0 : index
    %get3A_127 = arith.constant 0 : index
    %get3A_128 = vector.load %arg15[%get3A_126, %get3A_127] : memref<1x128xf32, #tpu.memory_space<vmem>>, vector<1x128xf32>
    %get3A_129 = vector.shape_cast %get3A_128 : vector<1x128xf32> to vector<128xf32>
    %broadcast_in_dim3A = vector.shape_cast %get3A_129 : vector<128xf32> to vector<1x128xf32>
    %add3A_130 = vector.broadcast %broadcast_in_dim3A : vector<1x128xf32> to vector<512x128xf32>
    %add3A_131 = arith.addf %add3A_125, %add3A_130 : vector<512x128xf32>
    %max3A = arith.constant 0.000000e+00 : f32
    %max3A_132 = vector.broadcast %max3A : f32 to vector<512x128xf32>
    %max3A_133 = arith.maximumf %add3A_131, %max3A_132 : vector<512x128xf32>
    %swap3A = arith.constant 0 : index
    %swap3A_134 = arith.constant 0 : index
    %swap3A_135 = vector.load %arg16[%swap3A, %swap3A_134] : memref<512x128xf32, #tpu.memory_space<vmem>>, vector<512x128xf32>
    tpu.vector_store %arg16[%swap3A, %swap3A_134], %max3A_133 {strides = array<i32>} : memref<512x128xf32, #tpu.memory_space<vmem>>, vector<512x128xf32>,
    return
  }
  func.func @transform_0(%arg0: i32) -> (i32, i32) {
    %add3A = arith.constant 0 : i32
    %add3A_0 = arith.addi %add3A, %arg0 : i32
    %c0_i32 = arith.constant 0 : i32
    %c0_i32_1 = arith.constant 0 : i32
    return %add3A_0, %c0_i32 : i32, i32
  }
  func.func @transform_1(%arg0: i32) -> (i32, i32) {
    %add3A = arith.constant 0 : i32
    %add3A_0 = arith.addi %add3A, %arg0 : i32
    %c0_i32 = arith.constant 0 : i32
    %c0_i32_1 = arith.constant 0 : i32
    return %add3A_0, %c0_i32 : i32, i32
  }
  func.func @transform_2(%arg0: i32) -> (i32, i32) {
    %add3A = arith.constant 0 : i32
    %add3A_0 = arith.addi %add3A, %arg0 : i32
    %c0_i32 = arith.constant 0 : i32
    %c0_i32_1 = arith.constant 0 : i32
    return %add3A_0, %c0_i32 : i32, i32
  }
  func.func @transform_3(%arg0: i32) -> (i32, i32) {
    %add3A = arith.constant 8 : i32
    %add3A_0 = arith.addi %add3A, %arg0 : i32
    %c0_i32 = arith.constant 0 : i32
    %c0_i32_1 = arith.constant 0 : i32
    return %add3A_0, %c0_i32 : i32, i32
  }
  func.func @transform_4(%arg0: i32) -> (i32, i32) {
    %add3A = arith.constant 16 : i32
    %add3A_0 = arith.addi %add3A, %arg0 : i32
    %c0_i32 = arith.constant 0 : i32
    %c0_i32_1 = arith.constant 0 : i32
    return %add3A_0, %c0_i32 : i32, i32
  }
  func.func @transform_5(%arg0: i32) -> (i32, i32) {
    %add3A = arith.constant 24 : i32
    %add3A_0 = arith.addi %add3A, %arg0 : i32
    %c0_i32 = arith.constant 0 : i32
    %c0_i32_1 = arith.constant 0 : i32
    return %add3A_0, %c0_i32 : i32, i32
  }
  func.func @transform_6(%arg0: i32) -> (i32, i32) {
    %add3A = arith.constant 32 : i32
    %add3A_0 = arith.addi %add3A, %arg0 : i32
    %c0_i32 = arith.constant 0 : i32
    %c0_i32_1 = arith.constant 0 : i32
    return %add3A_0, %c0_i32 : i32, i32
  }
  func.func @transform_7(%arg0: i32) -> (i32, i32) {
    %add3A = arith.constant 0 : i32
    %add3A_0 = arith.addi %add3A, %arg0 : i32
    %c0_i32 = arith.constant 0 : i32
    %c0_i32_1 = arith.constant 0 : i32
    return %add3A_0, %c0_i32 : i32, i32
  }
  func.func @transform_8(%arg0: i32) -> (i32, i32) {
    %add3A = arith.constant 8 : i32
    %add3A_0 = arith.addi %add3A, %arg0 : i32
    %c0_i32 = arith.constant 0 : i32
    %c0_i32_1 = arith.constant 0 : i32
    return %add3A_0, %c0_i32 : i32, i32
  }
  func.func @transform_9(%arg0: i32) -> (i32, i32) {
    %add3A = arith.constant 16 : i32
    %add3A_0 = arith.addi %add3A, %arg0 : i32
    %c0_i32 = arith.constant 0 : i32
    %c0_i32_1 = arith.constant 0 : i32
    return %add3A_0, %c0_i32 : i32, i32
  }
  func.func @transform_10(%arg0: i32) -> (i32, i32) {
    %add3A = arith.constant 24 : i32
    %add3A_0 = arith.addi %add3A, %arg0 : i32
    %c0_i32 = arith.constant 0 : i32
    %c0_i32_1 = arith.constant 0 : i32
    return %add3A_0, %c0_i32 : i32, i32
  }
  func.func @transform_11(%arg0: i32) -> (i32, i32) {
    %c0_i32 = arith.constant 0 : i32
    %c0_i32_0 = arith.constant 0 : i32
    return %arg0, %c0_i32 : i32, i32
  }
  func.func @transform_12(%arg0: i32) -> (i32, i32, i32) {
    %c0_i32 = arith.constant 0 : i32
    %c0_i32_0 = arith.constant 0 : i32
    %c0_i32_1 = arith.constant 0 : i32
    %c0_i32_2 = arith.constant 0 : i32
    return %c0_i32, %c0_i32_0, %c0_i32_1 : i32, i32, i32
  }
  func.func @transform_13(%arg0: i32) -> (i32, i32) {
    %c0_i32 = arith.constant 0 : i32
    %c0_i32_0 = arith.constant 0 : i32
    %c0_i32_1 = arith.constant 0 : i32
    return %c0_i32, %c0_i32_0 : i32, i32
  }
  func.func @transform_14(%arg0: i32) -> (i32, i32) {
    %c0_i32 = arith.constant 0 : i32
    %c0_i32_0 = arith.constant 0 : i32
    %c0_i32_1 = arith.constant 0 : i32
    return %c0_i32, %c0_i32_0 : i32, i32
  }
  func.func @transform_15(%arg0: i32) -> (i32, i32) {
    %c0_i32 = arith.constant 0 : i32
    %c0_i32_0 = arith.constant 0 : i32
    return %arg0, %c0_i32 : i32, i32
  }
}

</mosaic_0001>

<sc_bundles>
// kernel: kernel.11.cloned.1.call-start
scs
__scs_entry_jumppad:
0x0: {  	(pc) =	sbr.rel $0x88, $3  }
0x1: {  	(tag) =	ssettag $0x0;
	lr =	simm.s32 $0x1  }
0x2: {  	[smem:$0x3F9A] =	sst lr;
	_ =	strace $0xD0000000  }
0x3: {  	_ = 	snop  }
0x4: {  	_ = 	snop  }
0x5: {  	_ = 	snop  }
0x6: {  	_ = 	snop  }
0x7: {  	_ = 	snop  }
__scs_overlays_trampoline_lowered:
0x8: {  	[smem:$0x3FA9] =	sst s0  }
0x9: {  	[smem:$0x3FAA] =	sst s1  }
0xa: {  	[smem:$0x3FAB] =	sst s2  }
0xb: {  	[smem:$0x3FAC] =	sst s3  }
0xc: {  	[smem:$0x3FAD] =	sst s4  }
0xd: {  	[smem:$0x3FAE] =	sst s5  }
0xe: {  	[smem:$0x3FAF] =	sst s6  }
0xf: {  	[smem:$0x3FB0] =	sst s7  }
0x10: {  	[smem:$0x3FB1] =	sst s8  }
0x11: {  	[smem:$0x3FB2] =	sst s9;
	s0 =	simm.s32 @!p0 $0x0  }
0x12: {  	s1 =	sld [smem:$0x3F98];
	s0 =	simm.s32 @p0 $0x1  }
0x13: {  	[smem:$0x3FB3] =	sst s0;
	s0 =	simm.s32 @!p1 $0x0  }
0x14: {  	s2 =	sld [smem:$0x3F97];
	s0 =	simm.s32 @p1 $0x1  }
0x15: {  	[smem:$0x3FB4] =	sst s0;
	s0 =	simm.s32 @!p2 $0x0  }
0x16: {  	s3 =	sld [smem:$0x3FDB];
	s0 =	simm.s32 @p2 $0x1  }
0x17: {  	s4 =	simm.s32 $0x1BF5;
	[smem:$0x3FB6] =	sst s0  }
0x18: {  	s0 =	sld [smem:$0x3F99];
	_ =	swait.ge [sflag:s4], $0x0  }
0x19: {  	s7 =	sld [smem:$0x3F9A]  }
0x1a: {  	s8 =	sadd.s32 $0xFFFFE003, lr  }
0x1b: {  	s9 =	sadd.s32 $0xFFFFFEF7, lr;
	s5 =	simm.s32 $0xFFFFFFFF;
	p2 =	slt.u32 s8, $0xFFFFF086  }
0x1c: {  	p1 =	slt.u32 s9, $0xF7A;
	s5 =	simm.s32 @!p2 $0x0  }
0x1d: {  	s5 =	simm.s32 @p1 $0x1;
	p0 =	seq.s32 s7, s2  }
0x1e: {  	s7 =	smul.u32 @!p0 $0xF7A, s2;
	p2 =	seq.s32 @!p0 s5, $0x0  }
0x1f: {  	s9 =	smul.u32 $0xF7A, s1;
	s8 =	simm.s32 @!p0 $0x1BF5;
	p2 =	por !p2, p0  }
0x20: {  	[sflag:s8] =	ssyncset.s32 @!p0 $0xFFFFF086;
	s6 =	sadd.s32 @!p0 s3, s7;
	s7 =	simm.s32 @!p0 $0x108  }
0x21: {  	s3 =	sadd.s32 s3, s9;
	s6 =	sadd.s32 @!p0 $0x88, s6;
	s7 =	simm.s32 @p2 $0x1082  }
0x22: {  	[simem:s7], [sflag:s8] =	dma.local @!p0 [hbm:s6], $0xF7A  }
0x23: {  	s9 =	sor.u32 $0xD0000000, s2;
	s6 =	simm.s32 $0x108;
	_ =	swait.ge @!p0 [sflag:s8], $0x0  }
0x24: {  	s3 =	sadd.s32 $0x88, s3;
	s6 =	simm.s32 @!p1 $0x1082;
	[sflag:s4] =	ssyncset.s32 $0xFFFFF086  }
0x25: {  	[simem:s6], [sflag:s4] =	dma.local [hbm:s3], $0xF7A  }
0x26: {  	[smem:$0x3F9A] =	sst s1;
	(tag) =	ssettag s2;
	_ =	strace s9  }
0x27: {  	s1 =	sld [smem:$0x3FAA]  }
0x28: {  	s2 =	sld [smem:$0x3FAB]  }
0x29: {  	s4 =	sld [smem:$0x3FAD]  }
0x2a: {  	p0 =	seq.s32 s5, $0x0;
	s5 =	sld [smem:$0x3FAE]  }
0x2b: {  	s6 =	sld [smem:$0x3FAF]  }
0x2c: {  	s7 =	sld [smem:$0x3FB0]  }
0x2d: {  	s3 =	simm.s32 $0x108;
	s8 =	sld [smem:$0x3FB1]  }
0x2e: {  	s3 =	simm.s32 @!p0 $0x1082;
	s9 =	sld [smem:$0x3FB2]  }
0x2f: {  	lr =	sadd.s32 s0, s3;
	s0 =	sld [smem:$0x3FA9]  }
0x30: {  	s3 =	sld [smem:$0x3FAC]  }
0x31: {  	[smem:$0x3FB5] =	sst s10  }
0x32: {  	s10 =	sld [smem:$0x3FB3];
	_ =	sdelay $0x3  }
0x33: {  	p0 =	seq.s32 s10, $0x1;
	s10 =	sld [smem:$0x3FB5];
	_ =	sdelay $0x3  }
0x34: {  	[smem:$0x3FB5] =	sst s10  }
0x35: {  	s10 =	sld [smem:$0x3FB4];
	_ =	sdelay $0x3  }
0x36: {  	p1 =	seq.s32 s10, $0x1;
	s10 =	sld [smem:$0x3FB5];
	_ =	sdelay $0x3  }
0x37: {  	[smem:$0x3FB5] =	sst s10  }
0x38: {  	s10 =	sld [smem:$0x3FB6]  }
0x39: {  	_ = 	snop;
	(pc) =	sbr.ind lr, $3  }
0x3a: {  	_ = 	snop  }
0x3b: {  	_ = 	snop  }
0x3c: {  	p2 =	seq.s32 s10, $0x1;
	s10 =	sld [smem:$0x3FB5]  }
0x3d: {  	_ =	shalt  }
0x3e: {  	_ =	shalt  }
0x3f: {  	_ =	shalt  }
0x40: {  	_ =	shalt  }
0x41: {  	_ =	shalt  }
0x42: {  	_ =	shalt  }
0x43: {  	_ =	shalt  }
0x44: {  	_ =	shalt  }
0x45: {  	_ =	shalt  }
0x46: {  	_ =	shalt  }
0x47: {  	_ =	shalt  }
0x48: {  	_ =	shalt  }
0x49: {  	_ =	shalt  }
0x4a: {  	_ =	shalt  }
0x4b: {  	_ =	shalt  }
0x4c: {  	_ =	shalt  }
0x4d: {  	_ =	shalt  }
0x4e: {  	_ =	shalt  }
0x4f: {  	_ =	shalt  }
0x50: {  	_ =	shalt  }
0x51: {  	_ =	shalt  }
0x52: {  	_ =	shalt  }
0x53: {  	_ =	shalt  }
0x54: {  	_ =	shalt  }
0x55: {  	_ =	shalt  }
0x56: {  	_ =	shalt  }
0x57: {  	_ =	shalt  }
0x58: {  	_ =	shalt  }
0x59: {  	_ =	shalt  }
0x5a: {  	_ =	shalt  }
0x5b: {  	_ =	shalt  }
0x5c: {  	_ =	shalt  }
0x5d: {  	_ =	shalt  }
0x5e: {  	_ =	shalt  }
0x5f: {  	_ =	shalt  }
0x60: {  	_ =	shalt  }
0x61: {  	_ =	shalt  }
0x62: {  	_ =	shalt  }
0x63: {  	_ =	shalt  }
0x64: {  	_ =	shalt  }
0x65: {  	_ =	shalt  }
0x66: {  	_ =	shalt  }
0x67: {  	_ =	shalt  }
0x68: {  	_ =	shalt  }
0x69: {  	_ =	shalt  }
0x6a: {  	_ =	shalt  }
0x6b: {  	_ =	shalt  }
0x6c: {  	_ =	shalt  }
0x6d: {  	_ =	shalt  }
0x6e: {  	_ =	shalt  }
0x6f: {  	_ =	shalt  }
0x70: {  	_ =	shalt  }
0x71: {  	_ =	shalt  }
0x72: {  	_ =	shalt  }
0x73: {  	_ =	shalt  }
0x74: {  	_ =	shalt  }
0x75: {  	_ =	shalt  }
0x76: {  	_ =	shalt  }
0x77: {  	_ =	shalt  }
0x78: {  	_ =	shalt  }
0x79: {  	_ =	shalt  }
0x7a: {  	_ =	shalt  }
0x7b: {  	_ =	shalt  }
0x7c: {  	_ =	shalt  }
0x7d: {  	_ =	shalt  }
0x7e: {  	_ =	shalt  }
0x7f: {  	_ =	shalt  }
0x80: {  	_ =	shalt  }
0x81: {  	_ =	shalt  }
0x82: {  	_ =	shalt  }
0x83: {  	_ =	shalt  }
0x84: {  	_ =	shalt  }
0x85: {  	_ =	shalt  }
0x86: {  	_ =	shalt  }
0x87: {  	_ =	shalt  }
.Lfunc_end0:
.L_simem_size_0:
called_computation_lowered:
.L_overlay_start_0:
0x88: {  	s2 =	sld [smem:$0x3FD9]  }
0x89: {  	s3 =	sld [smem:$0x3FFE];
	_ =	sdelay $0x1  }
0x8a: {  	s1 =	srdreg.scid  }
0x8b: {  	s0 =	sand.u32 $0x1, s1  }
0x8c: {  	s17 =	sshll.u32 s0, $0xA;
	s2 =	sadd.s32 s3, s2  }
0x8d: {  	s2 =	sadd.s32 s2, s17  }
0x8e: {  	[smem:$0x3FC1] =	sst s2  }
0x8f: {  	_ = 	snop  }
0x90: {  	(tm) =	ssettm $0x1  }
0x91: {  	s18 =	sld [smem:$0x3FFB];
	_ =	sdelay $0x3  }
0x92: {  	_ =	strace s18  }
0x93: {  	s2 =	sld [smem:$0x3FFC];
	_ =	sdelay $0x3  }
0x94: {  	_ =	strace s2  }
0x95: {  	s2 =	sld [smem:$0x3FFD];
	_ =	sdelay $0x3  }
0x96: {  	_ =	strace s2  }
0x97: {  	_ =	strace $0x8FFFFFFF  }
0x98: {  	s19 =	sld [smem:$0x3FDB];
	_ =	sdelay $0x1  }
0x99: {  	s20 =	simm.s32 $_scs_section_size  }
0x9a: {  	s4 =	simm.s32 $_size__tile_overlayer_lowered;
	s5 =	simm.s32 $_tile_overlayer_lowered  }
0x9b: {  	s6 =	simm.s32 $0x1BFF;
	s21 =	sshll.u32 s5, $0x1;
	s3 =	sadd.s32 s20, s19  }
0x9c: {  	s22 =	simm.s32 $0x0;
	s4 =	sshll.u32 s4, $0x1;
	s5 =	sadd.s32 s21, s3  }
0x9d: {  	[timem:s22], [sflag:s6] =	dma.local [hbm:s5], s4  }
0x9e: {  	_ =	swait.ge [sflag:s6], s4  }
0x9f: {  	s4 =	ssub.s32 $0x0, s4;
	[sflag:s6] =	ssyncset.done $0x0  }
0xa0: {  	[sflag:s6] =	ssyncadd.s32 s4;
	_ =	sdelay $0x1  }
0xa1: {  	s23 =	simm.s32 $0x1B8B  }
0xa2: {  	_ =	swait.ge [sflag:s23], $0x1  }
0xa3: {  	[sflag:s23] =	ssyncset.done $0x0  }
0xa4: {  	[sflag:s23] =	ssyncadd.s32 $0xFFFFFFFF  }
0xa5: {  	s4 =	sld [smem:$0x0]  }
0xa6: {  	s5 =	sand.u32 $0xFFFFFFFE, s1  }
0xa7: {  	p0 =	sne.s32 s1, s5  }
0xa8: {  	s5 =	sshll.u32 @p0 s5, $0xE  }
0xa9: {  	s5 =	sadd.s32 @p0 $0x11B8D, s5;
	s6 =	sshll.u32 @p0 s4, $0x11  }
0xaa: {  	s5 =	sor.u32 @p0 s6, s5  }
0xab: {  	[sflag:s5] =	ssyncadd.remote.s32 @p0 $0x1;
	_ =	sdelay $0x1  }
0xac: {  	s5 =	simm.s32 @p0 $0x1B8D  }
0xad: {  	_ =	swait.eq @p0 [sflag:s5], $0x1  }
0xae: {  	[sflag:s5] =	ssyncadd.s32 @p0 $0xFFFFFFFF  }
0xaf: {  	s6 =	sshll.u32 @!p0 s1, $0xE  }
0xb0: {  	s6 =	sor.u32 @!p0 $0x4000, s6;
	s5 =	simm.s32 @!p0 $0x1B8D  }
0xb1: {  	s4 =	sshll.u32 @!p0 s4, $0x11;
	s6 =	sadd.s32 @!p0 $0x11B8D, s6;
	_ =	swait.eq @!p0 [sflag:s5], $0x1  }
0xb2: {  	s4 =	sor.u32 @!p0 s4, s6;
	[sflag:s5] =	ssyncadd.s32 @!p0 $0xFFFFFFFF  }
0xb3: {  	s25 =	simm.s32 $0x1B8E;
	s24 =	sld [smem:$0x3FFE];
	[sflag:s4] =	ssyncadd.remote.s32 @!p0 $0x1  }
0xb4: {  	s26 =	simm.s32 $execute0_lowered;
	[smem:$0x3FD2] =	sst s25  }
0xb5: {  	s5 =	sshll.u32 s26, $0x1;
	_ =	strace $0x8000004C;
	[dreg:$0x1] =	wrdreg $0xFFFFFFFF  }
0xb6: {  	s28 =	simm.s32 $_size_execute0_lowered;
	s3 =	sadd.s32 s3, s5;
	[dreg:$0x0] =	wrdreg $0x0  }
0xb7: {  	s5 =	sshll.u32 s28, $0x1;
	[dreg:$0x2] =	wrdreg s3  }
0xb8: {  	[dreg:$0x3] =	wrdreg s5  }
0xb9: {  	[dreg:$0x4] =	wrdreg $0xC0  }
0xba: {  	_ =	task [dreg:s22], $0x5FFFF  }
0xbb: {  	[dreg:$0x1] =	wrdreg $0xFFFFFFFF  }
0xbc: {  	[dreg:$0x0] =	wrdreg $0x60  }
0xbd: {  	[dreg:$0x2] =	wrdreg s24  }
0xbe: {  	[dreg:$0x3] =	wrdreg $0x9  }
0xbf: {  	_ =	task.clear_ibuf [dreg:s22], $0x4FFFF;
	_ =	strace $0x9000004C  }
0xc0: {  	s29 =	simm.s32 $0x9;
	_ =	strace $0x8000004E  }
0xc1: {  	_ =	swait.ge [sflag:s29], $0x1  }
0xc2: {  	[sflag:s29] =	ssyncadd.s32 $0xFFFFFFFF  }
0xc3: {  	_ =	strace $0x9000004E  }
0xc4: {  	_ =	sfence  }
0xc5: {  	s30 =	sld [smem:$0x0];
	_ =	sdelay $0x2  }
0xc6: {  	s31 =	sshll.u32 s1, $0xD;
	s1 =	sshrl.u32 s1, $0x2  }
0xc7: {  	s4 =	sand.u32 $0x4000, s31;
	s1 =	sadd.s32 s1, s30  }
0xc8: {  	s0 =	sor.u32 s4, s0;
	s1 =	sshll.u32 s1, $0x11  }
0xc9: {  	s0 =	sor.u32 s1, s0  }
0xca: {  	s0 =	sadd.s32 $0x8F2B, s0  }
0xcb: {  	[sflag:s0] =	ssyncadd.remote.s32 $0x1  }
0xcc: {  	_ =	sfence.sel $0xFFFF  }
0xcd: {  	[dreg:$0x0] =	wrdreg $0xFFFFFFFF;
	(pc) =	sbr.abs _section_cstart, $3  }
0xce: {  	[dreg:$0x1] =	wrdreg $0xFFFFFFFF  }
0xcf: {  	_ =	task.clear_ibuf [dreg:s22], $0x2FFFF;
	_ =	strace $0x9FFFFFFF  }
0xd0: {  	(tm) =	ssettm $0x7FFFFFFF  }
0xd1: {  	_ =	shalt  }
tec
execute0_lowered:
.L_overlay_start_1:
0x0: {  	(tag) =	ssettag $0x1  }
0x1: {  	s0 =	rddreg [dreg:$0x0]  }
0x2: {  	s1 =	srdreg.scid;
	s15 =	rddreg [dreg:$0x1]  }
0x3: {  	s3 =	stileid.u32;
	s2 =	simm.s32 $0x0;
	s21 =	simm.s32 $0x400  }
0x4: {  	s20 =	simm.s32 $0x100;
	s23 =	simm.s32 $0x180;
	s24 =	simm.s32 $0x280  }
0x5: {  	s25 =	simm.s32 $0x300;
	s29 =	simm.s32 $0x480;
	s30 =	simm.s32 $0x500  }
0x6: {  	s31 =	simm.s32 $0x580;
	p0 =	por $0x0, $0x0;
	[smem:$0x7FF] =	sst s2  }
0x7: {  	s28 =	simm.s32 $0x780;
	_ =	strace $0x8000004D;
	[dreg:$0xb] =	wrdreg s20  }
0x8: {  	s1 =	sand.u32 $0x1, s1;
	s3 =	sshll.u32 s3, $0xA;
	[dreg:$0xc] =	wrdreg s23  }
0x9: {  	s5 =	sadd.s32 $0x64400, s0;
	s6 =	sadd.s32 $0x13D400, s0;
	[dreg:$0xd] =	wrdreg s24  }
0xa: {  	s4 =	sshll.u32 s1, $0x9;
	s1 =	ssub.s32 $0x2, s1;
	[dreg:$0xe] =	wrdreg s25  }
0xb: {  	s20 =	simm.s32 $0x7A00;
	s24 =	simm.s32 $0x680;
	s25 =	simm.s32 $0x700  }
0xc: {  	s23 =	simm.s32 $0x980;
	s3 =	sor.u32 s4, s3;
	s17 =	sshrl.u32 s1, $0x1  }
0xd: {  	s4 =	sor.u32 $0x8000, s3;
	s8 =	sor.u32 $0xC000, s3;
	s9 =	sor.u32 $0x10000, s3  }
0xe: {  	s11 =	sshrl.u32 s3, $0x3;
	s3 =	sshll.u32 s3, $0x2;
	s19 =	ssub.s32 s1, s17  }
0xf: {  	s17 =	simm.s32 $0x900;
	s7 =	sshrl.u32 s4, $0x3;
	s26 =	sshrl.u32 s8, $0x3  }
0x10: {  	s10 =	sshrl.u32 s9, $0x3;
	s22 =	sadd.s32 s6, s3;
	s4 =	sshll.u32 s4, $0x2  }
0x11: {  	s13 =	sshll.u32 s8, $0x2;
	s16 =	sshll.u32 s9, $0x2;
	s8 =	simm.s32 $0x2  }
0x12: {  	s9 =	simm.s32 $0x3;
	s7 =	sadd.s32 s5, s7;
	s10 =	sadd.s32 s5, s10  }
0x13: {  	s3 =	sadd.s32 $0x10000, s22;
	s12 =	sadd.s32 s6, s4;
	s14 =	sadd.s32 s6, s13  }
0x14: {  	s18 =	sadd.s32 s6, s16;
	s6 =	simm.s32 $0x80;
	[dreg:$0x2] =	wrdreg s7  }
0x15: {  	s4 =	simm.s32 $0xA00;
	s13 =	simm.s32 $0x4A00;
	[dreg:$0x4] =	wrdreg s10  }
0x16: {  	s7 =	sadd.s32 s5, s26;
	s5 =	sadd.s32 s11, s5;
	[dreg:$0x7] =	wrdreg s3  }
0x17: {  	[dreg:$0x8] =	wrdreg s12;
	s11 =	sadd.s32 $0x2800, s5;
	s5 =	sadd.s32 $0x3000, s5  }
0x18: {  	[dreg:$0x6] =	wrdreg s5;
	s5 =	sadd.s32 $0xDB800, s0;
	s0 =	smax.u32 s19, $0x1  }
0x19: {  	s16 =	simm.s32 $0x880;
	[dreg:$0x9] =	wrdreg s14;
	p1 =	sne.s32 s0, $0x1  }
.Ltmp0:
0x1a: {  	[dreg:$0xa] =	wrdreg s18;
	s26 =	simm.s32 $0x200;
	(pc) =	sbr.rel @!p1 .LBB2_1-.Ltmp0, $4  }
0x1b: {  	s14 =	simm.s32 $0x600;
	s3 =	simm.s32 $0x1;
	[dreg:$0x3] =	wrdreg s7  }
0x1c: {  	s10 =	simm.s32 $0x1A00;
	s12 =	simm.s32 $0x3A00;
	s1 =	rddreg [dreg:$0x2]  }
0x1d: {  	s18 =	simm.s32 $0x5A00;
	s7 =	simm.s32 $0x800;
	[dreg:$0x5] =	wrdreg s11  }
0x1e: {  	s11 =	simm.s32 $0x2A00;
	s19 =	simm.s32 $0x6A00;
	s0 =	sadd.s32 $0xFFFFFFFF, s0  }
0x1f: {  	[tilespmem:s2], [sflag:$0x1] =	stream.linear.gather [hbm4b:s1+s2], $0x200, $0x38;
	[tilespmem:$0x8A00] =	vst v63  }
0x20: {  	s15 =	smov.u32 s0;
	s0 =	rddreg [dreg:$0x3]  }
0x21: {  	[tilespmem:s26], [sflag:$0x1] =	stream.linear.gather [hbm4b:s0+s2], $0x200, $0x38;
	[tilespmem:$0x8A00] =	vst v63  }
0x22: {  	s1 =	rddreg [dreg:$0x4]  }
0x23: {  	[tilespmem:s21], [sflag:$0x1] =	stream.linear.gather [hbm4b:s1+s2], $0x200, $0x38;
	[tilespmem:$0x8A00] =	vst v63  }
0x24: {  	s0 =	rddreg [dreg:$0x5]  }
0x25: {  	[tilespmem:s14], [sflag:$0x1] =	stream.linear.gather [hbm4b:s0+s2], $0x200, $0x38;
	[tilespmem:$0x8A00] =	vst v63  }
0x26: {  	s1 =	rddreg [dreg:$0x6]  }
0x27: {  	[tilespmem:s7], [sflag:$0x1] =	stream.linear.gather [hbm4b:s1+s2], $0x200, $0x38;
	[tilespmem:$0x8A00] =	vst v63  }
0x28: {  	_ =	swait.ge [sflag:s3], $0x200  }
0x29: {  	[sflag:s3] =	ssyncset.done $0x0  }
0x2a: {  	[sflag:s3] =	ssyncadd.s32 $0xFFFFFE00  }
0x2b: {  	_ =	swait.ge [sflag:s3], $0x200  }
0x2c: {  	[sflag:s3] =	ssyncset.done $0x0  }
0x2d: {  	[sflag:s3] =	ssyncadd.s32 $0xFFFFFE00  }
0x2e: {  	_ =	swait.ge [sflag:s3], $0x200  }
0x2f: {  	[sflag:s3] =	ssyncset.done $0x0  }
0x30: {  	[sflag:s3] =	ssyncadd.s32 $0xFFFFFE00  }
0x31: {  	_ =	swait.ge [sflag:s3], $0x200  }
0x32: {  	[sflag:s3] =	ssyncset.done $0x0  }
0x33: {  	[sflag:s3] =	ssyncadd.s32 $0xFFFFFE00  }
0x34: {  	_ =	swait.ge [sflag:s3], $0x200  }
0x35: {  	[sflag:s3] =	ssyncset.done $0x0  }
0x36: {  	[sflag:s3] =	ssyncadd.s32 $0xFFFFFE00  }
0x37: {  	[tilespmem:s4], [sflag:$0x1] =	stream.indirect.gather [hbm4b:s5+s6], $0x20, s2, s6, $0xb8;
	[tilespmem:$0x8A00] =	vst v63  }
0x38: {  	_ = 	snop  }
0x39: {  	[tilespmem:s10], [sflag:$0x1] =	stream.indirect.gather [hbm4b:s5+s6], $0x20, s6, s6, $0xb8;
	[tilespmem:$0x8A00] =	vst v63  }
0x3a: {  	s0 =	rddreg [dreg:$0xb]  }
0x3b: {  	[tilespmem:s11], [sflag:$0x1] =	stream.indirect.gather [hbm4b:s5+s6], $0x20, s0, s6, $0xb8;
	[tilespmem:$0x8A00] =	vst v63  }
0x3c: {  	s1 =	rddreg [dreg:$0xc]  }
0x3d: {  	[tilespmem:s12], [sflag:$0x1] =	stream.indirect.gather [hbm4b:s5+s6], $0x20, s1, s6, $0xb8;
	[tilespmem:$0x8A00] =	vst v63  }
0x3e: {  	_ =	swait.ge [sflag:s3], $0x1000  }
0x3f: {  	[sflag:s3] =	ssyncset.done $0x0  }
0x40: {  	[sflag:s3] =	ssyncadd.s32 $0xFFFFF000  }
0x41: {  	_ =	swait.ge [sflag:s3], $0x1000  }
0x42: {  	[sflag:s3] =	ssyncset.done $0x0  }
0x43: {  	[sflag:s3] =	ssyncadd.s32 $0xFFFFF000  }
0x44: {  	_ =	swait.ge [sflag:s3], $0x1000  }
0x45: {  	[sflag:s3] =	ssyncset.done $0x0  }
0x46: {  	[sflag:s3] =	ssyncadd.s32 $0xFFFFF000  }
0x47: {  	_ =	swait.ge [sflag:s3], $0x1000  }
0x48: {  	[sflag:s3] =	ssyncset.done $0x0  }
0x49: {  	[sflag:s3] =	ssyncadd.s32 $0xFFFFF000  }
0x4a: {  	[hbm4b:s22+s2] =	stream.linear.scatter [tilespmem:s4], [sflag:$0x2], $0x4000, $0x38;
	[tilespmem:$0x8A00] =	vst v63  }
0x4b: {  	_ = 	snop  }
0x4c: {  	[tilespmem:s13], [sflag:$0x1] =	stream.indirect.gather [hbm4b:s5+s6], $0x20, s26, s6, $0xb8;
	[tilespmem:$0x8A00] =	vst v63  }
0x4d: {  	s0 =	rddreg [dreg:$0xd]  }
0x4e: {  	[tilespmem:s18], [sflag:$0x1] =	stream.indirect.gather [hbm4b:s5+s6], $0x20, s0, s6, $0xb8;
	[tilespmem:$0x8A00] =	vst v63  }
0x4f: {  	s1 =	rddreg [dreg:$0xe]  }
0x50: {  	[tilespmem:s19], [sflag:$0x1] =	stream.indirect.gather [hbm4b:s5+s6], $0x20, s1, s6, $0xb8;
	[tilespmem:$0x8A00] =	vst v63  }
0x51: {  	s1 =	simm.s32 $0x380  }
0x52: {  	[tilespmem:s20], [sflag:$0x1] =	stream.indirect.gather [hbm4b:s5+s6], $0x20, s1, s6, $0xb8;
	[tilespmem:$0x8A00] =	vst v63  }
0x53: {  	_ =	swait.ge [sflag:s3], $0x1000  }
0x54: {  	[sflag:s3] =	ssyncset.done $0x0  }
0x55: {  	[sflag:s3] =	ssyncadd.s32 $0xFFFFF000  }
0x56: {  	_ =	swait.ge [sflag:s3], $0x1000  }
0x57: {  	[sflag:s3] =	ssyncset.done $0x0  }
0x58: {  	[sflag:s3] =	ssyncadd.s32 $0xFFFFF000  }
0x59: {  	_ =	swait.ge [sflag:s3], $0x1000  }
0x5a: {  	[sflag:s3] =	ssyncset.done $0x0  }
0x5b: {  	[sflag:s3] =	ssyncadd.s32 $0xFFFFF000  }
0x5c: {  	_ =	swait.ge [sflag:s3], $0x1000  }
0x5d: {  	[sflag:s3] =	ssyncset.done $0x0  }
0x5e: {  	s1 =	rddreg [dreg:$0x7];
	[sflag:s3] =	ssyncadd.s32 $0xFFFFF000  }
0x5f: {  	[hbm4b:s1+s2] =	stream.linear.scatter [tilespmem:s13], [sflag:$0x3], $0x4000, $0x38;
	[tilespmem:$0x8A00] =	vst v63  }
0x60: {  	_ =	swait.ge [sflag:s8], $0x4000  }
0x61: {  	[sflag:s8] =	ssyncset.done $0x0  }
0x62: {  	[sflag:s8] =	ssyncadd.s32 $0xFFFFC000  }
0x63: {  	[tilespmem:s4], [sflag:$0x1] =	stream.indirect.gather [hbm4b:s5+s6], $0x20, s21, s6, $0xb8;
	[tilespmem:$0x8A00] =	vst v63  }
0x64: {  	_ = 	snop  }
0x65: {  	[tilespmem:s10], [sflag:$0x1] =	stream.indirect.gather [hbm4b:s5+s6], $0x20, s29, s6, $0xb8;
	[tilespmem:$0x8A00] =	vst v63  }
0x66: {  	_ = 	snop  }
0x67: {  	[tilespmem:s11], [sflag:$0x1] =	stream.indirect.gather [hbm4b:s5+s6], $0x20, s30, s6, $0xb8;
	[tilespmem:$0x8A00] =	vst v63  }
0x68: {  	_ = 	snop  }
0x69: {  	[tilespmem:s12], [sflag:$0x1] =	stream.indirect.gather [hbm4b:s5+s6], $0x20, s31, s6, $0xb8;
	[tilespmem:$0x8A00] =	vst v63  }
0x6a: {  	_ =	swait.ge [sflag:s3], $0x1000  }
0x6b: {  	[sflag:s3] =	ssyncset.done $0x0  }
0x6c: {  	[sflag:s3] =	ssyncadd.s32 $0xFFFFF000  }
0x6d: {  	_ =	swait.ge [sflag:s3], $0x1000  }
0x6e: {  	[sflag:s3] =	ssyncset.done $0x0  }
0x6f: {  	[sflag:s3] =	ssyncadd.s32 $0xFFFFF000  }
0x70: {  	_ =	swait.ge [sflag:s3], $0x1000  }
0x71: {  	[sflag:s3] =	ssyncset.done $0x0  }
0x72: {  	[sflag:s3] =	ssyncadd.s32 $0xFFFFF000  }
0x73: {  	_ =	swait.ge [sflag:s3], $0x1000  }
0x74: {  	[sflag:s3] =	ssyncset.done $0x0  }
0x75: {  	s1 =	rddreg [dreg:$0x8];
	[sflag:s3] =	ssyncadd.s32 $0xFFFFF000  }
0x76: {  	[hbm4b:s1+s2] =	stream.linear.scatter [tilespmem:s4], [sflag:$0x2], $0x4000, $0x38;
	[tilespmem:$0x8A00] =	vst v63  }
0x77: {  	_ =	swait.ge [sflag:s9], $0x4000  }
0x78: {  	[sflag:s9] =	ssyncset.done $0x0  }
0x79: {  	[sflag:s9] =	ssyncadd.s32 $0xFFFFC000  }
0x7a: {  	[tilespmem:s13], [sflag:$0x1] =	stream.indirect.gather [hbm4b:s5+s6], $0x20, s14, s6, $0xb8;
	[tilespmem:$0x8A00] =	vst v63  }
0x7b: {  	_ = 	snop  }
0x7c: {  	[tilespmem:s18], [sflag:$0x1] =	stream.indirect.gather [hbm4b:s5+s6], $0x20, s24, s6, $0xb8;
	[tilespmem:$0x8A00] =	vst v63  }
0x7d: {  	_ = 	snop  }
0x7e: {  	[tilespmem:s19], [sflag:$0x1] =	stream.indirect.gather [hbm4b:s5+s6], $0x20, s25, s6, $0xb8;
	[tilespmem:$0x8A00] =	vst v63  }
0x7f: {  	_ = 	snop  }
0x80: {  	[tilespmem:s20], [sflag:$0x1] =	stream.indirect.gather [hbm4b:s5+s6], $0x20, s28, s6, $0xb8;
	[tilespmem:$0x8A00] =	vst v63  }
0x81: {  	_ =	swait.ge [sflag:s3], $0x1000  }
0x82: {  	[sflag:s3] =	ssyncset.done $0x0  }
0x83: {  	[sflag:s3] =	ssyncadd.s32 $0xFFFFF000  }
0x84: {  	_ =	swait.ge [sflag:s3], $0x1000  }
0x85: {  	[sflag:s3] =	ssyncset.done $0x0  }
0x86: {  	[sflag:s3] =	ssyncadd.s32 $0xFFFFF000  }
0x87: {  	_ =	swait.ge [sflag:s3], $0x1000  }
0x88: {  	[sflag:s3] =	ssyncset.done $0x0  }
0x89: {  	[sflag:s3] =	ssyncadd.s32 $0xFFFFF000  }
0x8a: {  	_ =	swait.ge [sflag:s3], $0x1000  }
0x8b: {  	[sflag:s3] =	ssyncset.done $0x0  }
0x8c: {  	s1 =	rddreg [dreg:$0x9];
	[sflag:s3] =	ssyncadd.s32 $0xFFFFF000  }
0x8d: {  	[hbm4b:s1+s2] =	stream.linear.scatter [tilespmem:s13], [sflag:$0x3], $0x4000, $0x38;
	[tilespmem:$0x8A00] =	vst v63  }
0x8e: {  	_ =	swait.ge [sflag:s8], $0x4000  }
0x8f: {  	[sflag:s8] =	ssyncset.done $0x0  }
0x90: {  	[sflag:s8] =	ssyncadd.s32 $0xFFFFC000  }
0x91: {  	[tilespmem:s4], [sflag:$0x1] =	stream.indirect.gather [hbm4b:s5+s6], $0x20, s7, s6, $0xb8;
	[tilespmem:$0x8A00] =	vst v63  }
0x92: {  	_ = 	snop  }
0x93: {  	[tilespmem:s10], [sflag:$0x1] =	stream.indirect.gather [hbm4b:s5+s6], $0x20, s16, s6, $0xb8;
	[tilespmem:$0x8A00] =	vst v63  }
0x94: {  	_ = 	snop  }
0x95: {  	[tilespmem:s11], [sflag:$0x1] =	stream.indirect.gather [hbm4b:s5+s6], $0x20, s17, s6, $0xb8;
	[tilespmem:$0x8A00] =	vst v63  }
0x96: {  	_ = 	snop  }
0x97: {  	[tilespmem:s12], [sflag:$0x1] =	stream.indirect.gather [hbm4b:s5+s6], $0x20, s23, s6, $0xb8;
	[tilespmem:$0x8A00] =	vst v63  }
0x98: {  	_ =	swait.ge [sflag:s3], $0x1000  }
0x99: {  	[sflag:s3] =	ssyncset.done $0x0  }
0x9a: {  	[sflag:s3] =	ssyncadd.s32 $0xFFFFF000  }
0x9b: {  	_ =	swait.ge [sflag:s3], $0x1000  }
0x9c: {  	[sflag:s3] =	ssyncset.done $0x0  }
0x9d: {  	[sflag:s3] =	ssyncadd.s32 $0xFFFFF000  }
0x9e: {  	_ =	swait.ge [sflag:s3], $0x1000  }
0x9f: {  	[sflag:s3] =	ssyncset.done $0x0  }
0xa0: {  	[sflag:s3] =	ssyncadd.s32 $0xFFFFF000  }
0xa1: {  	_ =	swait.ge [sflag:s3], $0x1000  }
0xa2: {  	[sflag:s3] =	ssyncset.done $0x0  }
0xa3: {  	p1 =	sne.s32 s15, $0x1;
	s1 =	rddreg [dreg:$0xa];
	[sflag:s3] =	ssyncadd.s32 $0xFFFFF000  }
0xa4: {  	[hbm4b:s1+s2] =	stream.linear.scatter [tilespmem:s4], [sflag:$0x2], $0x4000, $0x38;
	[tilespmem:$0x8A00] =	vst v63  }
.Ltmp1:
0xa5: {  	_ =	swait.ge [sflag:s8], $0x4000;
	(pc) =	sbr.rel @!p1 .LBB2_3-.Ltmp1, $4  }
0xa6: {  	[sflag:s8] =	ssyncset.done $0x0  }
0xa7: {  	[sflag:s8] =	ssyncadd.s32 $0xFFFFC000  }
0xa8: {  	p0 =	por $0x1, $0x1;
	_ =	swait.ge [sflag:s9], $0x4000  }
0xa9: {  	s0 =	sadd.s32 $0xFFFFFFFF, s15;
	s1 =	rddreg [dreg:$0x2];
	[sflag:s9] =	ssyncset.done $0x0  }
.LBB2_4:
0xaa: {  	[sflag:s9] =	ssyncadd.s32 $0xFFFFC000  }
0xab: {  	[tilespmem:s2], [sflag:$0x1] =	stream.linear.gather [hbm4b:s1+s2], $0x200, $0x38;
	[tilespmem:$0x8A00] =	vst v63  }
0xac: {  	s15 =	rddreg [dreg:$0x3]  }
0xad: {  	[tilespmem:s26], [sflag:$0x1] =	stream.linear.gather [hbm4b:s15+s2], $0x200, $0x38;
	[tilespmem:$0x8A00] =	vst v63  }
0xae: {  	s1 =	rddreg [dreg:$0x4]  }
0xaf: {  	[tilespmem:s21], [sflag:$0x1] =	stream.linear.gather [hbm4b:s1+s2], $0x200, $0x38;
	[tilespmem:$0x8A00] =	vst v63  }
0xb0: {  	s15 =	rddreg [dreg:$0x5]  }
0xb1: {  	[tilespmem:s14], [sflag:$0x1] =	stream.linear.gather [hbm4b:s15+s2], $0x200, $0x38;
	[tilespmem:$0x8A00] =	vst v63  }
0xb2: {  	s1 =	rddreg [dreg:$0x6]  }
0xb3: {  	[tilespmem:s7], [sflag:$0x1] =	stream.linear.gather [hbm4b:s1+s2], $0x200, $0x38;
	[tilespmem:$0x8A00] =	vst v63  }
0xb4: {  	_ =	swait.ge [sflag:s3], $0x200  }
0xb5: {  	[sflag:s3] =	ssyncset.done $0x0  }
0xb6: {  	[sflag:s3] =	ssyncadd.s32 $0xFFFFFE00  }
0xb7: {  	_ =	swait.ge [sflag:s3], $0x200  }
0xb8: {  	[sflag:s3] =	ssyncset.done $0x0  }
0xb9: {  	[sflag:s3] =	ssyncadd.s32 $0xFFFFFE00  }
0xba: {  	_ =	swait.ge [sflag:s3], $0x200  }
0xbb: {  	[sflag:s3] =	ssyncset.done $0x0  }
0xbc: {  	[sflag:s3] =	ssyncadd.s32 $0xFFFFFE00  }
0xbd: {  	_ =	swait.ge [sflag:s3], $0x200  }
0xbe: {  	[sflag:s3] =	ssyncset.done $0x0  }
0xbf: {  	[sflag:s3] =	ssyncadd.s32 $0xFFFFFE00  }
0xc0: {  	_ =	swait.ge [sflag:s3], $0x200  }
0xc1: {  	[sflag:s3] =	ssyncset.done $0x0  }
0xc2: {  	[sflag:s3] =	ssyncadd.s32 $0xFFFFFE00  }
0xc3: {  	[tilespmem:s4], [sflag:$0x1] =	stream.indirect.gather [hbm4b:s5+s6], $0x20, s2, s6, $0xb8;
	[tilespmem:$0x8A00] =	vst v63  }
0xc4: {  	_ = 	snop  }
0xc5: {  	[tilespmem:s10], [sflag:$0x1] =	stream.indirect.gather [hbm4b:s5+s6], $0x20, s6, s6, $0xb8;
	[tilespmem:$0x8A00] =	vst v63  }
0xc6: {  	s1 =	rddreg [dreg:$0xb]  }
0xc7: {  	[tilespmem:s11], [sflag:$0x1] =	stream.indirect.gather [hbm4b:s5+s6], $0x20, s1, s6, $0xb8;
	[tilespmem:$0x8A00] =	vst v63  }
0xc8: {  	s15 =	rddreg [dreg:$0xc]  }
0xc9: {  	[tilespmem:s12], [sflag:$0x1] =	stream.indirect.gather [hbm4b:s5+s6], $0x20, s15, s6, $0xb8;
	[tilespmem:$0x8A00] =	vst v63  }
0xca: {  	_ =	swait.ge [sflag:s3], $0x1000  }
0xcb: {  	[sflag:s3] =	ssyncset.done $0x0  }
0xcc: {  	[sflag:s3] =	ssyncadd.s32 $0xFFFFF000  }
0xcd: {  	_ =	swait.ge [sflag:s3], $0x1000  }
0xce: {  	[sflag:s3] =	ssyncset.done $0x0  }
0xcf: {  	[sflag:s3] =	ssyncadd.s32 $0xFFFFF000  }
0xd0: {  	_ =	swait.ge [sflag:s3], $0x1000  }
0xd1: {  	[sflag:s3] =	ssyncset.done $0x0  }
0xd2: {  	[sflag:s3] =	ssyncadd.s32 $0xFFFFF000  }
0xd3: {  	_ =	swait.ge [sflag:s3], $0x1000  }
0xd4: {  	[sflag:s3] =	ssyncset.done $0x0  }
0xd5: {  	[sflag:s3] =	ssyncadd.s32 $0xFFFFF000  }
0xd6: {  	[hbm4b:s22+s2] =	stream.linear.scatter [tilespmem:s4], [sflag:$0x2], $0x4000, $0x38;
	[tilespmem:$0x8A00] =	vst v63  }
0xd7: {  	_ = 	snop  }
0xd8: {  	[tilespmem:s13], [sflag:$0x1] =	stream.indirect.gather [hbm4b:s5+s6], $0x20, s26, s6, $0xb8;
	[tilespmem:$0x8A00] =	vst v63  }
0xd9: {  	s1 =	rddreg [dreg:$0xd]  }
0xda: {  	[tilespmem:s18], [sflag:$0x1] =	stream.indirect.gather [hbm4b:s5+s6], $0x20, s1, s6, $0xb8;
	[tilespmem:$0x8A00] =	vst v63  }
0xdb: {  	s15 =	rddreg [dreg:$0xe]  }
0xdc: {  	[tilespmem:s19], [sflag:$0x1] =	stream.indirect.gather [hbm4b:s5+s6], $0x20, s15, s6, $0xb8;
	[tilespmem:$0x8A00] =	vst v63  }
0xdd: {  	s15 =	simm.s32 $0x380  }
0xde: {  	[tilespmem:s20], [sflag:$0x1] =	stream.indirect.gather [hbm4b:s5+s6], $0x20, s15, s6, $0xb8;
	[tilespmem:$0x8A00] =	vst v63  }
0xdf: {  	_ =	swait.ge [sflag:s3], $0x1000  }
0xe0: {  	[sflag:s3] =	ssyncset.done $0x0  }
0xe1: {  	[sflag:s3] =	ssyncadd.s32 $0xFFFFF000  }
0xe2: {  	_ =	swait.ge [sflag:s3], $0x1000  }
0xe3: {  	[sflag:s3] =	ssyncset.done $0x0  }
0xe4: {  	[sflag:s3] =	ssyncadd.s32 $0xFFFFF000  }
0xe5: {  	_ =	swait.ge [sflag:s3], $0x1000  }
0xe6: {  	[sflag:s3] =	ssyncset.done $0x0  }
0xe7: {  	[sflag:s3] =	ssyncadd.s32 $0xFFFFF000  }
0xe8: {  	_ =	swait.ge [sflag:s3], $0x1000  }
0xe9: {  	[sflag:s3] =	ssyncset.done $0x0  }
0xea: {  	s15 =	rddreg [dreg:$0x7];
	[sflag:s3] =	ssyncadd.s32 $0xFFFFF000  }
0xeb: {  	[hbm4b:s15+s2] =	stream.linear.scatter [tilespmem:s13], [sflag:$0x3], $0x4000, $0x38;
	[tilespmem:$0x8A00] =	vst v63  }
0xec: {  	_ =	swait.ge [sflag:s8], $0x4000  }
0xed: {  	[sflag:s8] =	ssyncset.done $0x0  }
0xee: {  	[sflag:s8] =	ssyncadd.s32 $0xFFFFC000  }
0xef: {  	[tilespmem:s4], [sflag:$0x1] =	stream.indirect.gather [hbm4b:s5+s6], $0x20, s21, s6, $0xb8;
	[tilespmem:$0x8A00] =	vst v63  }
0xf0: {  	_ = 	snop  }
0xf1: {  	[tilespmem:s10], [sflag:$0x1] =	stream.indirect.gather [hbm4b:s5+s6], $0x20, s29, s6, $0xb8;
	[tilespmem:$0x8A00] =	vst v63  }
0xf2: {  	_ = 	snop  }
0xf3: {  	[tilespmem:s11], [sflag:$0x1] =	stream.indirect.gather [hbm4b:s5+s6], $0x20, s30, s6, $0xb8;
	[tilespmem:$0x8A00] =	vst v63  }
0xf4: {  	_ = 	snop  }
0xf5: {  	[tilespmem:s12], [sflag:$0x1] =	stream.indirect.gather [hbm4b:s5+s6], $0x20, s31, s6, $0xb8;
	[tilespmem:$0x8A00] =	vst v63  }
0xf6: {  	_ =	swait.ge [sflag:s3], $0x1000  }
0xf7: {  	[sflag:s3] =	ssyncset.done $0x0  }
0xf8: {  	[sflag:s3] =	ssyncadd.s32 $0xFFFFF000  }
0xf9: {  	_ =	swait.ge [sflag:s3], $0x1000  }
0xfa: {  	[sflag:s3] =	ssyncset.done $0x0  }
0xfb: {  	[sflag:s3] =	ssyncadd.s32 $0xFFFFF000  }
0xfc: {  	_ =	swait.ge [sflag:s3], $0x1000  }
0xfd: {  	[sflag:s3] =	ssyncset.done $0x0  }
0xfe: {  	[sflag:s3] =	ssyncadd.s32 $0xFFFFF000  }
0xff: {  	_ =	swait.ge [sflag:s3], $0x1000  }
0x100: {  	[sflag:s3] =	ssyncset.done $0x0  }
0x101: {  	s15 =	rddreg [dreg:$0x8];
	[sflag:s3] =	ssyncadd.s32 $0xFFFFF000  }
0x102: {  	[hbm4b:s15+s2] =	stream.linear.scatter [tilespmem:s4], [sflag:$0x2], $0x4000, $0x38;
	[tilespmem:$0x8A00] =	vst v63  }
0x103: {  	_ =	swait.ge [sflag:s9], $0x4000  }
0x104: {  	[sflag:s9] =	ssyncset.done $0x0  }
0x105: {  	[sflag:s9] =	ssyncadd.s32 $0xFFFFC000  }
0x106: {  	[tilespmem:s13], [sflag:$0x1] =	stream.indirect.gather [hbm4b:s5+s6], $0x20, s14, s6, $0xb8;
	[tilespmem:$0x8A00] =	vst v63  }
0x107: {  	_ = 	snop  }
0x108: {  	[tilespmem:s18], [sflag:$0x1] =	stream.indirect.gather [hbm4b:s5+s6], $0x20, s24, s6, $0xb8;
	[tilespmem:$0x8A00] =	vst v63  }
0x109: {  	_ = 	snop  }
0x10a: {  	[tilespmem:s19], [sflag:$0x1] =	stream.indirect.gather [hbm4b:s5+s6], $0x20, s25, s6, $0xb8;
	[tilespmem:$0x8A00] =	vst v63  }
0x10b: {  	_ = 	snop  }
0x10c: {  	[tilespmem:s20], [sflag:$0x1] =	stream.indirect.gather [hbm4b:s5+s6], $0x20, s28, s6, $0xb8;
	[tilespmem:$0x8A00] =	vst v63  }
0x10d: {  	_ =	swait.ge [sflag:s3], $0x1000  }
0x10e: {  	[sflag:s3] =	ssyncset.done $0x0  }
0x10f: {  	[sflag:s3] =	ssyncadd.s32 $0xFFFFF000  }
0x110: {  	_ =	swait.ge [sflag:s3], $0x1000  }
0x111: {  	[sflag:s3] =	ssyncset.done $0x0  }
0x112: {  	[sflag:s3] =	ssyncadd.s32 $0xFFFFF000  }
0x113: {  	_ =	swait.ge [sflag:s3], $0x1000  }
0x114: {  	[sflag:s3] =	ssyncset.done $0x0  }
0x115: {  	[sflag:s3] =	ssyncadd.s32 $0xFFFFF000  }
0x116: {  	_ =	swait.ge [sflag:s3], $0x1000  }
0x117: {  	[sflag:s3] =	ssyncset.done $0x0  }
0x118: {  	s15 =	rddreg [dreg:$0x9];
	[sflag:s3] =	ssyncadd.s32 $0xFFFFF000  }
0x119: {  	[hbm4b:s15+s2] =	stream.linear.scatter [tilespmem:s13], [sflag:$0x3], $0x4000, $0x38;
	[tilespmem:$0x8A00] =	vst v63  }
0x11a: {  	_ =	swait.ge [sflag:s8], $0x4000  }
0x11b: {  	[sflag:s8] =	ssyncset.done $0x0  }
0x11c: {  	[sflag:s8] =	ssyncadd.s32 $0xFFFFC000  }
0x11d: {  	[tilespmem:s4], [sflag:$0x1] =	stream.indirect.gather [hbm4b:s5+s6], $0x20, s7, s6, $0xb8;
	[tilespmem:$0x8A00] =	vst v63  }
0x11e: {  	_ = 	snop  }
0x11f: {  	[tilespmem:s10], [sflag:$0x1] =	stream.indirect.gather [hbm4b:s5+s6], $0x20, s16, s6, $0xb8;
	[tilespmem:$0x8A00] =	vst v63  }
0x120: {  	_ = 	snop  }
0x121: {  	[tilespmem:s11], [sflag:$0x1] =	stream.indirect.gather [hbm4b:s5+s6], $0x20, s17, s6, $0xb8;
	[tilespmem:$0x8A00] =	vst v63  }
0x122: {  	_ = 	snop  }
0x123: {  	[tilespmem:s12], [sflag:$0x1] =	stream.indirect.gather [hbm4b:s5+s6], $0x20, s23, s6, $0xb8;
	[tilespmem:$0x8A00] =	vst v63  }
0x124: {  	_ =	swait.ge [sflag:s3], $0x1000  }
0x125: {  	[sflag:s3] =	ssyncset.done $0x0  }
0x126: {  	[sflag:s3] =	ssyncadd.s32 $0xFFFFF000  }
0x127: {  	_ =	swait.ge [sflag:s3], $0x1000  }
0x128: {  	[sflag:s3] =	ssyncset.done $0x0  }
0x129: {  	[sflag:s3] =	ssyncadd.s32 $0xFFFFF000  }
0x12a: {  	_ =	swait.ge [sflag:s3], $0x1000  }
0x12b: {  	[sflag:s3] =	ssyncset.done $0x0  }
0x12c: {  	[sflag:s3] =	ssyncadd.s32 $0xFFFFF000  }
0x12d: {  	_ =	swait.ge [sflag:s3], $0x1000  }
0x12e: {  	[sflag:s3] =	ssyncset.done $0x0  }
0x12f: {  	p1 =	sne.s32 s0, $0x1;
	s15 =	rddreg [dreg:$0xa];
	[sflag:s3] =	ssyncadd.s32 $0xFFFFF000  }
0x130: {  	[hbm4b:s15+s2] =	stream.linear.scatter [tilespmem:s4], [sflag:$0x2], $0x4000, $0x38;
	[tilespmem:$0x8A00] =	vst v63  }
.Ltmp2:
0x131: {  	_ =	swait.ge [sflag:s8], $0x4000;
	(pc) =	sbr.rel @p1 .LBB2_4-.Ltmp2, $4  }
0x132: {  	[sflag:s8] =	ssyncset.done $0x0  }
0x133: {  	[sflag:s8] =	ssyncadd.s32 $0xFFFFC000  }
0x134: {  	_ =	swait.ge [sflag:s9], $0x4000  }
0x135: {  	s0 =	sadd.s32 $0xFFFFFFFF, s0;
	s1 =	rddreg [dreg:$0x2];
	[sflag:s9] =	ssyncset.done $0x0  }
0x136: {  	s23 =	simm.s32 $0x380  }
0x137: {  	s31 =	simm.s32 $0x580;
	s30 =	simm.s32 $0x500;
	s29 =	simm.s32 $0x480  }
0x138: {  	s28 =	simm.s32 $0x780;
	s25 =	simm.s32 $0x700;
	s24 =	simm.s32 $0x680  }
0x139: {  	s17 =	simm.s32 $0x900;
	s16 =	simm.s32 $0x880;
	s15 =	rddreg [dreg:$0x1]  }
.LBB2_6:
0x13a: {  	[sflag:s9] =	ssyncadd.s32 @p0 $0xFFFFC000  }
0x13b: {  	[tilespmem:s2], [sflag:$0x1] =	stream.linear.gather [hbm4b:s1+s2], $0x200, $0x38;
	[tilespmem:$0x8A00] =	vst v63  }
0x13c: {  	s0 =	rddreg [dreg:$0x3]  }
0x13d: {  	[tilespmem:s26], [sflag:$0x1] =	stream.linear.gather [hbm4b:s0+s2], $0x200, $0x38;
	[tilespmem:$0x8A00] =	vst v63  }
0x13e: {  	s1 =	rddreg [dreg:$0x4]  }
0x13f: {  	[tilespmem:s21], [sflag:$0x1] =	stream.linear.gather [hbm4b:s1+s2], $0x200, $0x38;
	[tilespmem:$0x8A00] =	vst v63  }
0x140: {  	s0 =	rddreg [dreg:$0x5]  }
0x141: {  	[tilespmem:s14], [sflag:$0x1] =	stream.linear.gather [hbm4b:s0+s2], $0x200, $0x38;
	[tilespmem:$0x8A00] =	vst v63  }
0x142: {  	s1 =	rddreg [dreg:$0x6]  }
0x143: {  	[tilespmem:s7], [sflag:$0x1] =	stream.linear.gather [hbm4b:s1+s2], $0x200, $0x38;
	[tilespmem:$0x8A00] =	vst v63  }
0x144: {  	_ =	swait.ge [sflag:s3], $0x200  }
0x145: {  	[sflag:s3] =	ssyncset.done $0x0  }
0x146: {  	[sflag:s3] =	ssyncadd.s32 $0xFFFFFE00  }
0x147: {  	_ =	swait.ge [sflag:s3], $0x200  }
0x148: {  	[sflag:s3] =	ssyncset.done $0x0  }
0x149: {  	[sflag:s3] =	ssyncadd.s32 $0xFFFFFE00  }
0x14a: {  	_ =	swait.ge [sflag:s3], $0x200  }
0x14b: {  	[sflag:s3] =	ssyncset.done $0x0  }
0x14c: {  	[sflag:s3] =	ssyncadd.s32 $0xFFFFFE00  }
0x14d: {  	_ =	swait.ge [sflag:s3], $0x200  }
0x14e: {  	[sflag:s3] =	ssyncset.done $0x0  }
0x14f: {  	[sflag:s3] =	ssyncadd.s32 $0xFFFFFE00  }
0x150: {  	_ =	swait.ge [sflag:s3], $0x200  }
0x151: {  	[sflag:s3] =	ssyncset.done $0x0  }
0x152: {  	[sflag:s3] =	ssyncadd.s32 $0xFFFFFE00  }
0x153: {  	[tilespmem:s4], [sflag:$0x1] =	stream.indirect.gather [hbm4b:s5+s6], $0x20, s2, s6, $0xb8;
	[tilespmem:$0x8A00] =	vst v63  }
0x154: {  	_ = 	snop  }
0x155: {  	[tilespmem:s10], [sflag:$0x1] =	stream.indirect.gather [hbm4b:s5+s6], $0x20, s6, s6, $0xb8;
	[tilespmem:$0x8A00] =	vst v63  }
0x156: {  	s0 =	rddreg [dreg:$0xb]  }
0x157: {  	[tilespmem:s11], [sflag:$0x1] =	stream.indirect.gather [hbm4b:s5+s6], $0x20, s0, s6, $0xb8;
	[tilespmem:$0x8A00] =	vst v63  }
0x158: {  	s1 =	rddreg [dreg:$0xc]  }
0x159: {  	[tilespmem:s12], [sflag:$0x1] =	stream.indirect.gather [hbm4b:s5+s6], $0x20, s1, s6, $0xb8;
	[tilespmem:$0x8A00] =	vst v63  }
0x15a: {  	_ =	swait.ge [sflag:s3], $0x1000  }
0x15b: {  	[sflag:s3] =	ssyncset.done $0x0  }
0x15c: {  	[sflag:s3] =	ssyncadd.s32 $0xFFFFF000  }
0x15d: {  	_ =	swait.ge [sflag:s3], $0x1000  }
0x15e: {  	[sflag:s3] =	ssyncset.done $0x0  }
0x15f: {  	[sflag:s3] =	ssyncadd.s32 $0xFFFFF000  }
0x160: {  	_ =	swait.ge [sflag:s3], $0x1000  }
0x161: {  	[sflag:s3] =	ssyncset.done $0x0  }
0x162: {  	[sflag:s3] =	ssyncadd.s32 $0xFFFFF000  }
0x163: {  	_ =	swait.ge [sflag:s3], $0x1000  }
0x164: {  	[sflag:s3] =	ssyncset.done $0x0  }
0x165: {  	[sflag:s3] =	ssyncadd.s32 $0xFFFFF000  }
0x166: {  	[hbm4b:s22+s2] =	stream.linear.scatter [tilespmem:s4], [sflag:$0x2], $0x4000, $0x38;
	[tilespmem:$0x8A00] =	vst v63  }
0x167: {  	_ = 	snop  }
0x168: {  	[tilespmem:s13], [sflag:$0x1] =	stream.indirect.gather [hbm4b:s5+s6], $0x20, s26, s6, $0xb8;
	[tilespmem:$0x8A00] =	vst v63  }
0x169: {  	s1 =	rddreg [dreg:$0xd]  }
0x16a: {  	[tilespmem:s18], [sflag:$0x1] =	stream.indirect.gather [hbm4b:s5+s6], $0x20, s1, s6, $0xb8;
	[tilespmem:$0x8A00] =	vst v63  }
0x16b: {  	s22 =	rddreg [dreg:$0xe]  }
0x16c: {  	[tilespmem:s19], [sflag:$0x1] =	stream.indirect.gather [hbm4b:s5+s6], $0x20, s22, s6, $0xb8;
	[tilespmem:$0x8A00] =	vst v63  }
0x16d: {  	_ = 	snop  }
0x16e: {  	[tilespmem:s20], [sflag:$0x1] =	stream.indirect.gather [hbm4b:s5+s6], $0x20, s23, s6, $0xb8;
	[tilespmem:$0x8A00] =	vst v63  }
0x16f: {  	_ =	swait.ge [sflag:s3], $0x1000  }
0x170: {  	[sflag:s3] =	ssyncset.done $0x0  }
0x171: {  	[sflag:s3] =	ssyncadd.s32 $0xFFFFF000  }
0x172: {  	_ =	swait.ge [sflag:s3], $0x1000  }
0x173: {  	[sflag:s3] =	ssyncset.done $0x0  }
0x174: {  	[sflag:s3] =	ssyncadd.s32 $0xFFFFF000  }
0x175: {  	_ =	swait.ge [sflag:s3], $0x1000  }
0x176: {  	[sflag:s3] =	ssyncset.done $0x0  }
0x177: {  	[sflag:s3] =	ssyncadd.s32 $0xFFFFF000  }
0x178: {  	_ =	swait.ge [sflag:s3], $0x1000  }
0x179: {  	[sflag:s3] =	ssyncset.done $0x0  }
0x17a: {  	s23 =	rddreg [dreg:$0x7];
	[sflag:s3] =	ssyncadd.s32 $0xFFFFF000  }
0x17b: {  	[hbm4b:s23+s2] =	stream.linear.scatter [tilespmem:s13], [sflag:$0x3], $0x4000, $0x38;
	[tilespmem:$0x8A00] =	vst v63  }
0x17c: {  	_ =	swait.ge [sflag:s8], $0x4000  }
0x17d: {  	[sflag:s8] =	ssyncset.done $0x0  }
0x17e: {  	[sflag:s8] =	ssyncadd.s32 $0xFFFFC000  }
0x17f: {  	[tilespmem:s4], [sflag:$0x1] =	stream.indirect.gather [hbm4b:s5+s6], $0x20, s21, s6, $0xb8;
	[tilespmem:$0x8A00] =	vst v63  }
0x180: {  	_ = 	snop  }
0x181: {  	[tilespmem:s10], [sflag:$0x1] =	stream.indirect.gather [hbm4b:s5+s6], $0x20, s29, s6, $0xb8;
	[tilespmem:$0x8A00] =	vst v63  }
0x182: {  	_ = 	snop  }
0x183: {  	[tilespmem:s11], [sflag:$0x1] =	stream.indirect.gather [hbm4b:s5+s6], $0x20, s30, s6, $0xb8;
	[tilespmem:$0x8A00] =	vst v63  }
0x184: {  	_ = 	snop  }
0x185: {  	[tilespmem:s12], [sflag:$0x1] =	stream.indirect.gather [hbm4b:s5+s6], $0x20, s31, s6, $0xb8;
	[tilespmem:$0x8A00] =	vst v63  }
0x186: {  	_ =	swait.ge [sflag:s3], $0x1000  }
0x187: {  	[sflag:s3] =	ssyncset.done $0x0  }
0x188: {  	[sflag:s3] =	ssyncadd.s32 $0xFFFFF000  }
0x189: {  	_ =	swait.ge [sflag:s3], $0x1000  }
0x18a: {  	[sflag:s3] =	ssyncset.done $0x0  }
0x18b: {  	[sflag:s3] =	ssyncadd.s32 $0xFFFFF000  }
0x18c: {  	_ =	swait.ge [sflag:s3], $0x1000  }
0x18d: {  	[sflag:s3] =	ssyncset.done $0x0  }
0x18e: {  	[sflag:s3] =	ssyncadd.s32 $0xFFFFF000  }
0x18f: {  	_ =	swait.ge [sflag:s3], $0x1000  }
0x190: {  	[sflag:s3] =	ssyncset.done $0x0  }
0x191: {  	s26 =	rddreg [dreg:$0x8];
	[sflag:s3] =	ssyncadd.s32 $0xFFFFF000  }
0x192: {  	[hbm4b:s26+s2] =	stream.linear.scatter [tilespmem:s4], [sflag:$0x2], $0x4000, $0x38;
	[tilespmem:$0x8A00] =	vst v63  }
0x193: {  	_ =	swait.ge [sflag:s9], $0x4000  }
0x194: {  	[sflag:s9] =	ssyncset.done $0x0  }
0x195: {  	[sflag:s9] =	ssyncadd.s32 $0xFFFFC000  }
0x196: {  	[tilespmem:s13], [sflag:$0x1] =	stream.indirect.gather [hbm4b:s5+s6], $0x20, s14, s6, $0xb8;
	[tilespmem:$0x8A00] =	vst v63  }
0x197: {  	_ = 	snop  }
0x198: {  	[tilespmem:s18], [sflag:$0x1] =	stream.indirect.gather [hbm4b:s5+s6], $0x20, s24, s6, $0xb8;
	[tilespmem:$0x8A00] =	vst v63  }
0x199: {  	_ = 	snop  }
0x19a: {  	[tilespmem:s19], [sflag:$0x1] =	stream.indirect.gather [hbm4b:s5+s6], $0x20, s25, s6, $0xb8;
	[tilespmem:$0x8A00] =	vst v63  }
0x19b: {  	_ = 	snop  }
0x19c: {  	[tilespmem:s20], [sflag:$0x1] =	stream.indirect.gather [hbm4b:s5+s6], $0x20, s28, s6, $0xb8;
	[tilespmem:$0x8A00] =	vst v63  }
0x19d: {  	_ =	swait.ge [sflag:s3], $0x1000  }
0x19e: {  	[sflag:s3] =	ssyncset.done $0x0  }
0x19f: {  	[sflag:s3] =	ssyncadd.s32 $0xFFFFF000  }
0x1a0: {  	_ =	swait.ge [sflag:s3], $0x1000  }
0x1a1: {  	[sflag:s3] =	ssyncset.done $0x0  }
0x1a2: {  	[sflag:s3] =	ssyncadd.s32 $0xFFFFF000  }
0x1a3: {  	_ =	swait.ge [sflag:s3], $0x1000  }
0x1a4: {  	[sflag:s3] =	ssyncset.done $0x0  }
0x1a5: {  	[sflag:s3] =	ssyncadd.s32 $0xFFFFF000  }
0x1a6: {  	_ =	swait.ge [sflag:s3], $0x1000  }
0x1a7: {  	[sflag:s3] =	ssyncset.done $0x0  }
0x1a8: {  	s28 =	rddreg [dreg:$0x9];
	[sflag:s3] =	ssyncadd.s32 $0xFFFFF000  }
0x1a9: {  	[hbm4b:s28+s2] =	stream.linear.scatter [tilespmem:s13], [sflag:$0x3], $0x4000, $0x38;
	[tilespmem:$0x8A00] =	vst v63  }
0x1aa: {  	_ =	swait.ge [sflag:s8], $0x4000  }
0x1ab: {  	[sflag:s8] =	ssyncset.done $0x0  }
0x1ac: {  	[sflag:s8] =	ssyncadd.s32 $0xFFFFC000  }
0x1ad: {  	[tilespmem:s4], [sflag:$0x1] =	stream.indirect.gather [hbm4b:s5+s6], $0x20, s7, s6, $0xb8;
	[tilespmem:$0x8A00] =	vst v63  }
0x1ae: {  	_ = 	snop  }
0x1af: {  	[tilespmem:s10], [sflag:$0x1] =	stream.indirect.gather [hbm4b:s5+s6], $0x20, s16, s6, $0xb8;
	[tilespmem:$0x8A00] =	vst v63  }
0x1b0: {  	_ = 	snop  }
0x1b1: {  	[tilespmem:s11], [sflag:$0x1] =	stream.indirect.gather [hbm4b:s5+s6], $0x20, s17, s6, $0xb8;
	[tilespmem:$0x8A00] =	vst v63  }
0x1b2: {  	s29 =	simm.s32 $0x980  }
0x1b3: {  	[tilespmem:s12], [sflag:$0x1] =	stream.indirect.gather [hbm4b:s5+s6], $0x20, s29, s6, $0xb8;
	[tilespmem:$0x8A00] =	vst v63  }
0x1b4: {  	_ =	swait.ge [sflag:s3], $0x1000  }
0x1b5: {  	[sflag:s3] =	ssyncset.done $0x0  }
0x1b6: {  	[sflag:s3] =	ssyncadd.s32 $0xFFFFF000  }
0x1b7: {  	_ =	swait.ge [sflag:s3], $0x1000  }
0x1b8: {  	[sflag:s3] =	ssyncset.done $0x0  }
0x1b9: {  	[sflag:s3] =	ssyncadd.s32 $0xFFFFF000  }
0x1ba: {  	_ =	swait.ge [sflag:s3], $0x1000  }
0x1bb: {  	[sflag:s3] =	ssyncset.done $0x0  }
0x1bc: {  	[sflag:s3] =	ssyncadd.s32 $0xFFFFF000  }
0x1bd: {  	_ =	swait.ge [sflag:s3], $0x1000  }
0x1be: {  	[sflag:s3] =	ssyncset.done $0x0  }
0x1bf: {  	s30 =	rddreg [dreg:$0xa];
	[sflag:s3] =	ssyncadd.s32 $0xFFFFF000  }
0x1c0: {  	[hbm4b:s30+s2] =	stream.linear.scatter [tilespmem:s4], [sflag:$0x2], $0x4000, $0x38;
	[tilespmem:$0x8A00] =	vst v63  }
0x1c1: {  	_ =	swait.ge [sflag:s8], $0x4000  }
0x1c2: {  	[sflag:s8] =	ssyncset.done $0x0  }
0x1c3: {  	[sflag:s8] =	ssyncadd.s32 $0xFFFFC000  }
0x1c4: {  	_ =	swait.ge [sflag:s9], $0x4000  }
0x1c5: {  	[sflag:s9] =	ssyncset.done $0x0  }
0x1c6: {  	[sflag:s9] =	ssyncadd.s32 $0xFFFFC000  }
0x1c7: {  	_ =	sfence.sel $0x180000  }
0x1c8: {  	s31 =	stileid.u32;
	[bflag:$0x0] =	sbarrier.arrive $0xFFFF  }
0x1c9: {  	p0 =	sne.s32 s31, $0x0;
	_ =	strace $0x9000004D  }
0x1ca: {  	s0 =	sadd.s32 @!p0 $0x100000, s15;
	[bflag:$0x2] =	sbarrier.arrive $0xFFFF  }
0x1cb: {  	[sflag:s0] =	ssyncadd.tile.s32 @!p0 $0x1;
	_ =	shalt  }
.LBB2_1:
.Ltmp3:
0x1cc: {  	(pc) =	sbr.rel .LBB2_6-.Ltmp3, $4  }
0x1cd: {  	_ = 	snop  }
0x1ce: {  	s23 =	simm.s32 $0x380;
	s31 =	simm.s32 $0x580;
	s30 =	simm.s32 $0x500  }
0x1cf: {  	s29 =	simm.s32 $0x480;
	s28 =	simm.s32 $0x780;
	s25 =	simm.s32 $0x700  }
0x1d0: {  	s24 =	simm.s32 $0x680;
	s17 =	simm.s32 $0x900;
	s16 =	simm.s32 $0x880  }
.LBB2_3:
.Ltmp4:
0x1d1: {  	(pc) =	sbr.rel .LBB2_6-.Ltmp4, $4  }
0x1d2: {  	s23 =	simm.s32 $0x380  }
0x1d3: {  	s31 =	simm.s32 $0x580;
	s30 =	simm.s32 $0x500;
	s29 =	simm.s32 $0x480  }
0x1d4: {  	s28 =	simm.s32 $0x780;
	s25 =	simm.s32 $0x700;
	s24 =	simm.s32 $0x680  }
0x1d5: {  	s17 =	simm.s32 $0x900;
	s16 =	simm.s32 $0x880;
	s15 =	rddreg [dreg:$0x1]  }
.Lfunc_end2:
_tile_overlayer_lowered:
.L_overlay_start_2:
0x1d6: {  	(tag) =	ssettag $0x2  }
0x1d7: {  	s0 =	rddreg [dreg:$0x0];
	s2 =	stileid.u32  }
0x1d8: {  	s1 =	rddreg [dreg:$0x1];
	p0 =	sne.s32 s2, $0x0  }
0x1d9: {  	s3 =	rddreg [dreg:$0x2];
	[bflag:$0x3] =	sbarrier.arrive $0xFFFF;
	s2 =	simm.s32 @!p0 $0x1C04  }
0x1da: {  	[timem:s3], [sflag:s2] =	dma.local @!p0 [hbm:s0], s1  }
0x1db: {  	s0 =	simm.s32 @!p0 $0x4  }
0x1dc: {  	_ =	swait.ge @!p0 [sflag:s0], s1  }
0x1dd: {  	s1 =	ssub.s32 @!p0 $0x0, s1;
	[sflag:s0] =	ssyncset.done @!p0 $0x0  }
0x1de: {  	[sflag:s0] =	ssyncadd.s32 @!p0 s1  }
0x1df: {  	[bflag:$0x3] =	sbarrier.arrive $0xFFFF  }
0x1e0: {  	_ =	shalt  }

// kernel: kernel.14.cloned.1.call-start
scs
__scs_entry_jumppad:
0x0: {  	(pc) =	sbr.rel $0x88, $3  }
0x1: {  	(tag) =	ssettag $0x0;
	lr =	simm.s32 $0x1  }
0x2: {  	[smem:$0x3F9A] =	sst lr;
	_ =	strace $0xD0000000  }
0x3: {  	_ = 	snop  }
0x4: {  	_ = 	snop  }
0x5: {  	_ = 	snop  }
0x6: {  	_ = 	snop  }
0x7: {  	_ = 	snop  }
__scs_overlays_trampoline_lowered:
0x8: {  	[smem:$0x3FA9] =	sst s0  }
0x9: {  	[smem:$0x3FAA] =	sst s1  }
0xa: {  	[smem:$0x3FAB] =	sst s2  }
0xb: {  	[smem:$0x3FAC] =	sst s3  }
0xc: {  	[smem:$0x3FAD] =	sst s4  }
0xd: {  	[smem:$0x3FAE] =	sst s5  }
0xe: {  	[smem:$0x3FAF] =	sst s6  }
0xf: {  	[smem:$0x3FB0] =	sst s7  }
0x10: {  	[smem:$0x3FB1] =	sst s8  }
0x11: {  	[smem:$0x3FB2] =	sst s9;
	s0 =	simm.s32 @!p0 $0x0  }
0x12: {  	s1 =	sld [smem:$0x3F98];
	s0 =	simm.s32 @p0 $0x1  }
0x13: {  	[smem:$0x3FB3] =	sst s0;
	s0 =	simm.s32 @!p1 $0x0  }
0x14: {  	s2 =	sld [smem:$0x3F97];
	s0 =	simm.s32 @p1 $0x1  }
0x15: {  	[smem:$0x3FB4] =	sst s0;
	s0 =	simm.s32 @!p2 $0x0  }
0x16: {  	s3 =	sld [smem:$0x3FDB];
	s0 =	simm.s32 @p2 $0x1  }
0x17: {  	s4 =	simm.s32 $0x1BF5;
	[smem:$0x3FB6] =	sst s0  }
0x18: {  	s0 =	sld [smem:$0x3F99];
	_ =	swait.ge [sflag:s4], $0x0  }
0x19: {  	s7 =	sld [smem:$0x3F9A]  }
0x1a: {  	s8 =	sadd.s32 $0xFFFFE003, lr  }
0x1b: {  	s9 =	sadd.s32 $0xFFFFFEF7, lr;
	s5 =	simm.s32 $0xFFFFFFFF;
	p2 =	slt.u32 s8, $0xFFFFF086  }
0x1c: {  	p1 =	slt.u32 s9, $0xF7A;
	s5 =	simm.s32 @!p2 $0x0  }
0x1d: {  	s5 =	simm.s32 @p1 $0x1;
	p0 =	seq.s32 s7, s2  }
0x1e: {  	s7 =	smul.u32 @!p0 $0xF7A, s2;
	p2 =	seq.s32 @!p0 s5, $0x0  }
0x1f: {  	s9 =	smul.u32 $0xF7A, s1;
	s8 =	simm.s32 @!p0 $0x1BF5;
	p2 =	por !p2, p0  }
0x20: {  	[sflag:s8] =	ssyncset.s32 @!p0 $0xFFFFF086;
	s6 =	sadd.s32 @!p0 s3, s7;
	s7 =	simm.s32 @!p0 $0x108  }
0x21: {  	s3 =	sadd.s32 s3, s9;
	s6 =	sadd.s32 @!p0 $0x88, s6;
	s7 =	simm.s32 @p2 $0x1082  }
0x22: {  	[simem:s7], [sflag:s8] =	dma.local @!p0 [hbm:s6], $0xF7A  }
0x23: {  	s9 =	sor.u32 $0xD0000000, s2;
	s6 =	simm.s32 $0x108;
	_ =	swait.ge @!p0 [sflag:s8], $0x0  }
0x24: {  	s3 =	sadd.s32 $0x88, s3;
	s6 =	simm.s32 @!p1 $0x1082;
	[sflag:s4] =	ssyncset.s32 $0xFFFFF086  }
0x25: {  	[simem:s6], [sflag:s4] =	dma.local [hbm:s3], $0xF7A  }
0x26: {  	[smem:$0x3F9A] =	sst s1;
	(tag) =	ssettag s2;
	_ =	strace s9  }
0x27: {  	s1 =	sld [smem:$0x3FAA]  }
0x28: {  	s2 =	sld [smem:$0x3FAB]  }
0x29: {  	s4 =	sld [smem:$0x3FAD]  }
0x2a: {  	p0 =	seq.s32 s5, $0x0;
	s5 =	sld [smem:$0x3FAE]  }
0x2b: {  	s6 =	sld [smem:$0x3FAF]  }
0x2c: {  	s7 =	sld [smem:$0x3FB0]  }
0x2d: {  	s3 =	simm.s32 $0x108;
	s8 =	sld [smem:$0x3FB1]  }
0x2e: {  	s3 =	simm.s32 @!p0 $0x1082;
	s9 =	sld [smem:$0x3FB2]  }
0x2f: {  	lr =	sadd.s32 s0, s3;
	s0 =	sld [smem:$0x3FA9]  }
0x30: {  	s3 =	sld [smem:$0x3FAC]  }
0x31: {  	[smem:$0x3FB5] =	sst s10  }
0x32: {  	s10 =	sld [smem:$0x3FB3];
	_ =	sdelay $0x3  }
0x33: {  	p0 =	seq.s32 s10, $0x1;
	s10 =	sld [smem:$0x3FB5];
	_ =	sdelay $0x3  }
0x34: {  	[smem:$0x3FB5] =	sst s10  }
0x35: {  	s10 =	sld [smem:$0x3FB4];
	_ =	sdelay $0x3  }
0x36: {  	p1 =	seq.s32 s10, $0x1;
	s10 =	sld [smem:$0x3FB5];
	_ =	sdelay $0x3  }
0x37: {  	[smem:$0x3FB5] =	sst s10  }
0x38: {  	s10 =	sld [smem:$0x3FB6]  }
0x39: {  	_ = 	snop;
	(pc) =	sbr.ind lr, $3  }
0x3a: {  	_ = 	snop  }
0x3b: {  	_ = 	snop  }
0x3c: {  	p2 =	seq.s32 s10, $0x1;
	s10 =	sld [smem:$0x3FB5]  }
0x3d: {  	_ =	shalt  }
0x3e: {  	_ =	shalt  }
0x3f: {  	_ =	shalt  }
0x40: {  	_ =	shalt  }
0x41: {  	_ =	shalt  }
0x42: {  	_ =	shalt  }
0x43: {  	_ =	shalt  }
0x44: {  	_ =	shalt  }
0x45: {  	_ =	shalt  }
0x46: {  	_ =	shalt  }
0x47: {  	_ =	shalt  }
0x48: {  	_ =	shalt  }
0x49: {  	_ =	shalt  }
0x4a: {  	_ =	shalt  }
0x4b: {  	_ =	shalt  }
0x4c: {  	_ =	shalt  }
0x4d: {  	_ =	shalt  }
0x4e: {  	_ =	shalt  }
0x4f: {  	_ =	shalt  }
0x50: {  	_ =	shalt  }
0x51: {  	_ =	shalt  }
0x52: {  	_ =	shalt  }
0x53: {  	_ =	shalt  }
0x54: {  	_ =	shalt  }
0x55: {  	_ =	shalt  }
0x56: {  	_ =	shalt  }
0x57: {  	_ =	shalt  }
0x58: {  	_ =	shalt  }
0x59: {  	_ =	shalt  }
0x5a: {  	_ =	shalt  }
0x5b: {  	_ =	shalt  }
0x5c: {  	_ =	shalt  }
0x5d: {  	_ =	shalt  }
0x5e: {  	_ =	shalt  }
0x5f: {  	_ =	shalt  }
0x60: {  	_ =	shalt  }
0x61: {  	_ =	shalt  }
0x62: {  	_ =	shalt  }
0x63: {  	_ =	shalt  }
0x64: {  	_ =	shalt  }
0x65: {  	_ =	shalt  }
0x66: {  	_ =	shalt  }
0x67: {  	_ =	shalt  }
0x68: {  	_ =	shalt  }
0x69: {  	_ =	shalt  }
0x6a: {  	_ =	shalt  }
0x6b: {  	_ =	shalt  }
0x6c: {  	_ =	shalt  }
0x6d: {  	_ =	shalt  }
0x6e: {  	_ =	shalt  }
0x6f: {  	_ =	shalt  }
0x70: {  	_ =	shalt  }
0x71: {  	_ =	shalt  }
0x72: {  	_ =	shalt  }
0x73: {  	_ =	shalt  }
0x74: {  	_ =	shalt  }
0x75: {  	_ =	shalt  }
0x76: {  	_ =	shalt  }
0x77: {  	_ =	shalt  }
0x78: {  	_ =	shalt  }
0x79: {  	_ =	shalt  }
0x7a: {  	_ =	shalt  }
0x7b: {  	_ =	shalt  }
0x7c: {  	_ =	shalt  }
0x7d: {  	_ =	shalt  }
0x7e: {  	_ =	shalt  }
0x7f: {  	_ =	shalt  }
0x80: {  	_ =	shalt  }
0x81: {  	_ =	shalt  }
0x82: {  	_ =	shalt  }
0x83: {  	_ =	shalt  }
0x84: {  	_ =	shalt  }
0x85: {  	_ =	shalt  }
0x86: {  	_ =	shalt  }
0x87: {  	_ =	shalt  }
.Lfunc_end0:
.L_simem_size_0:
called_computation.1_lowered:
.L_overlay_start_0:
0x88: {  	s2 =	sld [smem:$0x3FD9]  }
0x89: {  	s3 =	sld [smem:$0x3FFE];
	_ =	sdelay $0x1  }
0x8a: {  	s1 =	srdreg.scid  }
0x8b: {  	s0 =	sand.u32 $0x1, s1  }
0x8c: {  	s17 =	sshll.u32 s0, $0xA;
	s2 =	sadd.s32 s3, s2  }
0x8d: {  	s2 =	sadd.s32 s2, s17  }
0x8e: {  	[smem:$0x3FC1] =	sst s2  }
0x8f: {  	_ = 	snop  }
0x90: {  	(tm) =	ssettm $0x1  }
0x91: {  	s18 =	sld [smem:$0x3FFB];
	_ =	sdelay $0x3  }
0x92: {  	_ =	strace s18  }
0x93: {  	s2 =	sld [smem:$0x3FFC];
	_ =	sdelay $0x3  }
0x94: {  	_ =	strace s2  }
0x95: {  	s2 =	sld [smem:$0x3FFD];
	_ =	sdelay $0x3  }
0x96: {  	_ =	strace s2  }
0x97: {  	_ =	strace $0x8FFFFFFF  }
0x98: {  	s19 =	sld [smem:$0x3FDB];
	_ =	sdelay $0x1  }
0x99: {  	s20 =	simm.s32 $_scs_section_size  }
0x9a: {  	s4 =	simm.s32 $_size__tile_overlayer_lowered;
	s5 =	simm.s32 $_tile_overlayer_lowered  }
0x9b: {  	s6 =	simm.s32 $0x1BFF;
	s21 =	sshll.u32 s5, $0x1;
	s3 =	sadd.s32 s20, s19  }
0x9c: {  	s22 =	simm.s32 $0x0;
	s4 =	sshll.u32 s4, $0x1;
	s5 =	sadd.s32 s21, s3  }
0x9d: {  	[timem:s22], [sflag:s6] =	dma.local [hbm:s5], s4  }
0x9e: {  	_ =	swait.ge [sflag:s6], s4  }
0x9f: {  	s4 =	ssub.s32 $0x0, s4;
	[sflag:s6] =	ssyncset.done $0x0  }
0xa0: {  	[sflag:s6] =	ssyncadd.s32 s4;
	_ =	sdelay $0x1  }
0xa1: {  	s23 =	simm.s32 $0x1B8B  }
0xa2: {  	_ =	swait.ge [sflag:s23], $0x1  }
0xa3: {  	[sflag:s23] =	ssyncset.done $0x0  }
0xa4: {  	[sflag:s23] =	ssyncadd.s32 $0xFFFFFFFF  }
0xa5: {  	s4 =	sld [smem:$0x0]  }
0xa6: {  	s5 =	sand.u32 $0xFFFFFFFE, s1  }
0xa7: {  	p0 =	sne.s32 s1, s5  }
0xa8: {  	s5 =	sshll.u32 @p0 s5, $0xE  }
0xa9: {  	s5 =	sadd.s32 @p0 $0x11B8D, s5;
	s6 =	sshll.u32 @p0 s4, $0x11  }
0xaa: {  	s5 =	sor.u32 @p0 s6, s5  }
0xab: {  	[sflag:s5] =	ssyncadd.remote.s32 @p0 $0x1;
	_ =	sdelay $0x1  }
0xac: {  	s5 =	simm.s32 @p0 $0x1B8D  }
0xad: {  	_ =	swait.eq @p0 [sflag:s5], $0x1  }
0xae: {  	[sflag:s5] =	ssyncadd.s32 @p0 $0xFFFFFFFF  }
0xaf: {  	s6 =	sshll.u32 @!p0 s1, $0xE  }
0xb0: {  	s6 =	sor.u32 @!p0 $0x4000, s6;
	s5 =	simm.s32 @!p0 $0x1B8D  }
0xb1: {  	s4 =	sshll.u32 @!p0 s4, $0x11;
	s6 =	sadd.s32 @!p0 $0x11B8D, s6;
	_ =	swait.eq @!p0 [sflag:s5], $0x1  }
0xb2: {  	s4 =	sor.u32 @!p0 s4, s6;
	[sflag:s5] =	ssyncadd.s32 @!p0 $0xFFFFFFFF  }
0xb3: {  	s25 =	simm.s32 $0x1B8E;
	s24 =	sld [smem:$0x3FFE];
	[sflag:s4] =	ssyncadd.remote.s32 @!p0 $0x1  }
0xb4: {  	s26 =	simm.s32 $execute0_lowered;
	[smem:$0x3FD2] =	sst s25  }
0xb5: {  	s5 =	sshll.u32 s26, $0x1;
	_ =	strace $0x8000004F;
	[dreg:$0x1] =	wrdreg $0xFFFFFFFF  }
0xb6: {  	s28 =	simm.s32 $_size_execute0_lowered;
	s3 =	sadd.s32 s3, s5;
	[dreg:$0x0] =	wrdreg $0x0  }
0xb7: {  	s5 =	sshll.u32 s28, $0x1;
	[dreg:$0x2] =	wrdreg s3  }
0xb8: {  	[dreg:$0x3] =	wrdreg s5  }
0xb9: {  	[dreg:$0x4] =	wrdreg $0xC0  }
0xba: {  	_ =	task [dreg:s22], $0x5FFFF  }
0xbb: {  	[dreg:$0x1] =	wrdreg $0xFFFFFFFF  }
0xbc: {  	[dreg:$0x0] =	wrdreg $0x60  }
0xbd: {  	[dreg:$0x2] =	wrdreg s24  }
0xbe: {  	[dreg:$0x3] =	wrdreg $0xA  }
0xbf: {  	_ =	task.clear_ibuf [dreg:s22], $0x4FFFF;
	_ =	strace $0x9000004F  }
0xc0: {  	s29 =	simm.s32 $0xA;
	_ =	strace $0x80000051  }
0xc1: {  	_ =	swait.ge [sflag:s29], $0x1  }
0xc2: {  	[sflag:s29] =	ssyncadd.s32 $0xFFFFFFFF  }
0xc3: {  	_ =	strace $0x90000051  }
0xc4: {  	_ =	sfence  }
0xc5: {  	s30 =	sld [smem:$0x0];
	_ =	sdelay $0x2  }
0xc6: {  	s31 =	sshll.u32 s1, $0xD;
	s1 =	sshrl.u32 s1, $0x2  }
0xc7: {  	s4 =	sand.u32 $0x4000, s31;
	s1 =	sadd.s32 s1, s30  }
0xc8: {  	s0 =	sor.u32 s4, s0;
	s1 =	sshll.u32 s1, $0x11  }
0xc9: {  	s0 =	sor.u32 s1, s0  }
0xca: {  	s0 =	sadd.s32 $0x8F2B, s0  }
0xcb: {  	[sflag:s0] =	ssyncadd.remote.s32 $0x1  }
0xcc: {  	_ =	sfence.sel $0xFFFF  }
0xcd: {  	[dreg:$0x0] =	wrdreg $0xFFFFFFFF;
	(pc) =	sbr.abs _section_cstart, $3  }
0xce: {  	[dreg:$0x1] =	wrdreg $0xFFFFFFFF  }
0xcf: {  	_ =	task.clear_ibuf [dreg:s22], $0x2FFFF;
	_ =	strace $0x9FFFFFFF  }
0xd0: {  	(tm) =	ssettm $0x7FFFFFFF  }
0xd1: {  	_ =	shalt  }
tec
execute0_lowered:
.L_overlay_start_1:
0x0: {  	(tag) =	ssettag $0x1  }
0x1: {  	s0 =	srdreg.scid  }
0x2: {  	s16 =	stileid.u32;
	s4 =	rddreg [dreg:$0x0];
	s15 =	simm.s32 $0x400  }
0x3: {  	s9 =	simm.s32 $0x600;
	s8 =	simm.s32 $0x80;
	s11 =	simm.s32 $0x800  }
0x4: {  	s19 =	simm.s32 $0x1800;
	s31 =	simm.s32 $0x180;
	s28 =	simm.s32 $0x280  }
0x5: {  	s12 =	simm.s32 $0x5800;
	s29 =	simm.s32 $0x300;
	s13 =	simm.s32 $0x6800  }
0x6: {  	s30 =	simm.s32 $0x380;
	s14 =	simm.s32 $0x7800;
	s7 =	simm.s32 $0x2  }
0x7: {  	p0 =	por $0x0, $0x0;
	s10 =	simm.s32 $0x3;
	s0 =	sand.u32 $0x1, s0  }
0x8: {  	s17 =	simm.s32 $0x680;
	s1 =	sshll.u32 s16, $0xA;
	s2 =	sshll.u32 s0, $0x9  }
0x9: {  	s18 =	simm.s32 $0x700;
	s0 =	ssub.s32 $0x2, s0;
	s1 =	sor.u32 s2, s1  }
0xa: {  	s2 =	simm.s32 $0x0;
	s24 =	sshrl.u32 s0, $0x1;
	s3 =	sshrl.u32 s1, $0x3  }
0xb: {  	[smem:$0x7FF] =	sst s2;
	s1 =	sshll.u32 s1, $0x2;
	s0 =	ssub.s32 s0, s24  }
0xc: {  	s24 =	simm.s32 $0x480;
	s5 =	sadd.s32 s3, s4;
	_ =	strace $0x80000050  }
0xd: {  	s3 =	sadd.s32 $0x18D400, s4;
	s1 =	sadd.s32 s1, s4;
	s6 =	sadd.s32 $0x67C00, s5  }
0xe: {  	s0 =	smax.u32 s0, $0x1;
	s20 =	sadd.s32 $0x68400, s5;
	[dreg:$0x2] =	wrdreg s6  }
0xf: {  	s21 =	sadd.s32 $0x68C00, s5;
	s22 =	sadd.s32 $0x69400, s5;
	[dreg:$0x3] =	wrdreg s20  }
0x10: {  	s23 =	sadd.s32 $0x1EF000, s1;
	s25 =	sadd.s32 $0x1FF000, s1;
	[dreg:$0x4] =	wrdreg s21  }
0x11: {  	s26 =	sadd.s32 $0x20F000, s1;
	p1 =	sne.s32 s0, $0x1;
	[dreg:$0x5] =	wrdreg s22  }
.Ltmp0:
0x12: {  	s4 =	sadd.s32 $0x21F000, s1;
	[dreg:$0x6] =	wrdreg s23;
	(pc) =	sbr.rel @!p1 .LBB2_1-.Ltmp0, $4  }
0x13: {  	s5 =	simm.s32 $0x1;
	s1 =	sadd.s32 $0xFFFFFFFF, s0;
	[dreg:$0x7] =	wrdreg s25  }
0x14: {  	[dreg:$0x8] =	wrdreg s26;
	s23 =	simm.s32 $0x200;
	s20 =	simm.s32 $0x2800  }
0x15: {  	s21 =	simm.s32 $0x3800;
	s6 =	simm.s32 $0x4800;
	s25 =	simm.s32 $0x500  }
0x16: {  	s26 =	simm.s32 $0x580;
	s22 =	simm.s32 $0x780;
	s0 =	rddreg [dreg:$0x2]  }
0x17: {  	[tilespmem:s2], [sflag:$0x1] =	stream.linear.gather [hbm4b:s0+s2], $0x200, $0x38;
	[tilespmem:$0x8800] =	vst v63  }
0x18: {  	s16 =	smov.u32 s1;
	s1 =	rddreg [dreg:$0x3]  }
0x19: {  	[tilespmem:s23], [sflag:$0x1] =	stream.linear.gather [hbm4b:s1+s2], $0x200, $0x38;
	[tilespmem:$0x8800] =	vst v63  }
0x1a: {  	s0 =	rddreg [dreg:$0x4]  }
0x1b: {  	[tilespmem:s15], [sflag:$0x1] =	stream.linear.gather [hbm4b:s0+s2], $0x200, $0x38;
	[tilespmem:$0x8800] =	vst v63  }
0x1c: {  	s1 =	rddreg [dreg:$0x5]  }
0x1d: {  	[tilespmem:s9], [sflag:$0x1] =	stream.linear.gather [hbm4b:s1+s2], $0x200, $0x38;
	[tilespmem:$0x8800] =	vst v63  }
0x1e: {  	_ =	swait.ge [sflag:s5], $0x200  }
0x1f: {  	[sflag:s5] =	ssyncset.done $0x0  }
0x20: {  	[sflag:s5] =	ssyncadd.s32 $0xFFFFFE00  }
0x21: {  	_ =	swait.ge [sflag:s5], $0x200  }
0x22: {  	[sflag:s5] =	ssyncset.done $0x0  }
0x23: {  	[sflag:s5] =	ssyncadd.s32 $0xFFFFFE00  }
0x24: {  	_ =	swait.ge [sflag:s5], $0x200  }
0x25: {  	[sflag:s5] =	ssyncset.done $0x0  }
0x26: {  	[sflag:s5] =	ssyncadd.s32 $0xFFFFFE00  }
0x27: {  	_ =	swait.ge [sflag:s5], $0x200  }
0x28: {  	[sflag:s5] =	ssyncset.done $0x0  }
0x29: {  	[sflag:s5] =	ssyncadd.s32 $0xFFFFFE00  }
0x2a: {  	[tilespmem:s11], [sflag:$0x1] =	stream.indirect.gather [hbm4b:s3+s8], $0x20, s2, s8, $0xb8;
	[tilespmem:$0x8800] =	vst v63  }
0x2b: {  	_ = 	snop  }
0x2c: {  	[tilespmem:s19], [sflag:$0x1] =	stream.indirect.gather [hbm4b:s3+s8], $0x20, s8, s8, $0xb8;
	[tilespmem:$0x8800] =	vst v63  }
0x2d: {  	s1 =	simm.s32 $0x100  }
0x2e: {  	[tilespmem:s20], [sflag:$0x1] =	stream.indirect.gather [hbm4b:s3+s8], $0x20, s1, s8, $0xb8;
	[tilespmem:$0x8800] =	vst v63  }
0x2f: {  	_ = 	snop  }
0x30: {  	[tilespmem:s21], [sflag:$0x1] =	stream.indirect.gather [hbm4b:s3+s8], $0x20, s31, s8, $0xb8;
	[tilespmem:$0x8800] =	vst v63  }
0x31: {  	_ =	swait.ge [sflag:s5], $0x1000  }
0x32: {  	[sflag:s5] =	ssyncset.done $0x0  }
0x33: {  	[sflag:s5] =	ssyncadd.s32 $0xFFFFF000  }
0x34: {  	_ =	swait.ge [sflag:s5], $0x1000  }
0x35: {  	[sflag:s5] =	ssyncset.done $0x0  }
0x36: {  	[sflag:s5] =	ssyncadd.s32 $0xFFFFF000  }
0x37: {  	_ =	swait.ge [sflag:s5], $0x1000  }
0x38: {  	[sflag:s5] =	ssyncset.done $0x0  }
0x39: {  	[sflag:s5] =	ssyncadd.s32 $0xFFFFF000  }
0x3a: {  	_ =	swait.ge [sflag:s5], $0x1000  }
0x3b: {  	[sflag:s5] =	ssyncset.done $0x0  }
0x3c: {  	s1 =	rddreg [dreg:$0x6];
	[sflag:s5] =	ssyncadd.s32 $0xFFFFF000  }
0x3d: {  	[hbm4b:s1+s2] =	stream.linear.scatter [tilespmem:s11], [sflag:$0x2], $0x4000, $0x38;
	[tilespmem:$0x8800] =	vst v63  }
0x3e: {  	_ = 	snop  }
0x3f: {  	[tilespmem:s6], [sflag:$0x1] =	stream.indirect.gather [hbm4b:s3+s8], $0x20, s23, s8, $0xb8;
	[tilespmem:$0x8800] =	vst v63  }
0x40: {  	_ = 	snop  }
0x41: {  	[tilespmem:s12], [sflag:$0x1] =	stream.indirect.gather [hbm4b:s3+s8], $0x20, s28, s8, $0xb8;
	[tilespmem:$0x8800] =	vst v63  }
0x42: {  	_ = 	snop  }
0x43: {  	[tilespmem:s13], [sflag:$0x1] =	stream.indirect.gather [hbm4b:s3+s8], $0x20, s29, s8, $0xb8;
	[tilespmem:$0x8800] =	vst v63  }
0x44: {  	_ = 	snop  }
0x45: {  	[tilespmem:s14], [sflag:$0x1] =	stream.indirect.gather [hbm4b:s3+s8], $0x20, s30, s8, $0xb8;
	[tilespmem:$0x8800] =	vst v63  }
0x46: {  	_ =	swait.ge [sflag:s5], $0x1000  }
0x47: {  	[sflag:s5] =	ssyncset.done $0x0  }
0x48: {  	[sflag:s5] =	ssyncadd.s32 $0xFFFFF000  }
0x49: {  	_ =	swait.ge [sflag:s5], $0x1000  }
0x4a: {  	[sflag:s5] =	ssyncset.done $0x0  }
0x4b: {  	[sflag:s5] =	ssyncadd.s32 $0xFFFFF000  }
0x4c: {  	_ =	swait.ge [sflag:s5], $0x1000  }
0x4d: {  	[sflag:s5] =	ssyncset.done $0x0  }
0x4e: {  	[sflag:s5] =	ssyncadd.s32 $0xFFFFF000  }
0x4f: {  	_ =	swait.ge [sflag:s5], $0x1000  }
0x50: {  	[sflag:s5] =	ssyncset.done $0x0  }
0x51: {  	s1 =	rddreg [dreg:$0x7];
	[sflag:s5] =	ssyncadd.s32 $0xFFFFF000  }
0x52: {  	[hbm4b:s1+s2] =	stream.linear.scatter [tilespmem:s6], [sflag:$0x3], $0x4000, $0x38;
	[tilespmem:$0x8800] =	vst v63  }
0x53: {  	_ =	swait.ge [sflag:s7], $0x4000  }
0x54: {  	[sflag:s7] =	ssyncset.done $0x0  }
0x55: {  	[sflag:s7] =	ssyncadd.s32 $0xFFFFC000  }
0x56: {  	[tilespmem:s11], [sflag:$0x1] =	stream.indirect.gather [hbm4b:s3+s8], $0x20, s15, s8, $0xb8;
	[tilespmem:$0x8800] =	vst v63  }
0x57: {  	_ = 	snop  }
0x58: {  	[tilespmem:s19], [sflag:$0x1] =	stream.indirect.gather [hbm4b:s3+s8], $0x20, s24, s8, $0xb8;
	[tilespmem:$0x8800] =	vst v63  }
0x59: {  	_ = 	snop  }
0x5a: {  	[tilespmem:s20], [sflag:$0x1] =	stream.indirect.gather [hbm4b:s3+s8], $0x20, s25, s8, $0xb8;
	[tilespmem:$0x8800] =	vst v63  }
0x5b: {  	_ = 	snop  }
0x5c: {  	[tilespmem:s21], [sflag:$0x1] =	stream.indirect.gather [hbm4b:s3+s8], $0x20, s26, s8, $0xb8;
	[tilespmem:$0x8800] =	vst v63  }
0x5d: {  	_ =	swait.ge [sflag:s5], $0x1000  }
0x5e: {  	[sflag:s5] =	ssyncset.done $0x0  }
0x5f: {  	[sflag:s5] =	ssyncadd.s32 $0xFFFFF000  }
0x60: {  	_ =	swait.ge [sflag:s5], $0x1000  }
0x61: {  	[sflag:s5] =	ssyncset.done $0x0  }
0x62: {  	[sflag:s5] =	ssyncadd.s32 $0xFFFFF000  }
0x63: {  	_ =	swait.ge [sflag:s5], $0x1000  }
0x64: {  	[sflag:s5] =	ssyncset.done $0x0  }
0x65: {  	[sflag:s5] =	ssyncadd.s32 $0xFFFFF000  }
0x66: {  	_ =	swait.ge [sflag:s5], $0x1000  }
0x67: {  	[sflag:s5] =	ssyncset.done $0x0  }
0x68: {  	s1 =	rddreg [dreg:$0x8];
	[sflag:s5] =	ssyncadd.s32 $0xFFFFF000  }
0x69: {  	[hbm4b:s1+s2] =	stream.linear.scatter [tilespmem:s11], [sflag:$0x2], $0x4000, $0x38;
	[tilespmem:$0x8800] =	vst v63  }
0x6a: {  	_ =	swait.ge [sflag:s10], $0x4000  }
0x6b: {  	[sflag:s10] =	ssyncset.done $0x0  }
0x6c: {  	[sflag:s10] =	ssyncadd.s32 $0xFFFFC000  }
0x6d: {  	[tilespmem:s6], [sflag:$0x1] =	stream.indirect.gather [hbm4b:s3+s8], $0x20, s9, s8, $0xb8;
	[tilespmem:$0x8800] =	vst v63  }
0x6e: {  	_ = 	snop  }
0x6f: {  	[tilespmem:s12], [sflag:$0x1] =	stream.indirect.gather [hbm4b:s3+s8], $0x20, s17, s8, $0xb8;
	[tilespmem:$0x8800] =	vst v63  }
0x70: {  	_ = 	snop  }
0x71: {  	[tilespmem:s13], [sflag:$0x1] =	stream.indirect.gather [hbm4b:s3+s8], $0x20, s18, s8, $0xb8;
	[tilespmem:$0x8800] =	vst v63  }
0x72: {  	_ = 	snop  }
0x73: {  	[tilespmem:s14], [sflag:$0x1] =	stream.indirect.gather [hbm4b:s3+s8], $0x20, s22, s8, $0xb8;
	[tilespmem:$0x8800] =	vst v63  }
0x74: {  	_ =	swait.ge [sflag:s5], $0x1000  }
0x75: {  	[sflag:s5] =	ssyncset.done $0x0  }
0x76: {  	[sflag:s5] =	ssyncadd.s32 $0xFFFFF000  }
0x77: {  	_ =	swait.ge [sflag:s5], $0x1000  }
0x78: {  	[sflag:s5] =	ssyncset.done $0x0  }
0x79: {  	[sflag:s5] =	ssyncadd.s32 $0xFFFFF000  }
0x7a: {  	_ =	swait.ge [sflag:s5], $0x1000  }
0x7b: {  	[sflag:s5] =	ssyncset.done $0x0  }
0x7c: {  	[sflag:s5] =	ssyncadd.s32 $0xFFFFF000  }
0x7d: {  	_ =	swait.ge [sflag:s5], $0x1000  }
0x7e: {  	[sflag:s5] =	ssyncset.done $0x0  }
0x7f: {  	p1 =	sne.s32 s16, $0x1;
	[sflag:s5] =	ssyncadd.s32 $0xFFFFF000  }
0x80: {  	[hbm4b:s4+s2] =	stream.linear.scatter [tilespmem:s6], [sflag:$0x3], $0x4000, $0x38;
	[tilespmem:$0x8800] =	vst v63  }
.Ltmp1:
0x81: {  	_ =	swait.ge [sflag:s7], $0x4000;
	(pc) =	sbr.rel @!p1 .LBB2_3-.Ltmp1, $4  }
0x82: {  	[sflag:s7] =	ssyncset.done $0x0  }
0x83: {  	[sflag:s7] =	ssyncadd.s32 $0xFFFFC000  }
0x84: {  	p0 =	por $0x1, $0x1;
	_ =	swait.ge [sflag:s10], $0x4000  }
0x85: {  	s1 =	sadd.s32 $0xFFFFFFFF, s16;
	s0 =	rddreg [dreg:$0x2];
	[sflag:s10] =	ssyncset.done $0x0  }
.LBB2_4:
0x86: {  	[sflag:s10] =	ssyncadd.s32 $0xFFFFC000  }
0x87: {  	[tilespmem:s2], [sflag:$0x1] =	stream.linear.gather [hbm4b:s0+s2], $0x200, $0x38;
	[tilespmem:$0x8800] =	vst v63  }
0x88: {  	s16 =	rddreg [dreg:$0x3]  }
0x89: {  	[tilespmem:s23], [sflag:$0x1] =	stream.linear.gather [hbm4b:s16+s2], $0x200, $0x38;
	[tilespmem:$0x8800] =	vst v63  }
0x8a: {  	s0 =	rddreg [dreg:$0x4]  }
0x8b: {  	[tilespmem:s15], [sflag:$0x1] =	stream.linear.gather [hbm4b:s0+s2], $0x200, $0x38;
	[tilespmem:$0x8800] =	vst v63  }
0x8c: {  	s16 =	rddreg [dreg:$0x5]  }
0x8d: {  	[tilespmem:s9], [sflag:$0x1] =	stream.linear.gather [hbm4b:s16+s2], $0x200, $0x38;
	[tilespmem:$0x8800] =	vst v63  }
0x8e: {  	_ =	swait.ge [sflag:s5], $0x200  }
0x8f: {  	[sflag:s5] =	ssyncset.done $0x0  }
0x90: {  	[sflag:s5] =	ssyncadd.s32 $0xFFFFFE00  }
0x91: {  	_ =	swait.ge [sflag:s5], $0x200  }
0x92: {  	[sflag:s5] =	ssyncset.done $0x0  }
0x93: {  	[sflag:s5] =	ssyncadd.s32 $0xFFFFFE00  }
0x94: {  	_ =	swait.ge [sflag:s5], $0x200  }
0x95: {  	[sflag:s5] =	ssyncset.done $0x0  }
0x96: {  	[sflag:s5] =	ssyncadd.s32 $0xFFFFFE00  }
0x97: {  	_ =	swait.ge [sflag:s5], $0x200  }
0x98: {  	[sflag:s5] =	ssyncset.done $0x0  }
0x99: {  	[sflag:s5] =	ssyncadd.s32 $0xFFFFFE00  }
0x9a: {  	[tilespmem:s11], [sflag:$0x1] =	stream.indirect.gather [hbm4b:s3+s8], $0x20, s2, s8, $0xb8;
	[tilespmem:$0x8800] =	vst v63  }
0x9b: {  	_ = 	snop  }
0x9c: {  	[tilespmem:s19], [sflag:$0x1] =	stream.indirect.gather [hbm4b:s3+s8], $0x20, s8, s8, $0xb8;
	[tilespmem:$0x8800] =	vst v63  }
0x9d: {  	s16 =	simm.s32 $0x100  }
0x9e: {  	[tilespmem:s20], [sflag:$0x1] =	stream.indirect.gather [hbm4b:s3+s8], $0x20, s16, s8, $0xb8;
	[tilespmem:$0x8800] =	vst v63  }
0x9f: {  	_ = 	snop  }
0xa0: {  	[tilespmem:s21], [sflag:$0x1] =	stream.indirect.gather [hbm4b:s3+s8], $0x20, s31, s8, $0xb8;
	[tilespmem:$0x8800] =	vst v63  }
0xa1: {  	_ =	swait.ge [sflag:s5], $0x1000  }
0xa2: {  	[sflag:s5] =	ssyncset.done $0x0  }
0xa3: {  	[sflag:s5] =	ssyncadd.s32 $0xFFFFF000  }
0xa4: {  	_ =	swait.ge [sflag:s5], $0x1000  }
0xa5: {  	[sflag:s5] =	ssyncset.done $0x0  }
0xa6: {  	[sflag:s5] =	ssyncadd.s32 $0xFFFFF000  }
0xa7: {  	_ =	swait.ge [sflag:s5], $0x1000  }
0xa8: {  	[sflag:s5] =	ssyncset.done $0x0  }
0xa9: {  	[sflag:s5] =	ssyncadd.s32 $0xFFFFF000  }
0xaa: {  	_ =	swait.ge [sflag:s5], $0x1000  }
0xab: {  	[sflag:s5] =	ssyncset.done $0x0  }
0xac: {  	s16 =	rddreg [dreg:$0x6];
	[sflag:s5] =	ssyncadd.s32 $0xFFFFF000  }
0xad: {  	[hbm4b:s16+s2] =	stream.linear.scatter [tilespmem:s11], [sflag:$0x2], $0x4000, $0x38;
	[tilespmem:$0x8800] =	vst v63  }
0xae: {  	_ = 	snop  }
0xaf: {  	[tilespmem:s6], [sflag:$0x1] =	stream.indirect.gather [hbm4b:s3+s8], $0x20, s23, s8, $0xb8;
	[tilespmem:$0x8800] =	vst v63  }
0xb0: {  	_ = 	snop  }
0xb1: {  	[tilespmem:s12], [sflag:$0x1] =	stream.indirect.gather [hbm4b:s3+s8], $0x20, s28, s8, $0xb8;
	[tilespmem:$0x8800] =	vst v63  }
0xb2: {  	_ = 	snop  }
0xb3: {  	[tilespmem:s13], [sflag:$0x1] =	stream.indirect.gather [hbm4b:s3+s8], $0x20, s29, s8, $0xb8;
	[tilespmem:$0x8800] =	vst v63  }
0xb4: {  	_ = 	snop  }
0xb5: {  	[tilespmem:s14], [sflag:$0x1] =	stream.indirect.gather [hbm4b:s3+s8], $0x20, s30, s8, $0xb8;
	[tilespmem:$0x8800] =	vst v63  }
0xb6: {  	_ =	swait.ge [sflag:s5], $0x1000  }
0xb7: {  	[sflag:s5] =	ssyncset.done $0x0  }
0xb8: {  	[sflag:s5] =	ssyncadd.s32 $0xFFFFF000  }
0xb9: {  	_ =	swait.ge [sflag:s5], $0x1000  }
0xba: {  	[sflag:s5] =	ssyncset.done $0x0  }
0xbb: {  	[sflag:s5] =	ssyncadd.s32 $0xFFFFF000  }
0xbc: {  	_ =	swait.ge [sflag:s5], $0x1000  }
0xbd: {  	[sflag:s5] =	ssyncset.done $0x0  }
0xbe: {  	[sflag:s5] =	ssyncadd.s32 $0xFFFFF000  }
0xbf: {  	_ =	swait.ge [sflag:s5], $0x1000  }
0xc0: {  	[sflag:s5] =	ssyncset.done $0x0  }
0xc1: {  	s16 =	rddreg [dreg:$0x7];
	[sflag:s5] =	ssyncadd.s32 $0xFFFFF000  }
0xc2: {  	[hbm4b:s16+s2] =	stream.linear.scatter [tilespmem:s6], [sflag:$0x3], $0x4000, $0x38;
	[tilespmem:$0x8800] =	vst v63  }
0xc3: {  	_ =	swait.ge [sflag:s7], $0x4000  }
0xc4: {  	[sflag:s7] =	ssyncset.done $0x0  }
0xc5: {  	[sflag:s7] =	ssyncadd.s32 $0xFFFFC000  }
0xc6: {  	[tilespmem:s11], [sflag:$0x1] =	stream.indirect.gather [hbm4b:s3+s8], $0x20, s15, s8, $0xb8;
	[tilespmem:$0x8800] =	vst v63  }
0xc7: {  	_ = 	snop  }
0xc8: {  	[tilespmem:s19], [sflag:$0x1] =	stream.indirect.gather [hbm4b:s3+s8], $0x20, s24, s8, $0xb8;
	[tilespmem:$0x8800] =	vst v63  }
0xc9: {  	_ = 	snop  }
0xca: {  	[tilespmem:s20], [sflag:$0x1] =	stream.indirect.gather [hbm4b:s3+s8], $0x20, s25, s8, $0xb8;
	[tilespmem:$0x8800] =	vst v63  }
0xcb: {  	_ = 	snop  }
0xcc: {  	[tilespmem:s21], [sflag:$0x1] =	stream.indirect.gather [hbm4b:s3+s8], $0x20, s26, s8, $0xb8;
	[tilespmem:$0x8800] =	vst v63  }
0xcd: {  	_ =	swait.ge [sflag:s5], $0x1000  }
0xce: {  	[sflag:s5] =	ssyncset.done $0x0  }
0xcf: {  	[sflag:s5] =	ssyncadd.s32 $0xFFFFF000  }
0xd0: {  	_ =	swait.ge [sflag:s5], $0x1000  }
0xd1: {  	[sflag:s5] =	ssyncset.done $0x0  }
0xd2: {  	[sflag:s5] =	ssyncadd.s32 $0xFFFFF000  }
0xd3: {  	_ =	swait.ge [sflag:s5], $0x1000  }
0xd4: {  	[sflag:s5] =	ssyncset.done $0x0  }
0xd5: {  	[sflag:s5] =	ssyncadd.s32 $0xFFFFF000  }
0xd6: {  	_ =	swait.ge [sflag:s5], $0x1000  }
0xd7: {  	[sflag:s5] =	ssyncset.done $0x0  }
0xd8: {  	s16 =	rddreg [dreg:$0x8];
	[sflag:s5] =	ssyncadd.s32 $0xFFFFF000  }
0xd9: {  	[hbm4b:s16+s2] =	stream.linear.scatter [tilespmem:s11], [sflag:$0x2], $0x4000, $0x38;
	[tilespmem:$0x8800] =	vst v63  }
0xda: {  	_ =	swait.ge [sflag:s10], $0x4000  }
0xdb: {  	[sflag:s10] =	ssyncset.done $0x0  }
0xdc: {  	[sflag:s10] =	ssyncadd.s32 $0xFFFFC000  }
0xdd: {  	[tilespmem:s6], [sflag:$0x1] =	stream.indirect.gather [hbm4b:s3+s8], $0x20, s9, s8, $0xb8;
	[tilespmem:$0x8800] =	vst v63  }
0xde: {  	_ = 	snop  }
0xdf: {  	[tilespmem:s12], [sflag:$0x1] =	stream.indirect.gather [hbm4b:s3+s8], $0x20, s17, s8, $0xb8;
	[tilespmem:$0x8800] =	vst v63  }
0xe0: {  	_ = 	snop  }
0xe1: {  	[tilespmem:s13], [sflag:$0x1] =	stream.indirect.gather [hbm4b:s3+s8], $0x20, s18, s8, $0xb8;
	[tilespmem:$0x8800] =	vst v63  }
0xe2: {  	_ = 	snop  }
0xe3: {  	[tilespmem:s14], [sflag:$0x1] =	stream.indirect.gather [hbm4b:s3+s8], $0x20, s22, s8, $0xb8;
	[tilespmem:$0x8800] =	vst v63  }
0xe4: {  	_ =	swait.ge [sflag:s5], $0x1000  }
0xe5: {  	[sflag:s5] =	ssyncset.done $0x0  }
0xe6: {  	[sflag:s5] =	ssyncadd.s32 $0xFFFFF000  }
0xe7: {  	_ =	swait.ge [sflag:s5], $0x1000  }
0xe8: {  	[sflag:s5] =	ssyncset.done $0x0  }
0xe9: {  	[sflag:s5] =	ssyncadd.s32 $0xFFFFF000  }
0xea: {  	_ =	swait.ge [sflag:s5], $0x1000  }
0xeb: {  	[sflag:s5] =	ssyncset.done $0x0  }
0xec: {  	[sflag:s5] =	ssyncadd.s32 $0xFFFFF000  }
0xed: {  	_ =	swait.ge [sflag:s5], $0x1000  }
0xee: {  	[sflag:s5] =	ssyncset.done $0x0  }
0xef: {  	p1 =	sne.s32 s1, $0x1;
	[sflag:s5] =	ssyncadd.s32 $0xFFFFF000  }
0xf0: {  	[hbm4b:s4+s2] =	stream.linear.scatter [tilespmem:s6], [sflag:$0x3], $0x4000, $0x38;
	[tilespmem:$0x8800] =	vst v63  }
.Ltmp2:
0xf1: {  	_ =	swait.ge [sflag:s7], $0x4000;
	(pc) =	sbr.rel @p1 .LBB2_4-.Ltmp2, $4  }
0xf2: {  	[sflag:s7] =	ssyncset.done $0x0  }
0xf3: {  	[sflag:s7] =	ssyncadd.s32 $0xFFFFC000  }
0xf4: {  	_ =	swait.ge [sflag:s10], $0x4000  }
0xf5: {  	s1 =	sadd.s32 $0xFFFFFFFF, s1;
	s0 =	rddreg [dreg:$0x2];
	[sflag:s10] =	ssyncset.done $0x0  }
0xf6: {  	s22 =	simm.s32 $0x180;
	s31 =	simm.s32 $0x100  }
0xf7: {  	s30 =	simm.s32 $0x380;
	s29 =	simm.s32 $0x300;
	s28 =	simm.s32 $0x280  }
0xf8: {  	s26 =	simm.s32 $0x580;
	s25 =	simm.s32 $0x500;
	s24 =	simm.s32 $0x480  }
0xf9: {  	s18 =	simm.s32 $0x700;
	s17 =	simm.s32 $0x680;
	s16 =	stileid.u32  }
.LBB2_6:
0xfa: {  	[sflag:s10] =	ssyncadd.s32 @p0 $0xFFFFC000  }
0xfb: {  	[tilespmem:s2], [sflag:$0x1] =	stream.linear.gather [hbm4b:s0+s2], $0x200, $0x38;
	[tilespmem:$0x8800] =	vst v63  }
0xfc: {  	s1 =	rddreg [dreg:$0x3]  }
0xfd: {  	[tilespmem:s23], [sflag:$0x1] =	stream.linear.gather [hbm4b:s1+s2], $0x200, $0x38;
	[tilespmem:$0x8800] =	vst v63  }
0xfe: {  	s0 =	rddreg [dreg:$0x4]  }
0xff: {  	[tilespmem:s15], [sflag:$0x1] =	stream.linear.gather [hbm4b:s0+s2], $0x200, $0x38;
	[tilespmem:$0x8800] =	vst v63  }
0x100: {  	s1 =	rddreg [dreg:$0x5]  }
0x101: {  	[tilespmem:s9], [sflag:$0x1] =	stream.linear.gather [hbm4b:s1+s2], $0x200, $0x38;
	[tilespmem:$0x8800] =	vst v63  }
0x102: {  	_ =	swait.ge [sflag:s5], $0x200  }
0x103: {  	[sflag:s5] =	ssyncset.done $0x0  }
0x104: {  	[sflag:s5] =	ssyncadd.s32 $0xFFFFFE00  }
0x105: {  	_ =	swait.ge [sflag:s5], $0x200  }
0x106: {  	[sflag:s5] =	ssyncset.done $0x0  }
0x107: {  	[sflag:s5] =	ssyncadd.s32 $0xFFFFFE00  }
0x108: {  	_ =	swait.ge [sflag:s5], $0x200  }
0x109: {  	[sflag:s5] =	ssyncset.done $0x0  }
0x10a: {  	[sflag:s5] =	ssyncadd.s32 $0xFFFFFE00  }
0x10b: {  	_ =	swait.ge [sflag:s5], $0x200  }
0x10c: {  	[sflag:s5] =	ssyncset.done $0x0  }
0x10d: {  	[sflag:s5] =	ssyncadd.s32 $0xFFFFFE00  }
0x10e: {  	[tilespmem:s11], [sflag:$0x1] =	stream.indirect.gather [hbm4b:s3+s8], $0x20, s2, s8, $0xb8;
	[tilespmem:$0x8800] =	vst v63  }
0x10f: {  	_ = 	snop  }
0x110: {  	[tilespmem:s19], [sflag:$0x1] =	stream.indirect.gather [hbm4b:s3+s8], $0x20, s8, s8, $0xb8;
	[tilespmem:$0x8800] =	vst v63  }
0x111: {  	_ = 	snop  }
0x112: {  	[tilespmem:s20], [sflag:$0x1] =	stream.indirect.gather [hbm4b:s3+s8], $0x20, s31, s8, $0xb8;
	[tilespmem:$0x8800] =	vst v63  }
0x113: {  	_ = 	snop  }
0x114: {  	[tilespmem:s21], [sflag:$0x1] =	stream.indirect.gather [hbm4b:s3+s8], $0x20, s22, s8, $0xb8;
	[tilespmem:$0x8800] =	vst v63  }
0x115: {  	_ =	swait.ge [sflag:s5], $0x1000  }
0x116: {  	[sflag:s5] =	ssyncset.done $0x0  }
0x117: {  	[sflag:s5] =	ssyncadd.s32 $0xFFFFF000  }
0x118: {  	_ =	swait.ge [sflag:s5], $0x1000  }
0x119: {  	[sflag:s5] =	ssyncset.done $0x0  }
0x11a: {  	[sflag:s5] =	ssyncadd.s32 $0xFFFFF000  }
0x11b: {  	_ =	swait.ge [sflag:s5], $0x1000  }
0x11c: {  	[sflag:s5] =	ssyncset.done $0x0  }
0x11d: {  	[sflag:s5] =	ssyncadd.s32 $0xFFFFF000  }
0x11e: {  	_ =	swait.ge [sflag:s5], $0x1000  }
0x11f: {  	[sflag:s5] =	ssyncset.done $0x0  }
0x120: {  	s22 =	rddreg [dreg:$0x6];
	[sflag:s5] =	ssyncadd.s32 $0xFFFFF000  }
0x121: {  	[hbm4b:s22+s2] =	stream.linear.scatter [tilespmem:s11], [sflag:$0x2], $0x4000, $0x38;
	[tilespmem:$0x8800] =	vst v63  }
0x122: {  	_ = 	snop  }
0x123: {  	[tilespmem:s6], [sflag:$0x1] =	stream.indirect.gather [hbm4b:s3+s8], $0x20, s23, s8, $0xb8;
	[tilespmem:$0x8800] =	vst v63  }
0x124: {  	_ = 	snop  }
0x125: {  	[tilespmem:s12], [sflag:$0x1] =	stream.indirect.gather [hbm4b:s3+s8], $0x20, s28, s8, $0xb8;
	[tilespmem:$0x8800] =	vst v63  }
0x126: {  	_ = 	snop  }
0x127: {  	[tilespmem:s13], [sflag:$0x1] =	stream.indirect.gather [hbm4b:s3+s8], $0x20, s29, s8, $0xb8;
	[tilespmem:$0x8800] =	vst v63  }
0x128: {  	_ = 	snop  }
0x129: {  	[tilespmem:s14], [sflag:$0x1] =	stream.indirect.gather [hbm4b:s3+s8], $0x20, s30, s8, $0xb8;
	[tilespmem:$0x8800] =	vst v63  }
0x12a: {  	_ =	swait.ge [sflag:s5], $0x1000  }
0x12b: {  	[sflag:s5] =	ssyncset.done $0x0  }
0x12c: {  	[sflag:s5] =	ssyncadd.s32 $0xFFFFF000  }
0x12d: {  	_ =	swait.ge [sflag:s5], $0x1000  }
0x12e: {  	[sflag:s5] =	ssyncset.done $0x0  }
0x12f: {  	[sflag:s5] =	ssyncadd.s32 $0xFFFFF000  }
0x130: {  	_ =	swait.ge [sflag:s5], $0x1000  }
0x131: {  	[sflag:s5] =	ssyncset.done $0x0  }
0x132: {  	[sflag:s5] =	ssyncadd.s32 $0xFFFFF000  }
0x133: {  	_ =	swait.ge [sflag:s5], $0x1000  }
0x134: {  	[sflag:s5] =	ssyncset.done $0x0  }
0x135: {  	s29 =	rddreg [dreg:$0x7];
	[sflag:s5] =	ssyncadd.s32 $0xFFFFF000  }
0x136: {  	[hbm4b:s29+s2] =	stream.linear.scatter [tilespmem:s6], [sflag:$0x3], $0x4000, $0x38;
	[tilespmem:$0x8800] =	vst v63  }
0x137: {  	_ =	swait.ge [sflag:s7], $0x4000  }
0x138: {  	[sflag:s7] =	ssyncset.done $0x0  }
0x139: {  	[sflag:s7] =	ssyncadd.s32 $0xFFFFC000  }
0x13a: {  	[tilespmem:s11], [sflag:$0x1] =	stream.indirect.gather [hbm4b:s3+s8], $0x20, s15, s8, $0xb8;
	[tilespmem:$0x8800] =	vst v63  }
0x13b: {  	_ = 	snop  }
0x13c: {  	[tilespmem:s19], [sflag:$0x1] =	stream.indirect.gather [hbm4b:s3+s8], $0x20, s24, s8, $0xb8;
	[tilespmem:$0x8800] =	vst v63  }
0x13d: {  	_ = 	snop  }
0x13e: {  	[tilespmem:s20], [sflag:$0x1] =	stream.indirect.gather [hbm4b:s3+s8], $0x20, s25, s8, $0xb8;
	[tilespmem:$0x8800] =	vst v63  }
0x13f: {  	_ = 	snop  }
0x140: {  	[tilespmem:s21], [sflag:$0x1] =	stream.indirect.gather [hbm4b:s3+s8], $0x20, s26, s8, $0xb8;
	[tilespmem:$0x8800] =	vst v63  }
0x141: {  	_ =	swait.ge [sflag:s5], $0x1000  }
0x142: {  	[sflag:s5] =	ssyncset.done $0x0  }
0x143: {  	[sflag:s5] =	ssyncadd.s32 $0xFFFFF000  }
0x144: {  	_ =	swait.ge [sflag:s5], $0x1000  }
0x145: {  	[sflag:s5] =	ssyncset.done $0x0  }
0x146: {  	[sflag:s5] =	ssyncadd.s32 $0xFFFFF000  }
0x147: {  	_ =	swait.ge [sflag:s5], $0x1000  }
0x148: {  	[sflag:s5] =	ssyncset.done $0x0  }
0x149: {  	[sflag:s5] =	ssyncadd.s32 $0xFFFFF000  }
0x14a: {  	_ =	swait.ge [sflag:s5], $0x1000  }
0x14b: {  	[sflag:s5] =	ssyncset.done $0x0  }
0x14c: {  	s30 =	rddreg [dreg:$0x8];
	[sflag:s5] =	ssyncadd.s32 $0xFFFFF000  }
0x14d: {  	[hbm4b:s30+s2] =	stream.linear.scatter [tilespmem:s11], [sflag:$0x2], $0x4000, $0x38;
	[tilespmem:$0x8800] =	vst v63  }
0x14e: {  	_ =	swait.ge [sflag:s10], $0x4000  }
0x14f: {  	[sflag:s10] =	ssyncset.done $0x0  }
0x150: {  	[sflag:s10] =	ssyncadd.s32 $0xFFFFC000  }
0x151: {  	[tilespmem:s6], [sflag:$0x1] =	stream.indirect.gather [hbm4b:s3+s8], $0x20, s9, s8, $0xb8;
	[tilespmem:$0x8800] =	vst v63  }
0x152: {  	_ = 	snop  }
0x153: {  	[tilespmem:s12], [sflag:$0x1] =	stream.indirect.gather [hbm4b:s3+s8], $0x20, s17, s8, $0xb8;
	[tilespmem:$0x8800] =	vst v63  }
0x154: {  	_ = 	snop  }
0x155: {  	[tilespmem:s13], [sflag:$0x1] =	stream.indirect.gather [hbm4b:s3+s8], $0x20, s18, s8, $0xb8;
	[tilespmem:$0x8800] =	vst v63  }
0x156: {  	s31 =	simm.s32 $0x780  }
0x157: {  	[tilespmem:s14], [sflag:$0x1] =	stream.indirect.gather [hbm4b:s3+s8], $0x20, s31, s8, $0xb8;
	[tilespmem:$0x8800] =	vst v63  }
0x158: {  	_ =	swait.ge [sflag:s5], $0x1000  }
0x159: {  	[sflag:s5] =	ssyncset.done $0x0  }
0x15a: {  	[sflag:s5] =	ssyncadd.s32 $0xFFFFF000  }
0x15b: {  	_ =	swait.ge [sflag:s5], $0x1000  }
0x15c: {  	[sflag:s5] =	ssyncset.done $0x0  }
0x15d: {  	[sflag:s5] =	ssyncadd.s32 $0xFFFFF000  }
0x15e: {  	_ =	swait.ge [sflag:s5], $0x1000  }
0x15f: {  	[sflag:s5] =	ssyncset.done $0x0  }
0x160: {  	[sflag:s5] =	ssyncadd.s32 $0xFFFFF000  }
0x161: {  	_ =	swait.ge [sflag:s5], $0x1000  }
0x162: {  	[sflag:s5] =	ssyncset.done $0x0  }
0x163: {  	[sflag:s5] =	ssyncadd.s32 $0xFFFFF000  }
0x164: {  	[hbm4b:s4+s2] =	stream.linear.scatter [tilespmem:s6], [sflag:$0x3], $0x4000, $0x38;
	[tilespmem:$0x8800] =	vst v63  }
0x165: {  	_ =	swait.ge [sflag:s7], $0x4000  }
0x166: {  	[sflag:s7] =	ssyncset.done $0x0  }
0x167: {  	[sflag:s7] =	ssyncadd.s32 $0xFFFFC000  }
0x168: {  	_ =	swait.ge [sflag:s10], $0x4000  }
0x169: {  	[sflag:s10] =	ssyncset.done $0x0  }
0x16a: {  	[sflag:s10] =	ssyncadd.s32 $0xFFFFC000  }
0x16b: {  	_ =	sfence.sel $0x180000  }
0x16c: {  	[bflag:$0x0] =	sbarrier.arrive $0xFFFF  }
0x16d: {  	_ =	strace $0x90000050  }
0x16e: {  	[bflag:$0x2] =	sbarrier.arrive $0xFFFF  }
0x16f: {  	p0 =	sne.s32 s16, $0x0;
	s0 =	rddreg [dreg:$0x1]  }
0x170: {  	s0 =	sadd.s32 @!p0 $0x100000, s0  }
0x171: {  	[sflag:s0] =	ssyncadd.tile.s32 @!p0 $0x1;
	_ =	shalt  }
.LBB2_1:
.Ltmp3:
0x172: {  	(pc) =	sbr.rel .LBB2_6-.Ltmp3, $4  }
0x173: {  	s22 =	simm.s32 $0x180  }
0x174: {  	s31 =	simm.s32 $0x100;
	s30 =	simm.s32 $0x380;
	s29 =	simm.s32 $0x300  }
0x175: {  	s28 =	simm.s32 $0x280;
	s26 =	simm.s32 $0x580;
	s25 =	simm.s32 $0x500  }
0x176: {  	s24 =	simm.s32 $0x480;
	s18 =	simm.s32 $0x700;
	s17 =	simm.s32 $0x680  }
.LBB2_3:
.Ltmp4:
0x177: {  	(pc) =	sbr.rel .LBB2_6-.Ltmp4, $4  }
0x178: {  	s22 =	simm.s32 $0x180;
	s31 =	simm.s32 $0x100  }
0x179: {  	s30 =	simm.s32 $0x380;
	s29 =	simm.s32 $0x300;
	s28 =	simm.s32 $0x280  }
0x17a: {  	s26 =	simm.s32 $0x580;
	s25 =	simm.s32 $0x500;
	s24 =	simm.s32 $0x480  }
0x17b: {  	s18 =	simm.s32 $0x700;
	s17 =	simm.s32 $0x680;
	s16 =	stileid.u32  }
.Lfunc_end2:
_tile_overlayer_lowered:
.L_overlay_start_2:
0x17c: {  	(tag) =	ssettag $0x2  }
0x17d: {  	s0 =	rddreg [dreg:$0x0];
	s2 =	stileid.u32  }
0x17e: {  	s1 =	rddreg [dreg:$0x1];
	p0 =	sne.s32 s2, $0x0  }
0x17f: {  	s3 =	rddreg [dreg:$0x2];
	[bflag:$0x3] =	sbarrier.arrive $0xFFFF;
	s2 =	simm.s32 @!p0 $0x1C04  }
0x180: {  	[timem:s3], [sflag:s2] =	dma.local @!p0 [hbm:s0], s1  }
0x181: {  	s0 =	simm.s32 @!p0 $0x4  }
0x182: {  	_ =	swait.ge @!p0 [sflag:s0], s1  }
0x183: {  	s1 =	ssub.s32 @!p0 $0x0, s1;
	[sflag:s0] =	ssyncset.done @!p0 $0x0  }
0x184: {  	[sflag:s0] =	ssyncadd.s32 @!p0 s1  }
0x185: {  	[bflag:$0x3] =	sbarrier.arrive $0xFFFF  }
0x186: {  	_ =	shalt  }

// kernel: kernel.17.cloned.1.call-start
scs
__scs_entry_jumppad:
0x0: {  	(pc) =	sbr.rel $0x88, $3  }
0x1: {  	(tag) =	ssettag $0x0;
	lr =	simm.s32 $0x1  }
0x2: {  	[smem:$0x3F9A] =	sst lr;
	_ =	strace $0xD0000000  }
0x3: {  	_ = 	snop  }
0x4: {  	_ = 	snop  }
0x5: {  	_ = 	snop  }
0x6: {  	_ = 	snop  }
0x7: {  	_ = 	snop  }
__scs_overlays_trampoline_lowered:
0x8: {  	[smem:$0x3FA9] =	sst s0  }
0x9: {  	[smem:$0x3FAA] =	sst s1  }
0xa: {  	[smem:$0x3FAB] =	sst s2  }
0xb: {  	[smem:$0x3FAC] =	sst s3  }
0xc: {  	[smem:$0x3FAD] =	sst s4  }
0xd: {  	[smem:$0x3FAE] =	sst s5  }
0xe: {  	[smem:$0x3FAF] =	sst s6  }
0xf: {  	[smem:$0x3FB0] =	sst s7  }
0x10: {  	[smem:$0x3FB1] =	sst s8  }
0x11: {  	[smem:$0x3FB2] =	sst s9;
	s0 =	simm.s32 @!p0 $0x0  }
0x12: {  	s1 =	sld [smem:$0x3F98];
	s0 =	simm.s32 @p0 $0x1  }
0x13: {  	[smem:$0x3FB3] =	sst s0;
	s0 =	simm.s32 @!p1 $0x0  }
0x14: {  	s2 =	sld [smem:$0x3F97];
	s0 =	simm.s32 @p1 $0x1  }
0x15: {  	[smem:$0x3FB4] =	sst s0;
	s0 =	simm.s32 @!p2 $0x0  }
0x16: {  	s3 =	sld [smem:$0x3FDB];
	s0 =	simm.s32 @p2 $0x1  }
0x17: {  	s4 =	simm.s32 $0x1BF5;
	[smem:$0x3FB6] =	sst s0  }
0x18: {  	s0 =	sld [smem:$0x3F99];
	_ =	swait.ge [sflag:s4], $0x0  }
0x19: {  	s7 =	sld [smem:$0x3F9A]  }
0x1a: {  	s8 =	sadd.s32 $0xFFFFE003, lr  }
0x1b: {  	s9 =	sadd.s32 $0xFFFFFEF7, lr;
	s5 =	simm.s32 $0xFFFFFFFF;
	p2 =	slt.u32 s8, $0xFFFFF086  }
0x1c: {  	p1 =	slt.u32 s9, $0xF7A;
	s5 =	simm.s32 @!p2 $0x0  }
0x1d: {  	s5 =	simm.s32 @p1 $0x1;
	p0 =	seq.s32 s7, s2  }
0x1e: {  	s7 =	smul.u32 @!p0 $0xF7A, s2;
	p2 =	seq.s32 @!p0 s5, $0x0  }
0x1f: {  	s9 =	smul.u32 $0xF7A, s1;
	s8 =	simm.s32 @!p0 $0x1BF5;
	p2 =	por !p2, p0  }
0x20: {  	[sflag:s8] =	ssyncset.s32 @!p0 $0xFFFFF086;
	s6 =	sadd.s32 @!p0 s3, s7;
	s7 =	simm.s32 @!p0 $0x108  }
0x21: {  	s3 =	sadd.s32 s3, s9;
	s6 =	sadd.s32 @!p0 $0x88, s6;
	s7 =	simm.s32 @p2 $0x1082  }
0x22: {  	[simem:s7], [sflag:s8] =	dma.local @!p0 [hbm:s6], $0xF7A  }
0x23: {  	s9 =	sor.u32 $0xD0000000, s2;
	s6 =	simm.s32 $0x108;
	_ =	swait.ge @!p0 [sflag:s8], $0x0  }
0x24: {  	s3 =	sadd.s32 $0x88, s3;
	s6 =	simm.s32 @!p1 $0x1082;
	[sflag:s4] =	ssyncset.s32 $0xFFFFF086  }
0x25: {  	[simem:s6], [sflag:s4] =	dma.local [hbm:s3], $0xF7A  }
0x26: {  	[smem:$0x3F9A] =	sst s1;
	(tag) =	ssettag s2;
	_ =	strace s9  }
0x27: {  	s1 =	sld [smem:$0x3FAA]  }
0x28: {  	s2 =	sld [smem:$0x3FAB]  }
0x29: {  	s4 =	sld [smem:$0x3FAD]  }
0x2a: {  	p0 =	seq.s32 s5, $0x0;
	s5 =	sld [smem:$0x3FAE]  }
0x2b: {  	s6 =	sld [smem:$0x3FAF]  }
0x2c: {  	s7 =	sld [smem:$0x3FB0]  }
0x2d: {  	s3 =	simm.s32 $0x108;
	s8 =	sld [smem:$0x3FB1]  }
0x2e: {  	s3 =	simm.s32 @!p0 $0x1082;
	s9 =	sld [smem:$0x3FB2]  }
0x2f: {  	lr =	sadd.s32 s0, s3;
	s0 =	sld [smem:$0x3FA9]  }
0x30: {  	s3 =	sld [smem:$0x3FAC]  }
0x31: {  	[smem:$0x3FB5] =	sst s10  }
0x32: {  	s10 =	sld [smem:$0x3FB3];
	_ =	sdelay $0x3  }
0x33: {  	p0 =	seq.s32 s10, $0x1;
	s10 =	sld [smem:$0x3FB5];
	_ =	sdelay $0x3  }
0x34: {  	[smem:$0x3FB5] =	sst s10  }
0x35: {  	s10 =	sld [smem:$0x3FB4];
	_ =	sdelay $0x3  }
0x36: {  	p1 =	seq.s32 s10, $0x1;
	s10 =	sld [smem:$0x3FB5];
	_ =	sdelay $0x3  }
0x37: {  	[smem:$0x3FB5] =	sst s10  }
0x38: {  	s10 =	sld [smem:$0x3FB6]  }
0x39: {  	_ = 	snop;
	(pc) =	sbr.ind lr, $3  }
0x3a: {  	_ = 	snop  }
0x3b: {  	_ = 	snop  }
0x3c: {  	p2 =	seq.s32 s10, $0x1;
	s10 =	sld [smem:$0x3FB5]  }
0x3d: {  	_ =	shalt  }
0x3e: {  	_ =	shalt  }
0x3f: {  	_ =	shalt  }
0x40: {  	_ =	shalt  }
0x41: {  	_ =	shalt  }
0x42: {  	_ =	shalt  }
0x43: {  	_ =	shalt  }
0x44: {  	_ =	shalt  }
0x45: {  	_ =	shalt  }
0x46: {  	_ =	shalt  }
0x47: {  	_ =	shalt  }
0x48: {  	_ =	shalt  }
0x49: {  	_ =	shalt  }
0x4a: {  	_ =	shalt  }
0x4b: {  	_ =	shalt  }
0x4c: {  	_ =	shalt  }
0x4d: {  	_ =	shalt  }
0x4e: {  	_ =	shalt  }
0x4f: {  	_ =	shalt  }
0x50: {  	_ =	shalt  }
0x51: {  	_ =	shalt  }
0x52: {  	_ =	shalt  }
0x53: {  	_ =	shalt  }
0x54: {  	_ =	shalt  }
0x55: {  	_ =	shalt  }
0x56: {  	_ =	shalt  }
0x57: {  	_ =	shalt  }
0x58: {  	_ =	shalt  }
0x59: {  	_ =	shalt  }
0x5a: {  	_ =	shalt  }
0x5b: {  	_ =	shalt  }
0x5c: {  	_ =	shalt  }
0x5d: {  	_ =	shalt  }
0x5e: {  	_ =	shalt  }
0x5f: {  	_ =	shalt  }
0x60: {  	_ =	shalt  }
0x61: {  	_ =	shalt  }
0x62: {  	_ =	shalt  }
0x63: {  	_ =	shalt  }
0x64: {  	_ =	shalt  }
0x65: {  	_ =	shalt  }
0x66: {  	_ =	shalt  }
0x67: {  	_ =	shalt  }
0x68: {  	_ =	shalt  }
0x69: {  	_ =	shalt  }
0x6a: {  	_ =	shalt  }
0x6b: {  	_ =	shalt  }
0x6c: {  	_ =	shalt  }
0x6d: {  	_ =	shalt  }
0x6e: {  	_ =	shalt  }
0x6f: {  	_ =	shalt  }
0x70: {  	_ =	shalt  }
0x71: {  	_ =	shalt  }
0x72: {  	_ =	shalt  }
0x73: {  	_ =	shalt  }
0x74: {  	_ =	shalt  }
0x75: {  	_ =	shalt  }
0x76: {  	_ =	shalt  }
0x77: {  	_ =	shalt  }
0x78: {  	_ =	shalt  }
0x79: {  	_ =	shalt  }
0x7a: {  	_ =	shalt  }
0x7b: {  	_ =	shalt  }
0x7c: {  	_ =	shalt  }
0x7d: {  	_ =	shalt  }
0x7e: {  	_ =	shalt  }
0x7f: {  	_ =	shalt  }
0x80: {  	_ =	shalt  }
0x81: {  	_ =	shalt  }
0x82: {  	_ =	shalt  }
0x83: {  	_ =	shalt  }
0x84: {  	_ =	shalt  }
0x85: {  	_ =	shalt  }
0x86: {  	_ =	shalt  }
0x87: {  	_ =	shalt  }
.Lfunc_end0:
.L_simem_size_0:
called_computation.2_lowered:
.L_overlay_start_0:
0x88: {  	s2 =	sld [smem:$0x3FD9]  }
0x89: {  	s3 =	sld [smem:$0x3FFE];
	_ =	sdelay $0x1  }
0x8a: {  	s1 =	srdreg.scid  }
0x8b: {  	s0 =	sand.u32 $0x1, s1  }
0x8c: {  	s16 =	sshll.u32 s0, $0xA;
	s2 =	sadd.s32 s3, s2  }
0x8d: {  	s2 =	sadd.s32 s2, s16  }
0x8e: {  	[smem:$0x3FC1] =	sst s2  }
0x8f: {  	_ = 	snop  }
0x90: {  	(tm) =	ssettm $0x1  }
0x91: {  	s17 =	sld [smem:$0x3FFB];
	_ =	sdelay $0x3  }
0x92: {  	_ =	strace s17  }
0x93: {  	s2 =	sld [smem:$0x3FFC];
	_ =	sdelay $0x3  }
0x94: {  	_ =	strace s2  }
0x95: {  	s2 =	sld [smem:$0x3FFD];
	_ =	sdelay $0x3  }
0x96: {  	_ =	strace s2  }
0x97: {  	_ =	strace $0x8FFFFFFF  }
0x98: {  	s18 =	sld [smem:$0x3FDB];
	_ =	sdelay $0x1  }
0x99: {  	s19 =	simm.s32 $_scs_section_size  }
0x9a: {  	s4 =	simm.s32 $_size__tile_overlayer_lowered;
	s5 =	simm.s32 $_tile_overlayer_lowered  }
0x9b: {  	s22 =	simm.s32 $0x1BFF;
	s21 =	sshll.u32 s5, $0x1;
	s2 =	sadd.s32 s19, s18  }
0x9c: {  	s6 =	simm.s32 $0x0;
	s20 =	sshll.u32 s4, $0x1;
	s4 =	sadd.s32 s21, s2  }
0x9d: {  	[timem:s6], [sflag:s22] =	dma.local [hbm:s4], s20  }
0x9e: {  	_ =	swait.ge [sflag:s22], s20  }
0x9f: {  	s3 =	ssub.s32 $0x0, s20;
	[sflag:s22] =	ssyncset.done $0x0  }
0xa0: {  	[sflag:s22] =	ssyncadd.s32 s3;
	_ =	sdelay $0x1  }
0xa1: {  	s23 =	simm.s32 $0x1B8B  }
0xa2: {  	_ =	swait.ge [sflag:s23], $0x1  }
0xa3: {  	[sflag:s23] =	ssyncset.done $0x0  }
0xa4: {  	s25 =	simm.s32 $0x1B8E;
	s24 =	sld [smem:$0x3FFE];
	[sflag:s23] =	ssyncadd.s32 $0xFFFFFFFF  }
0xa5: {  	s26 =	simm.s32 $execute0_lowered;
	[smem:$0x3FD2] =	sst s25  }
0xa6: {  	s4 =	sshll.u32 s26, $0x1;
	_ =	strace $0x80000046;
	[dreg:$0x1] =	wrdreg $0xFFFFFFFF  }
0xa7: {  	s28 =	simm.s32 $_size_execute0_lowered;
	s2 =	sadd.s32 s2, s4;
	[dreg:$0x0] =	wrdreg $0x0  }
0xa8: {  	s4 =	sshll.u32 s28, $0x1;
	[dreg:$0x2] =	wrdreg s2  }
0xa9: {  	[dreg:$0x3] =	wrdreg s4  }
0xaa: {  	[dreg:$0x4] =	wrdreg $0xC0  }
0xab: {  	_ =	task [dreg:s6], $0x5FFFF  }
0xac: {  	[dreg:$0x1] =	wrdreg $0xFFFFFFFF  }
0xad: {  	[dreg:$0x0] =	wrdreg $0x60  }
0xae: {  	[dreg:$0x2] =	wrdreg s24  }
0xaf: {  	[dreg:$0x3] =	wrdreg $0xB  }
0xb0: {  	_ =	task.clear_ibuf [dreg:s6], $0x4FFFF;
	_ =	strace $0x90000046  }
0xb1: {  	s29 =	simm.s32 $0xB;
	_ =	strace $0x80000048  }
0xb2: {  	_ =	swait.ge [sflag:s29], $0x1  }
0xb3: {  	[sflag:s29] =	ssyncadd.s32 $0xFFFFFFFF  }
0xb4: {  	_ =	strace $0x90000048  }
0xb5: {  	_ =	sfence  }
0xb6: {  	s30 =	sld [smem:$0x0];
	_ =	sdelay $0x2  }
0xb7: {  	s31 =	sshll.u32 s1, $0xD;
	s1 =	sshrl.u32 s1, $0x2  }
0xb8: {  	s3 =	sand.u32 $0x4000, s31;
	s1 =	sadd.s32 s1, s30  }
0xb9: {  	s0 =	sor.u32 s3, s0;
	s1 =	sshll.u32 s1, $0x11  }
0xba: {  	s0 =	sor.u32 s1, s0  }
0xbb: {  	s0 =	sadd.s32 $0x8F2B, s0  }
0xbc: {  	[sflag:s0] =	ssyncadd.remote.s32 $0x1  }
0xbd: {  	_ =	sfence.sel $0xFFFF  }
0xbe: {  	[dreg:$0x0] =	wrdreg $0xFFFFFFFF;
	(pc) =	sbr.abs _section_cstart, $3  }
0xbf: {  	[dreg:$0x1] =	wrdreg $0xFFFFFFFF  }
0xc0: {  	_ =	task.clear_ibuf [dreg:s6], $0x2FFFF;
	_ =	strace $0x9FFFFFFF  }
0xc1: {  	(tm) =	ssettm $0x7FFFFFFF  }
tec
execute0_lowered:
.L_overlay_start_1:
0x0: {  	(tag) =	ssettag $0x1  }
0x1: {  	s1 =	srdreg.scid  }
0x2: {  	s0 =	stileid.u32;
	s13 =	sand.u32 $0x1, s1  }
0x3: {  	s30 =	sshll.u32 s0, $0xA;
	s2 =	sshll.u32 s13, $0x9  }
0x4: {  	s15 =	sor.u32 s2, s30  }
0x5: {  	s14 =	rddreg [dreg:$0x0];
	s2 =	simm.s32 $0x0;
	s3 =	sshrl.u32 s15, $0x3  }
0x6: {  	s4 =	simm.s32 $0x1;
	[smem:$0x7FF] =	sst s2;
	s3 =	sadd.s32 s3, s14  }
0x7: {  	s1 =	rddreg [dreg:$0x1];
	_ =	strace $0x80000047;
	s3 =	sadd.s32 $0x64400, s3  }
0x8: {  	[tilespmem:s2], [sflag:$0x1] =	stream.linear.gather [hbm4b:s3+s2], $0x200, $0x38;
	[tilespmem:$0x4200] =	vst v63  }
0x9: {  	_ =	swait.ge [sflag:s4], $0x200  }
0xa: {  	s6 =	simm.s32 $0x80;
	[sflag:s4] =	ssyncset.done $0x0  }
0xb: {  	s7 =	simm.s32 $0x200;
	s5 =	sadd.s32 $0x2800, s14;
	[sflag:s4] =	ssyncadd.s32 $0xFFFFFE00  }
0xc: {  	[tilespmem:s7], [sflag:$0x1] =	stream.indirect.gather [hbm4b:s5+s6], $0x20, s2, s6, $0xb8;
	[tilespmem:$0x4200] =	vst v63  }
0xd: {  	s8 =	simm.s32 $0x1200  }
0xe: {  	[tilespmem:s8], [sflag:$0x1] =	stream.indirect.gather [hbm4b:s5+s6], $0x20, s6, s6, $0xb8;
	[tilespmem:$0x4200] =	vst v63  }
0xf: {  	s9 =	simm.s32 $0x100;
	s10 =	simm.s32 $0x2200  }
0x10: {  	[tilespmem:s10], [sflag:$0x1] =	stream.indirect.gather [hbm4b:s5+s6], $0x20, s9, s6, $0xb8;
	[tilespmem:$0x4200] =	vst v63  }
0x11: {  	s11 =	simm.s32 $0x180;
	s12 =	simm.s32 $0x3200  }
0x12: {  	[tilespmem:s12], [sflag:$0x1] =	stream.indirect.gather [hbm4b:s5+s6], $0x20, s11, s6, $0xb8;
	[tilespmem:$0x4200] =	vst v63  }
0x13: {  	_ =	swait.ge [sflag:s4], $0x1000  }
0x14: {  	[sflag:s4] =	ssyncset.done $0x0  }
0x15: {  	[sflag:s4] =	ssyncadd.s32 $0xFFFFF000  }
0x16: {  	_ =	swait.ge [sflag:s4], $0x1000  }
0x17: {  	[sflag:s4] =	ssyncset.done $0x0  }
0x18: {  	s13 =	ssub.s32 $0x2, s13;
	[sflag:s4] =	ssyncadd.s32 $0xFFFFF000  }
0x19: {  	s31 =	sshrl.u32 s13, $0x1;
	s15 =	sshll.u32 s15, $0x2;
	_ =	swait.ge [sflag:s4], $0x1000  }
0x1a: {  	s14 =	sadd.s32 s15, s14;
	s15 =	ssub.s32 s13, s31;
	[sflag:s4] =	ssyncset.done $0x0  }
0x1b: {  	s15 =	smax.u32 s15, $0x1;
	[sflag:s4] =	ssyncadd.s32 $0xFFFFF000  }
0x1c: {  	p0 =	sne.s32 s15, $0x1;
	_ =	swait.ge [sflag:s4], $0x1000  }
.Ltmp0:
0x1d: {  	[sflag:s4] =	ssyncset.done $0x0;
	(pc) =	sbr.rel @!p0 .LBB2_2-.Ltmp0, $4  }
0x1e: {  	s13 =	sadd.s32 $0x69C00, s14;
	s14 =	simm.s32 $0x2;
	[sflag:s4] =	ssyncadd.s32 $0xFFFFF000  }
0x1f: {  	[hbm4b:s13+s2] =	stream.linear.scatter [tilespmem:s7], [sflag:$0x2], $0x4000, $0x38;
	[tilespmem:$0x4200] =	vst v63  }
0x20: {  	_ =	swait.ge [sflag:s14], $0x4000  }
0x21: {  	s15 =	sadd.s32 $0xFFFFFFFF, s15;
	[sflag:s14] =	ssyncset.done $0x0  }
.LBB2_1:
0x22: {  	p0 =	sne.s32 s15, $0x1;
	s15 =	sadd.s32 $0xFFFFFFFF, s15;
	[sflag:s14] =	ssyncadd.s32 $0xFFFFC000  }
0x23: {  	[tilespmem:s2], [sflag:$0x1] =	stream.linear.gather [hbm4b:s3+s2], $0x200, $0x38;
	[tilespmem:$0x4200] =	vst v63  }
0x24: {  	_ =	swait.ge [sflag:s4], $0x200  }
0x25: {  	[sflag:s4] =	ssyncset.done $0x0  }
0x26: {  	[sflag:s4] =	ssyncadd.s32 $0xFFFFFE00  }
0x27: {  	[tilespmem:s7], [sflag:$0x1] =	stream.indirect.gather [hbm4b:s5+s6], $0x20, s2, s6, $0xb8;
	[tilespmem:$0x4200] =	vst v63  }
0x28: {  	_ = 	snop  }
0x29: {  	[tilespmem:s8], [sflag:$0x1] =	stream.indirect.gather [hbm4b:s5+s6], $0x20, s6, s6, $0xb8;
	[tilespmem:$0x4200] =	vst v63  }
0x2a: {  	_ = 	snop  }
0x2b: {  	[tilespmem:s10], [sflag:$0x1] =	stream.indirect.gather [hbm4b:s5+s6], $0x20, s9, s6, $0xb8;
	[tilespmem:$0x4200] =	vst v63  }
0x2c: {  	_ = 	snop  }
0x2d: {  	[tilespmem:s12], [sflag:$0x1] =	stream.indirect.gather [hbm4b:s5+s6], $0x20, s11, s6, $0xb8;
	[tilespmem:$0x4200] =	vst v63  }
0x2e: {  	_ =	swait.ge [sflag:s4], $0x1000  }
0x2f: {  	[sflag:s4] =	ssyncset.done $0x0  }
0x30: {  	[sflag:s4] =	ssyncadd.s32 $0xFFFFF000  }
0x31: {  	_ =	swait.ge [sflag:s4], $0x1000  }
0x32: {  	[sflag:s4] =	ssyncset.done $0x0  }
0x33: {  	[sflag:s4] =	ssyncadd.s32 $0xFFFFF000  }
0x34: {  	_ =	swait.ge [sflag:s4], $0x1000  }
0x35: {  	[sflag:s4] =	ssyncset.done $0x0  }
0x36: {  	[sflag:s4] =	ssyncadd.s32 $0xFFFFF000  }
0x37: {  	_ =	swait.ge [sflag:s4], $0x1000  }
.Ltmp1:
0x38: {  	[sflag:s4] =	ssyncset.done $0x0;
	(pc) =	sbr.rel @p0 .LBB2_1-.Ltmp1, $4  }
0x39: {  	[sflag:s4] =	ssyncadd.s32 $0xFFFFF000  }
0x3a: {  	[hbm4b:s13+s2] =	stream.linear.scatter [tilespmem:s7], [sflag:$0x2], $0x4000, $0x38;
	[tilespmem:$0x4200] =	vst v63  }
0x3b: {  	_ =	swait.ge [sflag:s14], $0x4000  }
0x3c: {  	[sflag:s14] =	ssyncset.done $0x0  }
.LBB2_2:
0x3d: {  	[sflag:s14] =	ssyncadd.s32 $0xFFFFC000  }
0x3e: {  	_ =	sfence.sel $0x180000  }
0x3f: {  	[bflag:$0x0] =	sbarrier.arrive $0xFFFF  }
0x40: {  	p0 =	sne.s32 s0, $0x0;
	_ =	strace $0x90000047  }
0x41: {  	s0 =	sadd.s32 @!p0 $0x100000, s1;
	[bflag:$0x2] =	sbarrier.arrive $0xFFFF  }
0x42: {  	[sflag:s0] =	ssyncadd.tile.s32 @!p0 $0x1;
	_ =	shalt  }
.Lfunc_end2:
_tile_overlayer_lowered:
.L_overlay_start_2:
0x43: {  	(tag) =	ssettag $0x2  }
0x44: {  	s0 =	rddreg [dreg:$0x0];
	s2 =	stileid.u32  }
0x45: {  	s1 =	rddreg [dreg:$0x1];
	p0 =	sne.s32 s2, $0x0  }
0x46: {  	s3 =	rddreg [dreg:$0x2];
	[bflag:$0x3] =	sbarrier.arrive $0xFFFF;
	s2 =	simm.s32 @!p0 $0x1C03  }
0x47: {  	[timem:s3], [sflag:s2] =	dma.local @!p0 [hbm:s0], s1  }
0x48: {  	s0 =	simm.s32 @!p0 $0x3  }
0x49: {  	_ =	swait.ge @!p0 [sflag:s0], s1  }
0x4a: {  	s1 =	ssub.s32 @!p0 $0x0, s1;
	[sflag:s0] =	ssyncset.done @!p0 $0x0  }
0x4b: {  	[sflag:s0] =	ssyncadd.s32 @!p0 s1  }
0x4c: {  	[bflag:$0x3] =	sbarrier.arrive $0xFFFF  }
0x4d: {  	_ =	shalt  }

// kernel: kernel.20.cloned.1.call-start
scs
__scs_entry_jumppad:
0x0: {  	(pc) =	sbr.rel $0x88, $3  }
0x1: {  	(tag) =	ssettag $0x0;
	lr =	simm.s32 $0x1  }
0x2: {  	[smem:$0x3F9A] =	sst lr;
	_ =	strace $0xD0000000  }
0x3: {  	_ = 	snop  }
0x4: {  	_ = 	snop  }
0x5: {  	_ = 	snop  }
0x6: {  	_ = 	snop  }
0x7: {  	_ = 	snop  }
__scs_overlays_trampoline_lowered:
0x8: {  	[smem:$0x3FA9] =	sst s0  }
0x9: {  	[smem:$0x3FAA] =	sst s1  }
0xa: {  	[smem:$0x3FAB] =	sst s2  }
0xb: {  	[smem:$0x3FAC] =	sst s3  }
0xc: {  	[smem:$0x3FAD] =	sst s4  }
0xd: {  	[smem:$0x3FAE] =	sst s5  }
0xe: {  	[smem:$0x3FAF] =	sst s6  }
0xf: {  	[smem:$0x3FB0] =	sst s7  }
0x10: {  	[smem:$0x3FB1] =	sst s8  }
0x11: {  	[smem:$0x3FB2] =	sst s9;
	s0 =	simm.s32 @!p0 $0x0  }
0x12: {  	s1 =	sld [smem:$0x3F98];
	s0 =	simm.s32 @p0 $0x1  }
0x13: {  	[smem:$0x3FB3] =	sst s0;
	s0 =	simm.s32 @!p1 $0x0  }
0x14: {  	s2 =	sld [smem:$0x3F97];
	s0 =	simm.s32 @p1 $0x1  }
0x15: {  	[smem:$0x3FB4] =	sst s0;
	s0 =	simm.s32 @!p2 $0x0  }
0x16: {  	s3 =	sld [smem:$0x3FDB];
	s0 =	simm.s32 @p2 $0x1  }
0x17: {  	s4 =	simm.s32 $0x1BF5;
	[smem:$0x3FB6] =	sst s0  }
0x18: {  	s0 =	sld [smem:$0x3F99];
	_ =	swait.ge [sflag:s4], $0x0  }
0x19: {  	s7 =	sld [smem:$0x3F9A]  }
0x1a: {  	s8 =	sadd.s32 $0xFFFFE003, lr  }
0x1b: {  	s9 =	sadd.s32 $0xFFFFFEF7, lr;
	s5 =	simm.s32 $0xFFFFFFFF;
	p2 =	slt.u32 s8, $0xFFFFF086  }
0x1c: {  	p1 =	slt.u32 s9, $0xF7A;
	s5 =	simm.s32 @!p2 $0x0  }
0x1d: {  	s5 =	simm.s32 @p1 $0x1;
	p0 =	seq.s32 s7, s2  }
0x1e: {  	s7 =	smul.u32 @!p0 $0xF7A, s2;
	p2 =	seq.s32 @!p0 s5, $0x0  }
0x1f: {  	s9 =	smul.u32 $0xF7A, s1;
	s8 =	simm.s32 @!p0 $0x1BF5;
	p2 =	por !p2, p0  }
0x20: {  	[sflag:s8] =	ssyncset.s32 @!p0 $0xFFFFF086;
	s6 =	sadd.s32 @!p0 s3, s7;
	s7 =	simm.s32 @!p0 $0x108  }
0x21: {  	s3 =	sadd.s32 s3, s9;
	s6 =	sadd.s32 @!p0 $0x88, s6;
	s7 =	simm.s32 @p2 $0x1082  }
0x22: {  	[simem:s7], [sflag:s8] =	dma.local @!p0 [hbm:s6], $0xF7A  }
0x23: {  	s9 =	sor.u32 $0xD0000000, s2;
	s6 =	simm.s32 $0x108;
	_ =	swait.ge @!p0 [sflag:s8], $0x0  }
0x24: {  	s3 =	sadd.s32 $0x88, s3;
	s6 =	simm.s32 @!p1 $0x1082;
	[sflag:s4] =	ssyncset.s32 $0xFFFFF086  }
0x25: {  	[simem:s6], [sflag:s4] =	dma.local [hbm:s3], $0xF7A  }
0x26: {  	[smem:$0x3F9A] =	sst s1;
	(tag) =	ssettag s2;
	_ =	strace s9  }
0x27: {  	s1 =	sld [smem:$0x3FAA]  }
0x28: {  	s2 =	sld [smem:$0x3FAB]  }
0x29: {  	s4 =	sld [smem:$0x3FAD]  }
0x2a: {  	p0 =	seq.s32 s5, $0x0;
	s5 =	sld [smem:$0x3FAE]  }
0x2b: {  	s6 =	sld [smem:$0x3FAF]  }
0x2c: {  	s7 =	sld [smem:$0x3FB0]  }
0x2d: {  	s3 =	simm.s32 $0x108;
	s8 =	sld [smem:$0x3FB1]  }
0x2e: {  	s3 =	simm.s32 @!p0 $0x1082;
	s9 =	sld [smem:$0x3FB2]  }
0x2f: {  	lr =	sadd.s32 s0, s3;
	s0 =	sld [smem:$0x3FA9]  }
0x30: {  	s3 =	sld [smem:$0x3FAC]  }
0x31: {  	[smem:$0x3FB5] =	sst s10  }
0x32: {  	s10 =	sld [smem:$0x3FB3];
	_ =	sdelay $0x3  }
0x33: {  	p0 =	seq.s32 s10, $0x1;
	s10 =	sld [smem:$0x3FB5];
	_ =	sdelay $0x3  }
0x34: {  	[smem:$0x3FB5] =	sst s10  }
0x35: {  	s10 =	sld [smem:$0x3FB4];
	_ =	sdelay $0x3  }
0x36: {  	p1 =	seq.s32 s10, $0x1;
	s10 =	sld [smem:$0x3FB5];
	_ =	sdelay $0x3  }
0x37: {  	[smem:$0x3FB5] =	sst s10  }
0x38: {  	s10 =	sld [smem:$0x3FB6]  }
0x39: {  	_ = 	snop;
	(pc) =	sbr.ind lr, $3  }
0x3a: {  	_ = 	snop  }
0x3b: {  	_ = 	snop  }
0x3c: {  	p2 =	seq.s32 s10, $0x1;
	s10 =	sld [smem:$0x3FB5]  }
0x3d: {  	_ =	shalt  }
0x3e: {  	_ =	shalt  }
0x3f: {  	_ =	shalt  }
0x40: {  	_ =	shalt  }
0x41: {  	_ =	shalt  }
0x42: {  	_ =	shalt  }
0x43: {  	_ =	shalt  }
0x44: {  	_ =	shalt  }
0x45: {  	_ =	shalt  }
0x46: {  	_ =	shalt  }
0x47: {  	_ =	shalt  }
0x48: {  	_ =	shalt  }
0x49: {  	_ =	shalt  }
0x4a: {  	_ =	shalt  }
0x4b: {  	_ =	shalt  }
0x4c: {  	_ =	shalt  }
0x4d: {  	_ =	shalt  }
0x4e: {  	_ =	shalt  }
0x4f: {  	_ =	shalt  }
0x50: {  	_ =	shalt  }
0x51: {  	_ =	shalt  }
0x52: {  	_ =	shalt  }
0x53: {  	_ =	shalt  }
0x54: {  	_ =	shalt  }
0x55: {  	_ =	shalt  }
0x56: {  	_ =	shalt  }
0x57: {  	_ =	shalt  }
0x58: {  	_ =	shalt  }
0x59: {  	_ =	shalt  }
0x5a: {  	_ =	shalt  }
0x5b: {  	_ =	shalt  }
0x5c: {  	_ =	shalt  }
0x5d: {  	_ =	shalt  }
0x5e: {  	_ =	shalt  }
0x5f: {  	_ =	shalt  }
0x60: {  	_ =	shalt  }
0x61: {  	_ =	shalt  }
0x62: {  	_ =	shalt  }
0x63: {  	_ =	shalt  }
0x64: {  	_ =	shalt  }
0x65: {  	_ =	shalt  }
0x66: {  	_ =	shalt  }
0x67: {  	_ =	shalt  }
0x68: {  	_ =	shalt  }
0x69: {  	_ =	shalt  }
0x6a: {  	_ =	shalt  }
0x6b: {  	_ =	shalt  }
0x6c: {  	_ =	shalt  }
0x6d: {  	_ =	shalt  }
0x6e: {  	_ =	shalt  }
0x6f: {  	_ =	shalt  }
0x70: {  	_ =	shalt  }
0x71: {  	_ =	shalt  }
0x72: {  	_ =	shalt  }
0x73: {  	_ =	shalt  }
0x74: {  	_ =	shalt  }
0x75: {  	_ =	shalt  }
0x76: {  	_ =	shalt  }
0x77: {  	_ =	shalt  }
0x78: {  	_ =	shalt  }
0x79: {  	_ =	shalt  }
0x7a: {  	_ =	shalt  }
0x7b: {  	_ =	shalt  }
0x7c: {  	_ =	shalt  }
0x7d: {  	_ =	shalt  }
0x7e: {  	_ =	shalt  }
0x7f: {  	_ =	shalt  }
0x80: {  	_ =	shalt  }
0x81: {  	_ =	shalt  }
0x82: {  	_ =	shalt  }
0x83: {  	_ =	shalt  }
0x84: {  	_ =	shalt  }
0x85: {  	_ =	shalt  }
0x86: {  	_ =	shalt  }
0x87: {  	_ =	shalt  }
.Lfunc_end0:
.L_simem_size_0:
called_computation.3_lowered:
.L_overlay_start_0:
0x88: {  	s2 =	sld [smem:$0x3FD9]  }
0x89: {  	s3 =	sld [smem:$0x3FFE];
	_ =	sdelay $0x1  }
0x8a: {  	s1 =	srdreg.scid  }
0x8b: {  	s0 =	sand.u32 $0x1, s1  }
0x8c: {  	s17 =	sshll.u32 s0, $0xA;
	s2 =	sadd.s32 s3, s2  }
0x8d: {  	s2 =	sadd.s32 s2, s17  }
0x8e: {  	[smem:$0x3FC1] =	sst s2  }
0x8f: {  	_ = 	snop  }
0x90: {  	s18 =	sld [smem:$0x3FD0];
	(tm) =	ssettm $0x1  }
0x91: {  	s19 =	sld [smem:$0x3FFB];
	_ =	sdelay $0x3  }
0x92: {  	_ =	strace s19  }
0x93: {  	s2 =	sld [smem:$0x3FFC];
	_ =	sdelay $0x3  }
0x94: {  	_ =	strace s2  }
0x95: {  	s2 =	sld [smem:$0x3FFD];
	_ =	sdelay $0x3  }
0x96: {  	_ =	strace s2  }
0x97: {  	_ =	strace $0x8FFFFFFF  }
0x98: {  	s20 =	sld [smem:$0x3FDB];
	_ =	sdelay $0x1  }
0x99: {  	s4 =	simm.s32 $_scs_section_size  }
0x9a: {  	s5 =	simm.s32 $_size__tile_overlayer_lowered;
	s6 =	simm.s32 $_tile_overlayer_lowered  }
0x9b: {  	s7 =	simm.s32 $0x1BFF;
	s21 =	sshll.u32 s6, $0x1;
	s4 =	sadd.s32 s4, s20  }
0x9c: {  	s22 =	simm.s32 $0x0;
	s5 =	sshll.u32 s5, $0x1;
	s6 =	sadd.s32 s21, s4  }
0x9d: {  	[timem:s22], [sflag:s7] =	dma.local [hbm:s6], s5  }
0x9e: {  	_ =	swait.ge [sflag:s7], s5  }
0x9f: {  	s5 =	ssub.s32 $0x0, s5;
	[sflag:s7] =	ssyncset.done $0x0  }
0xa0: {  	[sflag:s7] =	ssyncadd.s32 s5;
	_ =	sdelay $0x1  }
0xa1: {  	s23 =	simm.s32 $0x1B8B  }
0xa2: {  	_ =	swait.ge [sflag:s23], $0x1  }
0xa3: {  	[sflag:s23] =	ssyncset.done $0x0  }
0xa4: {  	[sflag:s23] =	ssyncadd.s32 $0xFFFFFFFF  }
0xa5: {  	s5 =	sld [smem:$0x0]  }
0xa6: {  	s6 =	sand.u32 $0xFFFFFFFE, s1  }
0xa7: {  	p0 =	sne.s32 s1, s6  }
0xa8: {  	s6 =	sshll.u32 @p0 s6, $0xE  }
0xa9: {  	s6 =	sadd.s32 @p0 $0x11B8D, s6;
	s7 =	sshll.u32 @p0 s5, $0x11  }
0xaa: {  	s6 =	sor.u32 @p0 s7, s6  }
0xab: {  	[sflag:s6] =	ssyncadd.remote.s32 @p0 $0x1;
	_ =	sdelay $0x1  }
0xac: {  	s6 =	simm.s32 @p0 $0x1B8D  }
0xad: {  	_ =	swait.eq @p0 [sflag:s6], $0x1  }
0xae: {  	[sflag:s6] =	ssyncadd.s32 @p0 $0xFFFFFFFF  }
0xaf: {  	s7 =	sshll.u32 @!p0 s1, $0xE  }
0xb0: {  	s7 =	sor.u32 @!p0 $0x4000, s7;
	s6 =	simm.s32 @!p0 $0x1B8D  }
0xb1: {  	s5 =	sshll.u32 @!p0 s5, $0x11;
	s7 =	sadd.s32 @!p0 $0x11B8D, s7;
	_ =	swait.eq @!p0 [sflag:s6], $0x1  }
0xb2: {  	s5 =	sor.u32 @!p0 s5, s7;
	[sflag:s6] =	ssyncadd.s32 @!p0 $0xFFFFFFFF  }
0xb3: {  	s25 =	simm.s32 $0x1B8E;
	s24 =	sld [smem:$0x3FFE];
	[sflag:s5] =	ssyncadd.remote.s32 @!p0 $0x1  }
0xb4: {  	s26 =	simm.s32 $execute0_lowered;
	[smem:$0x3FD2] =	sst s25  }
0xb5: {  	s6 =	sshll.u32 s26, $0x1;
	_ =	strace $0x80000049;
	[dreg:$0x1] =	wrdreg $0xFFFFFFFF  }
0xb6: {  	s28 =	simm.s32 $_size_execute0_lowered;
	s4 =	sadd.s32 s4, s6;
	[dreg:$0x0] =	wrdreg $0x0  }
0xb7: {  	s6 =	sshll.u32 s28, $0x1;
	[dreg:$0x2] =	wrdreg s4  }
0xb8: {  	[dreg:$0x3] =	wrdreg s6  }
0xb9: {  	[dreg:$0x4] =	wrdreg $0xC0  }
0xba: {  	_ =	task [dreg:s22], $0x5FFFF  }
0xbb: {  	[dreg:$0x1] =	wrdreg $0xFFFFFFFF  }
0xbc: {  	[dreg:$0x0] =	wrdreg $0x60  }
0xbd: {  	[dreg:$0x2] =	wrdreg s24  }
0xbe: {  	[dreg:$0x3] =	wrdreg s18  }
0xbf: {  	[dreg:$0x4] =	wrdreg $0xC  }
0xc0: {  	_ =	task.clear_ibuf [dreg:s22], $0x5FFFF;
	_ =	strace $0x90000049  }
0xc1: {  	s29 =	simm.s32 $0xC;
	_ =	strace $0x8000004B  }
0xc2: {  	_ =	swait.ge [sflag:s29], $0x1  }
0xc3: {  	[sflag:s29] =	ssyncadd.s32 $0xFFFFFFFF  }
0xc4: {  	_ =	strace $0x9000004B  }
0xc5: {  	_ =	sfence  }
0xc6: {  	s30 =	sld [smem:$0x0];
	_ =	sdelay $0x2  }
0xc7: {  	s31 =	sshll.u32 s1, $0xD;
	s1 =	sshrl.u32 s1, $0x2  }
0xc8: {  	s4 =	sand.u32 $0x4000, s31;
	s1 =	sadd.s32 s1, s30  }
0xc9: {  	s0 =	sor.u32 s4, s0;
	s1 =	sshll.u32 s1, $0x11  }
0xca: {  	s0 =	sor.u32 s1, s0  }
0xcb: {  	s0 =	sadd.s32 $0x8F2B, s0  }
0xcc: {  	[sflag:s0] =	ssyncadd.remote.s32 $0x1  }
0xcd: {  	_ =	sfence.sel $0xFFFF  }
0xce: {  	[dreg:$0x0] =	wrdreg $0xFFFFFFFF;
	(pc) =	sbr.abs _section_cstart, $3  }
0xcf: {  	[dreg:$0x1] =	wrdreg $0xFFFFFFFF  }
0xd0: {  	_ =	task.clear_ibuf [dreg:s22], $0x2FFFF;
	_ =	strace $0x9FFFFFFF  }
0xd1: {  	(tm) =	ssettm $0x7FFFFFFF  }
tec
execute0_lowered:
.L_overlay_start_1:
0x0: {  	(tag) =	ssettag $0x1  }
0x1: {  	s1 =	srdreg.scid  }
0x2: {  	s0 =	stileid.u32;
	s13 =	sand.u32 $0x1, s1  }
0x3: {  	s30 =	sshll.u32 s0, $0xA;
	s2 =	sshll.u32 s13, $0x9  }
0x4: {  	s5 =	rddreg [dreg:$0x0];
	s15 =	sor.u32 s2, s30  }
0x5: {  	s14 =	rddreg [dreg:$0x1];
	s2 =	simm.s32 $0x0;
	s3 =	sshrl.u32 s15, $0x3  }
0x6: {  	s4 =	simm.s32 $0x1;
	[smem:$0x7FF] =	sst s2;
	s3 =	sadd.s32 s3, s5  }
0x7: {  	s1 =	rddreg [dreg:$0x2];
	_ =	strace $0x8000004A;
	s3 =	sadd.s32 $0x64C00, s3  }
0x8: {  	[tilespmem:s2], [sflag:$0x1] =	stream.linear.gather [hbm4b:s3+s2], $0x200, $0x38;
	[tilespmem:$0x4200] =	vst v63  }
0x9: {  	_ =	swait.ge [sflag:s4], $0x200  }
0xa: {  	s6 =	simm.s32 $0x80;
	[sflag:s4] =	ssyncset.done $0x0  }
0xb: {  	s7 =	simm.s32 $0x200;
	s5 =	sadd.s32 $0x79C00, s5;
	[sflag:s4] =	ssyncadd.s32 $0xFFFFFE00  }
0xc: {  	[tilespmem:s7], [sflag:$0x1] =	stream.indirect.gather [hbm4b:s5+s6], $0x20, s2, s6, $0xb8;
	[tilespmem:$0x4200] =	vst v63  }
0xd: {  	s8 =	simm.s32 $0x1200  }
0xe: {  	[tilespmem:s8], [sflag:$0x1] =	stream.indirect.gather [hbm4b:s5+s6], $0x20, s6, s6, $0xb8;
	[tilespmem:$0x4200] =	vst v63  }
0xf: {  	s9 =	simm.s32 $0x100;
	s10 =	simm.s32 $0x2200  }
0x10: {  	[tilespmem:s10], [sflag:$0x1] =	stream.indirect.gather [hbm4b:s5+s6], $0x20, s9, s6, $0xb8;
	[tilespmem:$0x4200] =	vst v63  }
0x11: {  	s11 =	simm.s32 $0x180;
	s12 =	simm.s32 $0x3200  }
0x12: {  	[tilespmem:s12], [sflag:$0x1] =	stream.indirect.gather [hbm4b:s5+s6], $0x20, s11, s6, $0xb8;
	[tilespmem:$0x4200] =	vst v63  }
0x13: {  	_ =	swait.ge [sflag:s4], $0x1000  }
0x14: {  	[sflag:s4] =	ssyncset.done $0x0  }
0x15: {  	[sflag:s4] =	ssyncadd.s32 $0xFFFFF000  }
0x16: {  	_ =	swait.ge [sflag:s4], $0x1000  }
0x17: {  	[sflag:s4] =	ssyncset.done $0x0  }
0x18: {  	s13 =	ssub.s32 $0x2, s13;
	[sflag:s4] =	ssyncadd.s32 $0xFFFFF000  }
0x19: {  	s16 =	sshrl.u32 s13, $0x1;
	_ =	swait.ge [sflag:s4], $0x1000  }
0x1a: {  	s16 =	ssub.s32 s13, s16;
	[sflag:s4] =	ssyncset.done $0x0  }
0x1b: {  	s31 =	smax.u32 s16, $0x1;
	[sflag:s4] =	ssyncadd.s32 $0xFFFFF000  }
0x1c: {  	p0 =	sne.s32 s31, $0x1;
	_ =	swait.ge [sflag:s4], $0x1000  }
.Ltmp0:
0x1d: {  	s15 =	sshll.u32 s15, $0x2;
	[sflag:s4] =	ssyncset.done $0x0;
	(pc) =	sbr.rel @!p0 .LBB2_2-.Ltmp0, $4  }
0x1e: {  	s13 =	sadd.s32 s14, s15;
	s14 =	simm.s32 $0x2;
	[sflag:s4] =	ssyncadd.s32 $0xFFFFF000  }
0x1f: {  	[hbm4b:s13+s2] =	stream.linear.scatter [tilespmem:s7], [sflag:$0x2], $0x4000, $0x38;
	[tilespmem:$0x4200] =	vst v63  }
0x20: {  	_ =	swait.ge [sflag:s14], $0x4000  }
0x21: {  	s15 =	sadd.s32 $0xFFFFFFFF, s31;
	[sflag:s14] =	ssyncset.done $0x0  }
.LBB2_1:
0x22: {  	p0 =	sne.s32 s15, $0x1;
	s15 =	sadd.s32 $0xFFFFFFFF, s15;
	[sflag:s14] =	ssyncadd.s32 $0xFFFFC000  }
0x23: {  	[tilespmem:s2], [sflag:$0x1] =	stream.linear.gather [hbm4b:s3+s2], $0x200, $0x38;
	[tilespmem:$0x4200] =	vst v63  }
0x24: {  	_ =	swait.ge [sflag:s4], $0x200  }
0x25: {  	[sflag:s4] =	ssyncset.done $0x0  }
0x26: {  	[sflag:s4] =	ssyncadd.s32 $0xFFFFFE00  }
0x27: {  	[tilespmem:s7], [sflag:$0x1] =	stream.indirect.gather [hbm4b:s5+s6], $0x20, s2, s6, $0xb8;
	[tilespmem:$0x4200] =	vst v63  }
0x28: {  	_ = 	snop  }
0x29: {  	[tilespmem:s8], [sflag:$0x1] =	stream.indirect.gather [hbm4b:s5+s6], $0x20, s6, s6, $0xb8;
	[tilespmem:$0x4200] =	vst v63  }
0x2a: {  	_ = 	snop  }
0x2b: {  	[tilespmem:s10], [sflag:$0x1] =	stream.indirect.gather [hbm4b:s5+s6], $0x20, s9, s6, $0xb8;
	[tilespmem:$0x4200] =	vst v63  }
0x2c: {  	_ = 	snop  }
0x2d: {  	[tilespmem:s12], [sflag:$0x1] =	stream.indirect.gather [hbm4b:s5+s6], $0x20, s11, s6, $0xb8;
	[tilespmem:$0x4200] =	vst v63  }
0x2e: {  	_ =	swait.ge [sflag:s4], $0x1000  }
0x2f: {  	[sflag:s4] =	ssyncset.done $0x0  }
0x30: {  	[sflag:s4] =	ssyncadd.s32 $0xFFFFF000  }
0x31: {  	_ =	swait.ge [sflag:s4], $0x1000  }
0x32: {  	[sflag:s4] =	ssyncset.done $0x0  }
0x33: {  	[sflag:s4] =	ssyncadd.s32 $0xFFFFF000  }
0x34: {  	_ =	swait.ge [sflag:s4], $0x1000  }
0x35: {  	[sflag:s4] =	ssyncset.done $0x0  }
0x36: {  	[sflag:s4] =	ssyncadd.s32 $0xFFFFF000  }
0x37: {  	_ =	swait.ge [sflag:s4], $0x1000  }
.Ltmp1:
0x38: {  	[sflag:s4] =	ssyncset.done $0x0;
	(pc) =	sbr.rel @p0 .LBB2_1-.Ltmp1, $4  }
0x39: {  	[sflag:s4] =	ssyncadd.s32 $0xFFFFF000  }
0x3a: {  	[hbm4b:s13+s2] =	stream.linear.scatter [tilespmem:s7], [sflag:$0x2], $0x4000, $0x38;
	[tilespmem:$0x4200] =	vst v63  }
0x3b: {  	_ =	swait.ge [sflag:s14], $0x4000  }
0x3c: {  	[sflag:s14] =	ssyncset.done $0x0  }
.LBB2_2:
0x3d: {  	[sflag:s14] =	ssyncadd.s32 $0xFFFFC000  }
0x3e: {  	_ =	sfence.sel $0x180000  }
0x3f: {  	[bflag:$0x0] =	sbarrier.arrive $0xFFFF  }
0x40: {  	p0 =	sne.s32 s0, $0x0;
	_ =	strace $0x9000004A  }
0x41: {  	s0 =	sadd.s32 @!p0 $0x100000, s1;
	[bflag:$0x2] =	sbarrier.arrive $0xFFFF  }
0x42: {  	[sflag:s0] =	ssyncadd.tile.s32 @!p0 $0x1;
	_ =	shalt  }
.Lfunc_end2:
_tile_overlayer_lowered:
.L_overlay_start_2:
0x43: {  	(tag) =	ssettag $0x2  }
0x44: {  	s0 =	rddreg [dreg:$0x0];
	s2 =	stileid.u32  }
0x45: {  	s1 =	rddreg [dreg:$0x1];
	p0 =	sne.s32 s2, $0x0  }
0x46: {  	s3 =	rddreg [dreg:$0x2];
	[bflag:$0x3] =	sbarrier.arrive $0xFFFF;
	s2 =	simm.s32 @!p0 $0x1C03  }
0x47: {  	[timem:s3], [sflag:s2] =	dma.local @!p0 [hbm:s0], s1  }
0x48: {  	s0 =	simm.s32 @!p0 $0x3  }
0x49: {  	_ =	swait.ge @!p0 [sflag:s0], s1  }
0x4a: {  	s1 =	ssub.s32 @!p0 $0x0, s1;
	[sflag:s0] =	ssyncset.done @!p0 $0x0  }
0x4b: {  	[sflag:s0] =	ssyncadd.s32 @!p0 s1  }
0x4c: {  	[bflag:$0x3] =	sbarrier.arrive $0xFFFF  }
0x4d: {  	_ =	shalt  }

</sc_bundles>
